<compile_context>
chip_gen: v7x
topology: tpu7x:2x2x1
jax: 0.10.2.dev20260603
libtpu: 0.0.44.dev20260713+nightly
codegen_flags: <defaults>
</compile_context>

<pallas_src>
import functools

import jax
import jax.numpy as jnp
from jax import lax
from jax.experimental import pallas as pl
from jax.experimental.pallas import tpu as pltpu
from jax.experimental.pallas import tpu_sc as plsc

N = 10000
E = 320000
D = 128
DE = 16

NC = 2
NS = 16
NW = NC * NS
CH = 80
KPW = 64
NBUF_G = 4
NBUF_S = 4
EPW = CH * KPW
EH = EPW * NW
EP = 2 * EH
PAD = EP - E
E1 = E - EH
NPAD = 10240
SLAB = NPAD // NS
YSLAB = 632
YLAST = N - 15 * YSLAB

_SQRT_HALF = 0.7071067811865476


def _gelu(t):
    return t * 0.5 * (1.0 + lax.erf(t * _SQRT_HALF))


@functools.lru_cache(maxsize=None)
def _sc_kernels():
    mesh = plsc.VectorSubcoreMesh(
        core_axis_name="c", subcore_axis_name="s", num_cores=NC, num_subcores=NS
    )

    @functools.partial(
        pl.kernel,
        out_type=jax.ShapeDtypeStruct((EH, D), jnp.float32),
        mesh=mesh,
        scratch_types=[
            pltpu.VMEM((KPW, CH), jnp.int32),
            [pltpu.VMEM((CH, D), jnp.float32)] * NBUF_G,
            pltpu.VMEM_SHARED((N, D), jnp.float32),
            pltpu.SemaphoreType.DMA,
            pltpu.SemaphoreType.DMA,
        ],
    )
    def sc_gather(y_hbm, src3d_hbm, g_hbm, idx_v, rows, ytab, gsem, osem):
        c = lax.axis_index("c")
        s = lax.axis_index("s")
        wid = s * NC + c

        @pl.when(s < NS - 1)
        def _():
            pltpu.sync_copy(
                y_hbm.at[pl.ds(s * YSLAB, YSLAB)], ytab.at[pl.ds(s * YSLAB, YSLAB)]
            )

        @pl.when(s == NS - 1)
        def _():
            pltpu.sync_copy(
                y_hbm.at[pl.ds(15 * YSLAB, YLAST)], ytab.at[pl.ds(15 * YSLAB, YLAST)]
            )

        pltpu.sync_copy(src3d_hbm.at[wid], idx_v)
        plsc.subcore_barrier()
        base = wid * EPW

        def body(gi, carry):
            j = gi * NBUF_G

            @pl.when(gi > 0)
            def _():
                for b in range(NBUF_G):
                    pltpu.make_async_copy(
                        rows[b], g_hbm.at[pl.ds(base, CH)], osem
                    ).wait()

            for b in range(NBUF_G):
                pltpu.async_copy(ytab.at[idx_v.at[j + b]], rows[b], gsem)
            for b in range(NBUF_G):
                pltpu.make_async_copy(ytab.at[idx_v.at[j + b]], rows[b], gsem).wait()
            for b in range(NBUF_G):
                pltpu.async_copy(
                    rows[b], g_hbm.at[pl.ds(base + (j + b) * CH, CH)], osem
                )
            return carry

        lax.fori_loop(0, KPW // NBUF_G, body, 0)
        for b in range(NBUF_G):
            pltpu.make_async_copy(rows[b], g_hbm.at[pl.ds(base, CH)], osem).wait()

    @functools.partial(
        pl.kernel,
        out_type=jax.ShapeDtypeStruct((NC, NPAD, D), jnp.float32),
        mesh=mesh,
        scratch_types=[
            pltpu.VMEM((KPW, CH), jnp.int32),
            [pltpu.VMEM((CH, D), jnp.float32)] * NBUF_S,
            pltpu.VMEM_SHARED((NPAD, D), jnp.float32),
            pltpu.SemaphoreType.DMA,
            pltpu.SemaphoreType.DMA,
        ],
    )
    def sc_scatter(m_hbm, tgt3d_hbm, init_hbm, p_hbm, idx_v, bufs, agg, lsem, ssem):
        c = lax.axis_index("c")
        s = lax.axis_index("s")
        wid = s * NC + c
        pltpu.sync_copy(
            init_hbm.at[c, pl.ds(s * SLAB, SLAB)], agg.at[pl.ds(s * SLAB, SLAB)]
        )
        pltpu.sync_copy(tgt3d_hbm.at[wid], idx_v)
        plsc.subcore_barrier()
        base = wid * EPW

        def body(gi, carry):
            j = gi * NBUF_S

            @pl.when(gi > 0)
            def _():
                for b in range(NBUF_S):
                    pltpu.make_async_copy(
                        bufs[b], agg.at[idx_v.at[j + b]], ssem
                    ).wait()

            for b in range(NBUF_S):
                pltpu.async_copy(
                    m_hbm.at[pl.ds(base + (j + b) * CH, CH)], bufs[b], lsem
                )
            for b in range(NBUF_S):
                pltpu.make_async_copy(
                    m_hbm.at[pl.ds(base + (j + b) * CH, CH)], bufs[b], lsem
                ).wait()
            for b in range(NBUF_S):
                pltpu.async_copy(bufs[b], agg.at[idx_v.at[j + b]], ssem, add=True)
            return carry

        lax.fori_loop(0, KPW // NBUF_S, body, 0)
        for b in range(NBUF_S):
            pltpu.make_async_copy(bufs[b], agg.at[idx_v.at[b]], ssem).wait()
        plsc.subcore_barrier()
        pltpu.sync_copy(agg.at[pl.ds(s * SLAB, SLAB)], p_hbm.at[c, pl.ds(s * SLAB, SLAB)])

    return sc_gather, sc_scatter


def _y_body(x_ref, w1_ref, y_ref, z_ref):
    y_ref[...] = jnp.dot(x_ref[...], w1_ref[...], preferred_element_type=jnp.float32)
    z_ref[...] = jnp.zeros((NC, NPAD, D), jnp.float32)


_y_call = pl.pallas_call(
    _y_body,
    out_shape=(
        jax.ShapeDtypeStruct((N, D), jnp.float32),
        jax.ShapeDtypeStruct((NC, NPAD, D), jnp.float32),
    ),
)

_MB = 2560


_TANH_C = 0.7978845608028654


def _gelu_tanh(t):
    return 0.5 * t * (1.0 + jnp.tanh(_TANH_C * (t + 0.044715 * t * t * t)))


def _msg_body(g_ref, eft_ref, w2_ref, b_ref, m_ref):
    z = lax.dot_general(
        eft_ref[...], w2_ref[...], (((0,), (0,)), ((), ())),
        preferred_element_type=jnp.float32,
    )
    m_ref[...] = _gelu_tanh(g_ref[...] + z + b_ref[...])


def _make_msg_call(nblocks, ef_block_off):
    return pl.pallas_call(
        _msg_body,
        grid=(nblocks,),
        in_specs=[
            pl.BlockSpec((_MB, D), lambda i: (i, 0)),
            pl.BlockSpec((DE, _MB), lambda i: (0, i + ef_block_off)),
            pl.BlockSpec((DE, D), lambda i: (0, 0)),
            pl.BlockSpec((1, D), lambda i: (0, 0)),
        ],
        out_specs=pl.BlockSpec((_MB, D), lambda i: (i, 0)),
        out_shape=jax.ShapeDtypeStruct((EH, D), jnp.float32),
    )


_msg_call0 = _make_msg_call(EH // _MB, 0)
_msg_call1 = _make_msg_call(E1 // _MB, EH // _MB)

_OB = 2000


def _out_body(x_ref, p0_ref, p1_ref, wu_ref, bu_ref, eps_ref, o_ref):
    h = x_ref[...] * (1.0 + eps_ref[0, 0]) + p0_ref[0] + p1_ref[0]
    o_ref[...] = _gelu(jnp.dot(h, wu_ref[...], preferred_element_type=jnp.float32) + bu_ref[...])


_out_call = pl.pallas_call(
    _out_body,
    grid=(N // _OB,),
    in_specs=[
        pl.BlockSpec((_OB, D), lambda i: (i, 0)),
        pl.BlockSpec((1, _OB, D), lambda i: (0, i, 0)),
        pl.BlockSpec((1, _OB, D), lambda i: (1, i, 0)),
        pl.BlockSpec((D, D), lambda i: (0, 0)),
        pl.BlockSpec((1, D), lambda i: (0, 0)),
        pl.BlockSpec((1, 1), lambda i: (0, 0)),
    ],
    out_specs=pl.BlockSpec((_OB, D), lambda i: (i, 0)),
    out_shape=jax.ShapeDtypeStruct((N, D), jnp.float32),
)


def kernel(node_features, edge_index, edge_features, W_msg, b_msg, W_upd, b_upd, eps):
    src = edge_index[0]
    tgt = edge_index[1]
    pad_i = jnp.arange(PAD, dtype=jnp.int32)
    src_p = jnp.concatenate([src, pad_i % N]).reshape(2, NW, KPW, CH)
    tgt_p = jnp.concatenate([tgt, N + pad_i % (NPAD - N)]).reshape(2, NW, KPW, CH)

    sc_gather, sc_scatter = _sc_kernels()
    Y, Zimg = _y_call(node_features, W_msg[:D])
    W2 = W_msg[D:]
    bm = b_msg.reshape(1, D)
    G0 = sc_gather(Y, src_p[0])
    G1 = sc_gather(Y, src_p[1])
    ef_t = edge_features.T
    M0 = _msg_call0(G0, ef_t, W2, bm)
    M1 = _msg_call1(G1, ef_t, W2, bm)
    Pm = sc_scatter(M0, tgt_p[0], Zimg)
    P = sc_scatter(M1, tgt_p[1], Pm)
    out = _out_call(
        node_features,
        P,
        P,
        W_upd,
        b_upd.reshape(1, D),
        eps.reshape(1, 1),
    )
    return out

# --- scband reference (transcript-rebuilt; emitter-appended) ---
"""Pipeline reference for scband-mpnnlayer-21088289423715 (READ-ONLY COPY).

The authoritative reference and input builder live on the scoring server;
editing this copy changes nothing except your own understanding.
"""

import jax, jax.numpy as jnp
import numpy as np

N = 10000
E = 320000
D = 128
DE = 16

def setup_inputs(seed: int = 0) -> dict:
    key = jax.random.key(seed)
    ks = jax.random.split(key, 8)
    node_features = jax.random.normal(ks[0], (N, D), dtype=jnp.float32)
    edge_index = jax.random.randint(ks[1], (2, E), 0, N, dtype=jnp.int32)
    edge_features = jax.random.normal(ks[2], (E, DE), dtype=jnp.float32)
    W_msg = jax.random.normal(ks[3], (D + DE, D), dtype=jnp.float32) / np.sqrt(D + DE)
    b_msg = jnp.zeros((D,), dtype=jnp.float32)
    W_upd = jax.random.normal(ks[4], (D, D), dtype=jnp.float32) / np.sqrt(D)
    b_upd = jnp.zeros((D,), dtype=jnp.float32)
    eps = jnp.zeros((1,), dtype=jnp.float32)
    return {"node_features": node_features, "edge_index": edge_index, "edge_features": edge_features,
            "W_msg": W_msg, "b_msg": b_msg, "W_upd": W_upd, "b_upd": b_upd, "eps": eps}

def reference(node_features, edge_index, edge_features, W_msg, b_msg, W_upd, b_upd, eps):
    src = edge_index[0]
    tgt = edge_index[1]
    src_feats = jnp.take(node_features, src, axis=0)
    m_in = jnp.concatenate([src_feats, edge_features], axis=-1)
    messages = jax.nn.gelu(m_in @ W_msg + b_msg, approximate=False)
    agg = jnp.zeros_like(node_features).at[tgt].add(messages)
    out = jax.nn.gelu(((1.0 + eps) * node_features + agg) @ W_upd + b_upd, approximate=False)
    return out

if __name__ == "__main__":
    import jax
    _d = setup_inputs()
    print(jax.jit(kernel)(*tuple(_d.values())))

</pallas_src>

<mosaic_0001>
#map = affine_map<(d0, d1) -> (0, 0)>
#map1 = affine_map<(d0, d1) -> (0, 0, 0)>
module attributes {stable_mosaic.version = 14 : i64} {
  func.func @sc_gather(%arg0: i32, %arg1: i32, %arg2: memref<10000x128xf32, #tpu.memory_space<hbm>>, %arg3: memref<32x64x80xi32, #tpu.memory_space<hbm>>, %arg4: memref<163840x128xf32, #tpu.memory_space<hbm>>, %arg5: memref<64x80xi32, #tpu.memory_space<vmem>>, %arg6: memref<80x128xf32, #tpu.memory_space<vmem>>, %arg7: memref<80x128xf32, #tpu.memory_space<vmem>>, %arg8: memref<80x128xf32, #tpu.memory_space<vmem>>, %arg9: memref<80x128xf32, #tpu.memory_space<vmem>>, %arg10: memref<10000x128xf32, #tpu.memory_space<vmem_shared>>, %arg11: memref<!tpu.dma_semaphore, #tpu.memory_space<semaphore_mem>>, %arg12: memref<!tpu.dma_semaphore, #tpu.memory_space<semaphore_mem>>) attributes {dimension_semantics = [#tpu.dimension_semantics<core_parallel>, #tpu.dimension_semantics<subcore_parallel>], iteration_bounds = array<i64: 2, 16>, scalar_prefetch = 0 : i64, scratch_operands = 8 : i64, tpu.core_type = #tpu.core_type<sc_vector_subcore>, window_params = [{transform_indices = #map}, {transform_indices = #map1}, {transform_indices = #map}]} {
    %mul3A = arith.constant 2 : i32
    %mul3A_0 = arith.muli %arg1, %mul3A : i32
    %add3A = arith.addi %mul3A_0, %arg0 : i32
    %lt3A = arith.constant 15 : i32
    %lt3A_1 = arith.cmpi slt, %arg1, %lt3A : i32
    %convert_element_type3A = arith.extui %lt3A_1 : i1 to i32
    %cond3A = arith.constant 0 : i32
    %cond3A_2 = arith.cmpi ne, %convert_element_type3A, %cond3A : i32
    scf.if %cond3A_2 {
      %mul3A_29 = arith.constant 632 : i32
      %mul3A_30 = arith.muli %arg1, %mul3A_29 : i32
      %mul3A_31 = arith.constant 632 : i32
      %mul3A_32 = arith.muli %arg1, %mul3A_31 : i32
      "tpu.region"() ({
        %run_scoped3A = tpu.sem_alloc : memref<!tpu.dma_semaphore, #tpu.memory_space<semaphore_mem>>
        %dma_start3A = arith.constant 0 : i32
        %dma_start3A_33 = tpu.memref_slice %arg10[%mul3A_32, %dma_start3A] : memref<10000x128xf32, #tpu.memory_space<vmem_shared>> -> memref<632x128xf32, #tpu.memory_space<vmem_shared>>
        %dma_start3A_34 = arith.constant 0 : i32
        %dma_start3A_35 = tpu.memref_slice %arg2[%mul3A_30, %dma_start3A_34] : memref<10000x128xf32, #tpu.memory_space<hbm>> -> memref<632x128xf32, #tpu.memory_space<hbm>>
        tpu.enqueue_dma source(%dma_start3A_35 : memref<632x128xf32, #tpu.memory_space<hbm>>) target(%dma_start3A_33 : memref<632x128xf32, #tpu.memory_space<vmem_shared>>) target_semaphore(%run_scoped3A : memref<!tpu.dma_semaphore, #tpu.memory_space<semaphore_mem>>)
        %dma_wait3A_36 = arith.constant 0 : i32
        %dma_wait3A_37 = tpu.memref_slice %arg10[%mul3A_32, %dma_wait3A_36] : memref<10000x128xf32, #tpu.memory_space<vmem_shared>> -> memref<632x128xf32, #tpu.memory_space<vmem_shared>>
        %dma_wait3A_38 = arith.constant 0 : i32
        %dma_wait3A_39 = tpu.memref_slice %arg2[%mul3A_30, %dma_wait3A_38] : memref<10000x128xf32, #tpu.memory_space<hbm>> -> memref<632x128xf32, #tpu.memory_space<hbm>>
        tpu.wait_dma2 semaphore(%run_scoped3A : memref<!tpu.dma_semaphore, #tpu.memory_space<semaphore_mem>>) src(%dma_wait3A_39 : memref<632x128xf32, #tpu.memory_space<hbm>>) dst(%dma_wait3A_37 : memref<632x128xf32, #tpu.memory_space<vmem_shared>>)
        tpu.yield
      }) : () -> ()
    } else {
    }
    %eq3A = arith.constant 15 : i32
    %eq3A_3 = arith.cmpi eq, %arg1, %eq3A : i32
    %convert_element_type3A_4 = arith.extui %eq3A_3 : i1 to i32
    %cond3A_5 = arith.constant 0 : i32
    %cond3A_6 = arith.cmpi ne, %convert_element_type3A_4, %cond3A_5 : i32
    scf.if %cond3A_6 {
      "tpu.region"() ({
        %run_scoped3A = tpu.sem_alloc : memref<!tpu.dma_semaphore, #tpu.memory_space<semaphore_mem>>
        %dma_start3A = arith.constant 9480 : i32
        %dma_start3A_29 = arith.constant 0 : i32
        %dma_start3A_30 = tpu.memref_slice %arg10[%dma_start3A, %dma_start3A_29] : memref<10000x128xf32, #tpu.memory_space<vmem_shared>> -> memref<520x128xf32, #tpu.memory_space<vmem_shared>>
        %dma_start3A_31 = arith.constant 9480 : i32
        %dma_start3A_32 = arith.constant 0 : i32
        %dma_start3A_33 = tpu.memref_slice %arg2[%dma_start3A_31, %dma_start3A_32] : memref<10000x128xf32, #tpu.memory_space<hbm>> -> memref<520x128xf32, #tpu.memory_space<hbm>>
        tpu.enqueue_dma source(%dma_start3A_33 : memref<520x128xf32, #tpu.memory_space<hbm>>) target(%dma_start3A_30 : memref<520x128xf32, #tpu.memory_space<vmem_shared>>) target_semaphore(%run_scoped3A : memref<!tpu.dma_semaphore, #tpu.memory_space<semaphore_mem>>)
        %dma_wait3A_34 = arith.constant 9480 : i32
        %dma_wait3A_35 = arith.constant 0 : i32
        %dma_wait3A_36 = tpu.memref_slice %arg10[%dma_wait3A_34, %dma_wait3A_35] : memref<10000x128xf32, #tpu.memory_space<vmem_shared>> -> memref<520x128xf32, #tpu.memory_space<vmem_shared>>
        %dma_wait3A_37 = arith.constant 9480 : i32
        %dma_wait3A_38 = arith.constant 0 : i32
        %dma_wait3A_39 = tpu.memref_slice %arg2[%dma_wait3A_37, %dma_wait3A_38] : memref<10000x128xf32, #tpu.memory_space<hbm>> -> memref<520x128xf32, #tpu.memory_space<hbm>>
        tpu.wait_dma2 semaphore(%run_scoped3A : memref<!tpu.dma_semaphore, #tpu.memory_space<semaphore_mem>>) src(%dma_wait3A_39 : memref<520x128xf32, #tpu.memory_space<hbm>>) dst(%dma_wait3A_36 : memref<520x128xf32, #tpu.memory_space<vmem_shared>>)
        tpu.yield
      }) : () -> ()
    } else {
    }
    "tpu.region"() ({
      %run_scoped3A = tpu.sem_alloc : memref<!tpu.dma_semaphore, #tpu.memory_space<semaphore_mem>>
      %dma_start3A = arith.constant 0 : i32
      %dma_start3A_29 = arith.constant 0 : i32
      %dma_start3A_30 = tpu.memref_slice %arg3[%add3A, %dma_start3A, %dma_start3A_29] : memref<32x64x80xi32, #tpu.memory_space<hbm>> -> memref<1x64x80xi32, #tpu.memory_space<hbm>>
      %dma_start3A_31 = tpu.memref_squeeze %dma_start3A_30 : memref<1x64x80xi32, #tpu.memory_space<hbm>> -> memref<64x80xi32, #tpu.memory_space<hbm>>
      %dma_start3A_32 = arith.constant 0 : i32
      %dma_start3A_33 = arith.constant 0 : i32
      %dma_start3A_34 = tpu.memref_slice %arg3[%add3A, %dma_start3A_32, %dma_start3A_33] : memref<32x64x80xi32, #tpu.memory_space<hbm>> -> memref<1x64x80xi32, #tpu.memory_space<hbm>>
      %dma_start3A_35 = tpu.memref_squeeze %dma_start3A_34 : memref<1x64x80xi32, #tpu.memory_space<hbm>> -> memref<64x80xi32, #tpu.memory_space<hbm>>
      tpu.enqueue_dma source(%dma_start3A_35 : memref<64x80xi32, #tpu.memory_space<hbm>>) target(%arg5 : memref<64x80xi32, #tpu.memory_space<vmem>>) target_semaphore(%run_scoped3A : memref<!tpu.dma_semaphore, #tpu.memory_space<semaphore_mem>>)
      %dma_wait3A_36 = arith.constant 0 : i32
      %dma_wait3A_37 = arith.constant 0 : i32
      %dma_wait3A_38 = tpu.memref_slice %arg3[%add3A, %dma_wait3A_36, %dma_wait3A_37] : memref<32x64x80xi32, #tpu.memory_space<hbm>> -> memref<1x64x80xi32, #tpu.memory_space<hbm>>
      %dma_wait3A_39 = tpu.memref_squeeze %dma_wait3A_38 : memref<1x64x80xi32, #tpu.memory_space<hbm>> -> memref<64x80xi32, #tpu.memory_space<hbm>>
      %dma_wait3A_40 = arith.constant 0 : i32
      %dma_wait3A_41 = arith.constant 0 : i32
      %dma_wait3A_42 = tpu.memref_slice %arg3[%add3A, %dma_wait3A_40, %dma_wait3A_41] : memref<32x64x80xi32, #tpu.memory_space<hbm>> -> memref<1x64x80xi32, #tpu.memory_space<hbm>>
      %dma_wait3A_43 = tpu.memref_squeeze %dma_wait3A_42 : memref<1x64x80xi32, #tpu.memory_space<hbm>> -> memref<64x80xi32, #tpu.memory_space<hbm>>
      tpu.wait_dma2 semaphore(%run_scoped3A : memref<!tpu.dma_semaphore, #tpu.memory_space<semaphore_mem>>) src(%dma_wait3A_43 : memref<64x80xi32, #tpu.memory_space<hbm>>) dst(%arg5 : memref<64x80xi32, #tpu.memory_space<vmem>>)
      tpu.yield
    }) : () -> ()
    %barrier3A = arith.constant 0 : index
    tpu.barrier barrier_id(%barrier3A)
    %mul3A_7 = arith.constant 5120 : i32
    %mul3A_8 = arith.muli %add3A, %mul3A_7 : i32
    %scan3A = arith.constant 0 : i32
    %scan3A_9 = arith.constant 0 : i32
    %scan3A_10 = arith.constant 16 : i32
    %scan3A_11 = arith.addi %scan3A_9, %scan3A_10 : i32
    %scan3A_12 = arith.constant 1 : i32
    scf.for %scan3A_29 = %scan3A_9 to %scan3A_11 step %scan3A_12  : i32 {
      %mul3A_30 = arith.constant 4 : i32
      %mul3A_31 = arith.muli %scan3A_29, %mul3A_30 : i32
      %gt3A = arith.constant 0 : i32
      %gt3A_32 = arith.cmpi sgt, %scan3A_29, %gt3A : i32
      %convert_element_type3A_33 = arith.extui %gt3A_32 : i1 to i32
      %cond3A_34 = arith.constant 0 : i32
      %cond3A_35 = arith.cmpi ne, %convert_element_type3A_33, %cond3A_34 : i32
      scf.if %cond3A_35 {
        %dma_wait3A_135 = arith.constant 0 : i32
        %dma_wait3A_136 = tpu.memref_slice %arg4[%mul3A_8, %dma_wait3A_135] : memref<163840x128xf32, #tpu.memory_space<hbm>> -> memref<80x128xf32, #tpu.memory_space<hbm>>
        %dma_wait3A_137 = arith.constant 0 : i32
        %dma_wait3A_138 = tpu.memref_slice %arg4[%mul3A_8, %dma_wait3A_137] : memref<163840x128xf32, #tpu.memory_space<hbm>> -> memref<80x128xf32, #tpu.memory_space<hbm>>
        tpu.wait_dma2 semaphore(%arg12 : memref<!tpu.dma_semaphore, #tpu.memory_space<semaphore_mem>>) src(%arg6 : memref<80x128xf32, #tpu.memory_space<vmem>>) dst(%dma_wait3A_138 : memref<80x128xf32, #tpu.memory_space<hbm>>)
        %dma_wait3A_139 = arith.constant 0 : i32
        %dma_wait3A_140 = tpu.memref_slice %arg4[%mul3A_8, %dma_wait3A_139] : memref<163840x128xf32, #tpu.memory_space<hbm>> -> memref<80x128xf32, #tpu.memory_space<hbm>>
        %dma_wait3A_141 = arith.constant 0 : i32
        %dma_wait3A_142 = tpu.memref_slice %arg4[%mul3A_8, %dma_wait3A_141] : memref<163840x128xf32, #tpu.memory_space<hbm>> -> memref<80x128xf32, #tpu.memory_space<hbm>>
        tpu.wait_dma2 semaphore(%arg12 : memref<!tpu.dma_semaphore, #tpu.memory_space<semaphore_mem>>) src(%arg7 : memref<80x128xf32, #tpu.memory_space<vmem>>) dst(%dma_wait3A_142 : memref<80x128xf32, #tpu.memory_space<hbm>>)
        %dma_wait3A_143 = arith.constant 0 : i32
        %dma_wait3A_144 = tpu.memref_slice %arg4[%mul3A_8, %dma_wait3A_143] : memref<163840x128xf32, #tpu.memory_space<hbm>> -> memref<80x128xf32, #tpu.memory_space<hbm>>
        %dma_wait3A_145 = arith.constant 0 : i32
        %dma_wait3A_146 = tpu.memref_slice %arg4[%mul3A_8, %dma_wait3A_145] : memref<163840x128xf32, #tpu.memory_space<hbm>> -> memref<80x128xf32, #tpu.memory_space<hbm>>
        tpu.wait_dma2 semaphore(%arg12 : memref<!tpu.dma_semaphore, #tpu.memory_space<semaphore_mem>>) src(%arg8 : memref<80x128xf32, #tpu.memory_space<vmem>>) dst(%dma_wait3A_146 : memref<80x128xf32, #tpu.memory_space<hbm>>)
        %dma_wait3A_147 = arith.constant 0 : i32
        %dma_wait3A_148 = tpu.memref_slice %arg4[%mul3A_8, %dma_wait3A_147] : memref<163840x128xf32, #tpu.memory_space<hbm>> -> memref<80x128xf32, #tpu.memory_space<hbm>>
        %dma_wait3A_149 = arith.constant 0 : i32
        %dma_wait3A_150 = tpu.memref_slice %arg4[%mul3A_8, %dma_wait3A_149] : memref<163840x128xf32, #tpu.memory_space<hbm>> -> memref<80x128xf32, #tpu.memory_space<hbm>>
        tpu.wait_dma2 semaphore(%arg12 : memref<!tpu.dma_semaphore, #tpu.memory_space<semaphore_mem>>) src(%arg9 : memref<80x128xf32, #tpu.memory_space<vmem>>) dst(%dma_wait3A_150 : memref<80x128xf32, #tpu.memory_space<hbm>>)
      } else {
      }
      %add3A_36 = arith.constant 0 : i32
      %add3A_37 = arith.addi %mul3A_31, %add3A_36 : i32
      %dma_start3A = arith.constant 0 : i32
      %dma_start3A_38 = tpu.memref_slice %arg5[%add3A_37, %dma_start3A] : memref<64x80xi32, #tpu.memory_space<vmem>> -> memref<1x80xi32, #tpu.memory_space<vmem>>
      %dma_start3A_39 = tpu.memref_squeeze %dma_start3A_38 : memref<1x80xi32, #tpu.memory_space<vmem>> -> memref<80xi32, #tpu.memory_space<vmem>>
      %dma_start3A_40 = arith.constant 0 : i32
      %dma_start3A_41 = arith.constant 0 : i32
      %dma_start3A_42 = tpu.memref_slice %arg10[%dma_start3A_40, %dma_start3A_41] : memref<10000x128xf32, #tpu.memory_space<vmem_shared>> -> memref<10000x128xf32, #tpu.memory_space<vmem_shared>>
      tpu.enqueue_indirect_dma source(%dma_start3A_42 : memref<10000x128xf32, #tpu.memory_space<vmem_shared>>) target(%arg6 : memref<80x128xf32, #tpu.memory_space<vmem>>) offsets(%dma_start3A_39 : memref<80xi32, #tpu.memory_space<vmem>>) semaphore(%arg11 : memref<!tpu.dma_semaphore, #tpu.memory_space<semaphore_mem>>)
      %add3A_43 = arith.constant 1 : i32
      %add3A_44 = arith.addi %mul3A_31, %add3A_43 : i32
      %dma_start3A_45 = arith.constant 0 : i32
      %dma_start3A_46 = tpu.memref_slice %arg5[%add3A_44, %dma_start3A_45] : memref<64x80xi32, #tpu.memory_space<vmem>> -> memref<1x80xi32, #tpu.memory_space<vmem>>
      %dma_start3A_47 = tpu.memref_squeeze %dma_start3A_46 : memref<1x80xi32, #tpu.memory_space<vmem>> -> memref<80xi32, #tpu.memory_space<vmem>>
      %dma_start3A_48 = arith.constant 0 : i32
      %dma_start3A_49 = arith.constant 0 : i32
      %dma_start3A_50 = tpu.memref_slice %arg10[%dma_start3A_48, %dma_start3A_49] : memref<10000x128xf32, #tpu.memory_space<vmem_shared>> -> memref<10000x128xf32, #tpu.memory_space<vmem_shared>>
      tpu.enqueue_indirect_dma source(%dma_start3A_50 : memref<10000x128xf32, #tpu.memory_space<vmem_shared>>) target(%arg7 : memref<80x128xf32, #tpu.memory_space<vmem>>) offsets(%dma_start3A_47 : memref<80xi32, #tpu.memory_space<vmem>>) semaphore(%arg11 : memref<!tpu.dma_semaphore, #tpu.memory_space<semaphore_mem>>)
      %add3A_51 = arith.constant 2 : i32
      %add3A_52 = arith.addi %mul3A_31, %add3A_51 : i32
      %dma_start3A_53 = arith.constant 0 : i32
      %dma_start3A_54 = tpu.memref_slice %arg5[%add3A_52, %dma_start3A_53] : memref<64x80xi32, #tpu.memory_space<vmem>> -> memref<1x80xi32, #tpu.memory_space<vmem>>
      %dma_start3A_55 = tpu.memref_squeeze %dma_start3A_54 : memref<1x80xi32, #tpu.memory_space<vmem>> -> memref<80xi32, #tpu.memory_space<vmem>>
      %dma_start3A_56 = arith.constant 0 : i32
      %dma_start3A_57 = arith.constant 0 : i32
      %dma_start3A_58 = tpu.memref_slice %arg10[%dma_start3A_56, %dma_start3A_57] : memref<10000x128xf32, #tpu.memory_space<vmem_shared>> -> memref<10000x128xf32, #tpu.memory_space<vmem_shared>>
      tpu.enqueue_indirect_dma source(%dma_start3A_58 : memref<10000x128xf32, #tpu.memory_space<vmem_shared>>) target(%arg8 : memref<80x128xf32, #tpu.memory_space<vmem>>) offsets(%dma_start3A_55 : memref<80xi32, #tpu.memory_space<vmem>>) semaphore(%arg11 : memref<!tpu.dma_semaphore, #tpu.memory_space<semaphore_mem>>)
      %add3A_59 = arith.constant 3 : i32
      %add3A_60 = arith.addi %mul3A_31, %add3A_59 : i32
      %dma_start3A_61 = arith.constant 0 : i32
      %dma_start3A_62 = tpu.memref_slice %arg5[%add3A_60, %dma_start3A_61] : memref<64x80xi32, #tpu.memory_space<vmem>> -> memref<1x80xi32, #tpu.memory_space<vmem>>
      %dma_start3A_63 = tpu.memref_squeeze %dma_start3A_62 : memref<1x80xi32, #tpu.memory_space<vmem>> -> memref<80xi32, #tpu.memory_space<vmem>>
      %dma_start3A_64 = arith.constant 0 : i32
      %dma_start3A_65 = arith.constant 0 : i32
      %dma_start3A_66 = tpu.memref_slice %arg10[%dma_start3A_64, %dma_start3A_65] : memref<10000x128xf32, #tpu.memory_space<vmem_shared>> -> memref<10000x128xf32, #tpu.memory_space<vmem_shared>>
      tpu.enqueue_indirect_dma source(%dma_start3A_66 : memref<10000x128xf32, #tpu.memory_space<vmem_shared>>) target(%arg9 : memref<80x128xf32, #tpu.memory_space<vmem>>) offsets(%dma_start3A_63 : memref<80xi32, #tpu.memory_space<vmem>>) semaphore(%arg11 : memref<!tpu.dma_semaphore, #tpu.memory_space<semaphore_mem>>)
      %add3A_67 = arith.constant 0 : i32
      %add3A_68 = arith.addi %mul3A_31, %add3A_67 : i32
      %dma_wait3A_69 = arith.constant 0 : i32
      %dma_wait3A_70 = tpu.memref_slice %arg5[%add3A_68, %dma_wait3A_69] : memref<64x80xi32, #tpu.memory_space<vmem>> -> memref<1x80xi32, #tpu.memory_space<vmem>>
      %dma_wait3A_71 = tpu.memref_squeeze %dma_wait3A_70 : memref<1x80xi32, #tpu.memory_space<vmem>> -> memref<80xi32, #tpu.memory_space<vmem>>
      %dma_wait3A_72 = arith.constant 0 : i32
      %dma_wait3A_73 = arith.constant 0 : i32
      %dma_wait3A_74 = tpu.memref_slice %arg10[%dma_wait3A_72, %dma_wait3A_73] : memref<10000x128xf32, #tpu.memory_space<vmem_shared>> -> memref<10000x128xf32, #tpu.memory_space<vmem_shared>>
      tpu.wait_indirect_dma semaphore(%arg11 : memref<!tpu.dma_semaphore, #tpu.memory_space<semaphore_mem>>) src(%dma_wait3A_74 : memref<10000x128xf32, #tpu.memory_space<vmem_shared>>) dst(%arg6 : memref<80x128xf32, #tpu.memory_space<vmem>>)
      %add3A_75 = arith.constant 1 : i32
      %add3A_76 = arith.addi %mul3A_31, %add3A_75 : i32
      %dma_wait3A_77 = arith.constant 0 : i32
      %dma_wait3A_78 = tpu.memref_slice %arg5[%add3A_76, %dma_wait3A_77] : memref<64x80xi32, #tpu.memory_space<vmem>> -> memref<1x80xi32, #tpu.memory_space<vmem>>
      %dma_wait3A_79 = tpu.memref_squeeze %dma_wait3A_78 : memref<1x80xi32, #tpu.memory_space<vmem>> -> memref<80xi32, #tpu.memory_space<vmem>>
      %dma_wait3A_80 = arith.constant 0 : i32
      %dma_wait3A_81 = arith.constant 0 : i32
      %dma_wait3A_82 = tpu.memref_slice %arg10[%dma_wait3A_80, %dma_wait3A_81] : memref<10000x128xf32, #tpu.memory_space<vmem_shared>> -> memref<10000x128xf32, #tpu.memory_space<vmem_shared>>
      tpu.wait_indirect_dma semaphore(%arg11 : memref<!tpu.dma_semaphore, #tpu.memory_space<semaphore_mem>>) src(%dma_wait3A_82 : memref<10000x128xf32, #tpu.memory_space<vmem_shared>>) dst(%arg7 : memref<80x128xf32, #tpu.memory_space<vmem>>)
      %add3A_83 = arith.constant 2 : i32
      %add3A_84 = arith.addi %mul3A_31, %add3A_83 : i32
      %dma_wait3A_85 = arith.constant 0 : i32
      %dma_wait3A_86 = tpu.memref_slice %arg5[%add3A_84, %dma_wait3A_85] : memref<64x80xi32, #tpu.memory_space<vmem>> -> memref<1x80xi32, #tpu.memory_space<vmem>>
      %dma_wait3A_87 = tpu.memref_squeeze %dma_wait3A_86 : memref<1x80xi32, #tpu.memory_space<vmem>> -> memref<80xi32, #tpu.memory_space<vmem>>
      %dma_wait3A_88 = arith.constant 0 : i32
      %dma_wait3A_89 = arith.constant 0 : i32
      %dma_wait3A_90 = tpu.memref_slice %arg10[%dma_wait3A_88, %dma_wait3A_89] : memref<10000x128xf32, #tpu.memory_space<vmem_shared>> -> memref<10000x128xf32, #tpu.memory_space<vmem_shared>>
      tpu.wait_indirect_dma semaphore(%arg11 : memref<!tpu.dma_semaphore, #tpu.memory_space<semaphore_mem>>) src(%dma_wait3A_90 : memref<10000x128xf32, #tpu.memory_space<vmem_shared>>) dst(%arg8 : memref<80x128xf32, #tpu.memory_space<vmem>>)
      %add3A_91 = arith.constant 3 : i32
      %add3A_92 = arith.addi %mul3A_31, %add3A_91 : i32
      %dma_wait3A_93 = arith.constant 0 : i32
      %dma_wait3A_94 = tpu.memref_slice %arg5[%add3A_92, %dma_wait3A_93] : memref<64x80xi32, #tpu.memory_space<vmem>> -> memref<1x80xi32, #tpu.memory_space<vmem>>
      %dma_wait3A_95 = tpu.memref_squeeze %dma_wait3A_94 : memref<1x80xi32, #tpu.memory_space<vmem>> -> memref<80xi32, #tpu.memory_space<vmem>>
      %dma_wait3A_96 = arith.constant 0 : i32
      %dma_wait3A_97 = arith.constant 0 : i32
      %dma_wait3A_98 = tpu.memref_slice %arg10[%dma_wait3A_96, %dma_wait3A_97] : memref<10000x128xf32, #tpu.memory_space<vmem_shared>> -> memref<10000x128xf32, #tpu.memory_space<vmem_shared>>
      tpu.wait_indirect_dma semaphore(%arg11 : memref<!tpu.dma_semaphore, #tpu.memory_space<semaphore_mem>>) src(%dma_wait3A_98 : memref<10000x128xf32, #tpu.memory_space<vmem_shared>>) dst(%arg9 : memref<80x128xf32, #tpu.memory_space<vmem>>)
      %add3A_99 = arith.constant 0 : i32
      %add3A_100 = arith.addi %mul3A_31, %add3A_99 : i32
      %mul3A_101 = arith.constant 80 : i32
      %mul3A_102 = arith.muli %add3A_100, %mul3A_101 : i32
      %add3A_103 = arith.addi %mul3A_8, %mul3A_102 : i32
      %dma_start3A_104 = arith.constant 0 : i32
      %dma_start3A_105 = tpu.memref_slice %arg4[%add3A_103, %dma_start3A_104] : memref<163840x128xf32, #tpu.memory_space<hbm>> -> memref<80x128xf32, #tpu.memory_space<hbm>>
      %dma_start3A_106 = arith.constant 0 : i32
      %dma_start3A_107 = tpu.memref_slice %arg4[%add3A_103, %dma_start3A_106] : memref<163840x128xf32, #tpu.memory_space<hbm>> -> memref<80x128xf32, #tpu.memory_space<hbm>>
      tpu.enqueue_dma source(%arg6 : memref<80x128xf32, #tpu.memory_space<vmem>>) target(%dma_start3A_107 : memref<80x128xf32, #tpu.memory_space<hbm>>) target_semaphore(%arg12 : memref<!tpu.dma_semaphore, #tpu.memory_space<semaphore_mem>>)
      %add3A_108 = arith.constant 1 : i32
      %add3A_109 = arith.addi %mul3A_31, %add3A_108 : i32
      %mul3A_110 = arith.constant 80 : i32
      %mul3A_111 = arith.muli %add3A_109, %mul3A_110 : i32
      %add3A_112 = arith.addi %mul3A_8, %mul3A_111 : i32
      %dma_start3A_113 = arith.constant 0 : i32
      %dma_start3A_114 = tpu.memref_slice %arg4[%add3A_112, %dma_start3A_113] : memref<163840x128xf32, #tpu.memory_space<hbm>> -> memref<80x128xf32, #tpu.memory_space<hbm>>
      %dma_start3A_115 = arith.constant 0 : i32
      %dma_start3A_116 = tpu.memref_slice %arg4[%add3A_112, %dma_start3A_115] : memref<163840x128xf32, #tpu.memory_space<hbm>> -> memref<80x128xf32, #tpu.memory_space<hbm>>
      tpu.enqueue_dma source(%arg7 : memref<80x128xf32, #tpu.memory_space<vmem>>) target(%dma_start3A_116 : memref<80x128xf32, #tpu.memory_space<hbm>>) target_semaphore(%arg12 : memref<!tpu.dma_semaphore, #tpu.memory_space<semaphore_mem>>)
      %add3A_117 = arith.constant 2 : i32
      %add3A_118 = arith.addi %mul3A_31, %add3A_117 : i32
      %mul3A_119 = arith.constant 80 : i32
      %mul3A_120 = arith.muli %add3A_118, %mul3A_119 : i32
      %add3A_121 = arith.addi %mul3A_8, %mul3A_120 : i32
      %dma_start3A_122 = arith.constant 0 : i32
      %dma_start3A_123 = tpu.memref_slice %arg4[%add3A_121, %dma_start3A_122] : memref<163840x128xf32, #tpu.memory_space<hbm>> -> memref<80x128xf32, #tpu.memory_space<hbm>>
      %dma_start3A_124 = arith.constant 0 : i32
      %dma_start3A_125 = tpu.memref_slice %arg4[%add3A_121, %dma_start3A_124] : memref<163840x128xf32, #tpu.memory_space<hbm>> -> memref<80x128xf32, #tpu.memory_space<hbm>>
      tpu.enqueue_dma source(%arg8 : memref<80x128xf32, #tpu.memory_space<vmem>>) target(%dma_start3A_125 : memref<80x128xf32, #tpu.memory_space<hbm>>) target_semaphore(%arg12 : memref<!tpu.dma_semaphore, #tpu.memory_space<semaphore_mem>>)
      %add3A_126 = arith.constant 3 : i32
      %add3A_127 = arith.addi %mul3A_31, %add3A_126 : i32
      %mul3A_128 = arith.constant 80 : i32
      %mul3A_129 = arith.muli %add3A_127, %mul3A_128 : i32
      %add3A_130 = arith.addi %mul3A_8, %mul3A_129 : i32
      %dma_start3A_131 = arith.constant 0 : i32
      %dma_start3A_132 = tpu.memref_slice %arg4[%add3A_130, %dma_start3A_131] : memref<163840x128xf32, #tpu.memory_space<hbm>> -> memref<80x128xf32, #tpu.memory_space<hbm>>
      %dma_start3A_133 = arith.constant 0 : i32
      %dma_start3A_134 = tpu.memref_slice %arg4[%add3A_130, %dma_start3A_133] : memref<163840x128xf32, #tpu.memory_space<hbm>> -> memref<80x128xf32, #tpu.memory_space<hbm>>
      tpu.enqueue_dma source(%arg9 : memref<80x128xf32, #tpu.memory_space<vmem>>) target(%dma_start3A_134 : memref<80x128xf32, #tpu.memory_space<hbm>>) target_semaphore(%arg12 : memref<!tpu.dma_semaphore, #tpu.memory_space<semaphore_mem>>)
    }
    %scan3A_13 = arith.constant 16 : i32
    %dma_wait3A = arith.constant 0 : i32
    %dma_wait3A_14 = tpu.memref_slice %arg4[%mul3A_8, %dma_wait3A] : memref<163840x128xf32, #tpu.memory_space<hbm>> -> memref<80x128xf32, #tpu.memory_space<hbm>>
    %dma_wait3A_15 = arith.constant 0 : i32
    %dma_wait3A_16 = tpu.memref_slice %arg4[%mul3A_8, %dma_wait3A_15] : memref<163840x128xf32, #tpu.memory_space<hbm>> -> memref<80x128xf32, #tpu.memory_space<hbm>>
    tpu.wait_dma2 semaphore(%arg12 : memref<!tpu.dma_semaphore, #tpu.memory_space<semaphore_mem>>) src(%arg6 : memref<80x128xf32, #tpu.memory_space<vmem>>) dst(%dma_wait3A_16 : memref<80x128xf32, #tpu.memory_space<hbm>>)
    %dma_wait3A_17 = arith.constant 0 : i32
    %dma_wait3A_18 = tpu.memref_slice %arg4[%mul3A_8, %dma_wait3A_17] : memref<163840x128xf32, #tpu.memory_space<hbm>> -> memref<80x128xf32, #tpu.memory_space<hbm>>
    %dma_wait3A_19 = arith.constant 0 : i32
    %dma_wait3A_20 = tpu.memref_slice %arg4[%mul3A_8, %dma_wait3A_19] : memref<163840x128xf32, #tpu.memory_space<hbm>> -> memref<80x128xf32, #tpu.memory_space<hbm>>
    tpu.wait_dma2 semaphore(%arg12 : memref<!tpu.dma_semaphore, #tpu.memory_space<semaphore_mem>>) src(%arg7 : memref<80x128xf32, #tpu.memory_space<vmem>>) dst(%dma_wait3A_20 : memref<80x128xf32, #tpu.memory_space<hbm>>)
    %dma_wait3A_21 = arith.constant 0 : i32
    %dma_wait3A_22 = tpu.memref_slice %arg4[%mul3A_8, %dma_wait3A_21] : memref<163840x128xf32, #tpu.memory_space<hbm>> -> memref<80x128xf32, #tpu.memory_space<hbm>>
    %dma_wait3A_23 = arith.constant 0 : i32
    %dma_wait3A_24 = tpu.memref_slice %arg4[%mul3A_8, %dma_wait3A_23] : memref<163840x128xf32, #tpu.memory_space<hbm>> -> memref<80x128xf32, #tpu.memory_space<hbm>>
    tpu.wait_dma2 semaphore(%arg12 : memref<!tpu.dma_semaphore, #tpu.memory_space<semaphore_mem>>) src(%arg8 : memref<80x128xf32, #tpu.memory_space<vmem>>) dst(%dma_wait3A_24 : memref<80x128xf32, #tpu.memory_space<hbm>>)
    %dma_wait3A_25 = arith.constant 0 : i32
    %dma_wait3A_26 = tpu.memref_slice %arg4[%mul3A_8, %dma_wait3A_25] : memref<163840x128xf32, #tpu.memory_space<hbm>> -> memref<80x128xf32, #tpu.memory_space<hbm>>
    %dma_wait3A_27 = arith.constant 0 : i32
    %dma_wait3A_28 = tpu.memref_slice %arg4[%mul3A_8, %dma_wait3A_27] : memref<163840x128xf32, #tpu.memory_space<hbm>> -> memref<80x128xf32, #tpu.memory_space<hbm>>
    tpu.wait_dma2 semaphore(%arg12 : memref<!tpu.dma_semaphore, #tpu.memory_space<semaphore_mem>>) src(%arg9 : memref<80x128xf32, #tpu.memory_space<vmem>>) dst(%dma_wait3A_28 : memref<80x128xf32, #tpu.memory_space<hbm>>)
    return
  }
}

#map = affine_map<(d0, d1) -> (0, 0)>
#map1 = affine_map<(d0, d1) -> (0, 0, 0)>
module attributes {stable_mosaic.version = 14 : i64} {
  func.func @sc_scatter(%arg0: i32, %arg1: i32, %arg2: memref<163840x128xf32, #tpu.memory_space<hbm>>, %arg3: memref<32x64x80xi32, #tpu.memory_space<hbm>>, %arg4: memref<2x10240x128xf32, #tpu.memory_space<hbm>>, %arg5: memref<2x10240x128xf32, #tpu.memory_space<hbm>>, %arg6: memref<64x80xi32, #tpu.memory_space<vmem>>, %arg7: memref<80x128xf32, #tpu.memory_space<vmem>>, %arg8: memref<80x128xf32, #tpu.memory_space<vmem>>, %arg9: memref<80x128xf32, #tpu.memory_space<vmem>>, %arg10: memref<80x128xf32, #tpu.memory_space<vmem>>, %arg11: memref<10240x128xf32, #tpu.memory_space<vmem_shared>>, %arg12: memref<!tpu.dma_semaphore, #tpu.memory_space<semaphore_mem>>, %arg13: memref<!tpu.dma_semaphore, #tpu.memory_space<semaphore_mem>>) attributes {dimension_semantics = [#tpu.dimension_semantics<core_parallel>, #tpu.dimension_semantics<subcore_parallel>], iteration_bounds = array<i64: 2, 16>, scalar_prefetch = 0 : i64, scratch_operands = 8 : i64, tpu.core_type = #tpu.core_type<sc_vector_subcore>, window_params = [{transform_indices = #map}, {transform_indices = #map1}, {transform_indices = #map1}, {transform_indices = #map1}]} {
    %mul3A = arith.constant 2 : i32
    %mul3A_0 = arith.muli %arg1, %mul3A : i32
    %add3A = arith.addi %mul3A_0, %arg0 : i32
    %mul3A_1 = arith.constant 640 : i32
    %mul3A_2 = arith.muli %arg1, %mul3A_1 : i32
    %mul3A_3 = arith.constant 640 : i32
    %mul3A_4 = arith.muli %arg1, %mul3A_3 : i32
    "tpu.region"() ({
      %run_scoped3A = tpu.sem_alloc : memref<!tpu.dma_semaphore, #tpu.memory_space<semaphore_mem>>
      %dma_start3A = arith.constant 0 : i32
      %dma_start3A_44 = tpu.memref_slice %arg11[%mul3A_4, %dma_start3A] : memref<10240x128xf32, #tpu.memory_space<vmem_shared>> -> memref<640x128xf32, #tpu.memory_space<vmem_shared>>
      %dma_start3A_45 = arith.constant 0 : i32
      %dma_start3A_46 = tpu.memref_slice %arg4[%arg0, %mul3A_2, %dma_start3A_45] : memref<2x10240x128xf32, #tpu.memory_space<hbm>> -> memref<1x640x128xf32, #tpu.memory_space<hbm>>
      %dma_start3A_47 = tpu.memref_squeeze %dma_start3A_46 : memref<1x640x128xf32, #tpu.memory_space<hbm>> -> memref<640x128xf32, #tpu.memory_space<hbm>>
      tpu.enqueue_dma source(%dma_start3A_47 : memref<640x128xf32, #tpu.memory_space<hbm>>) target(%dma_start3A_44 : memref<640x128xf32, #tpu.memory_space<vmem_shared>>) target_semaphore(%run_scoped3A : memref<!tpu.dma_semaphore, #tpu.memory_space<semaphore_mem>>)
      %dma_wait3A_48 = arith.constant 0 : i32
      %dma_wait3A_49 = tpu.memref_slice %arg11[%mul3A_4, %dma_wait3A_48] : memref<10240x128xf32, #tpu.memory_space<vmem_shared>> -> memref<640x128xf32, #tpu.memory_space<vmem_shared>>
      %dma_wait3A_50 = arith.constant 0 : i32
      %dma_wait3A_51 = tpu.memref_slice %arg4[%arg0, %mul3A_2, %dma_wait3A_50] : memref<2x10240x128xf32, #tpu.memory_space<hbm>> -> memref<1x640x128xf32, #tpu.memory_space<hbm>>
      %dma_wait3A_52 = tpu.memref_squeeze %dma_wait3A_51 : memref<1x640x128xf32, #tpu.memory_space<hbm>> -> memref<640x128xf32, #tpu.memory_space<hbm>>
      tpu.wait_dma2 semaphore(%run_scoped3A : memref<!tpu.dma_semaphore, #tpu.memory_space<semaphore_mem>>) src(%dma_wait3A_52 : memref<640x128xf32, #tpu.memory_space<hbm>>) dst(%dma_wait3A_49 : memref<640x128xf32, #tpu.memory_space<vmem_shared>>)
      tpu.yield
    }) : () -> ()
    "tpu.region"() ({
      %run_scoped3A = tpu.sem_alloc : memref<!tpu.dma_semaphore, #tpu.memory_space<semaphore_mem>>
      %dma_start3A = arith.constant 0 : i32
      %dma_start3A_44 = arith.constant 0 : i32
      %dma_start3A_45 = tpu.memref_slice %arg3[%add3A, %dma_start3A, %dma_start3A_44] : memref<32x64x80xi32, #tpu.memory_space<hbm>> -> memref<1x64x80xi32, #tpu.memory_space<hbm>>
      %dma_start3A_46 = tpu.memref_squeeze %dma_start3A_45 : memref<1x64x80xi32, #tpu.memory_space<hbm>> -> memref<64x80xi32, #tpu.memory_space<hbm>>
      %dma_start3A_47 = arith.constant 0 : i32
      %dma_start3A_48 = arith.constant 0 : i32
      %dma_start3A_49 = tpu.memref_slice %arg3[%add3A, %dma_start3A_47, %dma_start3A_48] : memref<32x64x80xi32, #tpu.memory_space<hbm>> -> memref<1x64x80xi32, #tpu.memory_space<hbm>>
      %dma_start3A_50 = tpu.memref_squeeze %dma_start3A_49 : memref<1x64x80xi32, #tpu.memory_space<hbm>> -> memref<64x80xi32, #tpu.memory_space<hbm>>
      tpu.enqueue_dma source(%dma_start3A_50 : memref<64x80xi32, #tpu.memory_space<hbm>>) target(%arg6 : memref<64x80xi32, #tpu.memory_space<vmem>>) target_semaphore(%run_scoped3A : memref<!tpu.dma_semaphore, #tpu.memory_space<semaphore_mem>>)
      %dma_wait3A_51 = arith.constant 0 : i32
      %dma_wait3A_52 = arith.constant 0 : i32
      %dma_wait3A_53 = tpu.memref_slice %arg3[%add3A, %dma_wait3A_51, %dma_wait3A_52] : memref<32x64x80xi32, #tpu.memory_space<hbm>> -> memref<1x64x80xi32, #tpu.memory_space<hbm>>
      %dma_wait3A_54 = tpu.memref_squeeze %dma_wait3A_53 : memref<1x64x80xi32, #tpu.memory_space<hbm>> -> memref<64x80xi32, #tpu.memory_space<hbm>>
      %dma_wait3A_55 = arith.constant 0 : i32
      %dma_wait3A_56 = arith.constant 0 : i32
      %dma_wait3A_57 = tpu.memref_slice %arg3[%add3A, %dma_wait3A_55, %dma_wait3A_56] : memref<32x64x80xi32, #tpu.memory_space<hbm>> -> memref<1x64x80xi32, #tpu.memory_space<hbm>>
      %dma_wait3A_58 = tpu.memref_squeeze %dma_wait3A_57 : memref<1x64x80xi32, #tpu.memory_space<hbm>> -> memref<64x80xi32, #tpu.memory_space<hbm>>
      tpu.wait_dma2 semaphore(%run_scoped3A : memref<!tpu.dma_semaphore, #tpu.memory_space<semaphore_mem>>) src(%dma_wait3A_58 : memref<64x80xi32, #tpu.memory_space<hbm>>) dst(%arg6 : memref<64x80xi32, #tpu.memory_space<vmem>>)
      tpu.yield
    }) : () -> ()
    %barrier3A = arith.constant 0 : index
    tpu.barrier barrier_id(%barrier3A)
    %mul3A_5 = arith.constant 5120 : i32
    %mul3A_6 = arith.muli %add3A, %mul3A_5 : i32
    %scan3A = arith.constant 0 : i32
    %scan3A_7 = arith.constant 0 : i32
    %scan3A_8 = arith.constant 16 : i32
    %scan3A_9 = arith.addi %scan3A_7, %scan3A_8 : i32
    %scan3A_10 = arith.constant 1 : i32
    scf.for %scan3A_44 = %scan3A_7 to %scan3A_9 step %scan3A_10  : i32 {
      %mul3A_45 = arith.constant 4 : i32
      %mul3A_46 = arith.muli %scan3A_44, %mul3A_45 : i32
      %gt3A = arith.constant 0 : i32
      %gt3A_47 = arith.cmpi sgt, %scan3A_44, %gt3A : i32
      %convert_element_type3A = arith.extui %gt3A_47 : i1 to i32
      %cond3A = arith.constant 0 : i32
      %cond3A_48 = arith.cmpi ne, %convert_element_type3A, %cond3A : i32
      scf.if %cond3A_48 {
        %add3A_152 = arith.constant 0 : i32
        %add3A_153 = arith.addi %mul3A_46, %add3A_152 : i32
        %dma_wait3A_154 = arith.constant 0 : i32
        %dma_wait3A_155 = tpu.memref_slice %arg6[%add3A_153, %dma_wait3A_154] : memref<64x80xi32, #tpu.memory_space<vmem>> -> memref<1x80xi32, #tpu.memory_space<vmem>>
        %dma_wait3A_156 = tpu.memref_squeeze %dma_wait3A_155 : memref<1x80xi32, #tpu.memory_space<vmem>> -> memref<80xi32, #tpu.memory_space<vmem>>
        %dma_wait3A_157 = arith.constant 0 : i32
        %dma_wait3A_158 = arith.constant 0 : i32
        %dma_wait3A_159 = tpu.memref_slice %arg11[%dma_wait3A_157, %dma_wait3A_158] : memref<10240x128xf32, #tpu.memory_space<vmem_shared>> -> memref<10240x128xf32, #tpu.memory_space<vmem_shared>>
        tpu.wait_indirect_dma semaphore(%arg13 : memref<!tpu.dma_semaphore, #tpu.memory_space<semaphore_mem>>) src(%arg7 : memref<80x128xf32, #tpu.memory_space<vmem>>) dst(%dma_wait3A_159 : memref<10240x128xf32, #tpu.memory_space<vmem_shared>>)
        %add3A_160 = arith.constant 1 : i32
        %add3A_161 = arith.addi %mul3A_46, %add3A_160 : i32
        %dma_wait3A_162 = arith.constant 0 : i32
        %dma_wait3A_163 = tpu.memref_slice %arg6[%add3A_161, %dma_wait3A_162] : memref<64x80xi32, #tpu.memory_space<vmem>> -> memref<1x80xi32, #tpu.memory_space<vmem>>
        %dma_wait3A_164 = tpu.memref_squeeze %dma_wait3A_163 : memref<1x80xi32, #tpu.memory_space<vmem>> -> memref<80xi32, #tpu.memory_space<vmem>>
        %dma_wait3A_165 = arith.constant 0 : i32
        %dma_wait3A_166 = arith.constant 0 : i32
        %dma_wait3A_167 = tpu.memref_slice %arg11[%dma_wait3A_165, %dma_wait3A_166] : memref<10240x128xf32, #tpu.memory_space<vmem_shared>> -> memref<10240x128xf32, #tpu.memory_space<vmem_shared>>
        tpu.wait_indirect_dma semaphore(%arg13 : memref<!tpu.dma_semaphore, #tpu.memory_space<semaphore_mem>>) src(%arg8 : memref<80x128xf32, #tpu.memory_space<vmem>>) dst(%dma_wait3A_167 : memref<10240x128xf32, #tpu.memory_space<vmem_shared>>)
        %add3A_168 = arith.constant 2 : i32
        %add3A_169 = arith.addi %mul3A_46, %add3A_168 : i32
        %dma_wait3A_170 = arith.constant 0 : i32
        %dma_wait3A_171 = tpu.memref_slice %arg6[%add3A_169, %dma_wait3A_170] : memref<64x80xi32, #tpu.memory_space<vmem>> -> memref<1x80xi32, #tpu.memory_space<vmem>>
        %dma_wait3A_172 = tpu.memref_squeeze %dma_wait3A_171 : memref<1x80xi32, #tpu.memory_space<vmem>> -> memref<80xi32, #tpu.memory_space<vmem>>
        %dma_wait3A_173 = arith.constant 0 : i32
        %dma_wait3A_174 = arith.constant 0 : i32
        %dma_wait3A_175 = tpu.memref_slice %arg11[%dma_wait3A_173, %dma_wait3A_174] : memref<10240x128xf32, #tpu.memory_space<vmem_shared>> -> memref<10240x128xf32, #tpu.memory_space<vmem_shared>>
        tpu.wait_indirect_dma semaphore(%arg13 : memref<!tpu.dma_semaphore, #tpu.memory_space<semaphore_mem>>) src(%arg9 : memref<80x128xf32, #tpu.memory_space<vmem>>) dst(%dma_wait3A_175 : memref<10240x128xf32, #tpu.memory_space<vmem_shared>>)
        %add3A_176 = arith.constant 3 : i32
        %add3A_177 = arith.addi %mul3A_46, %add3A_176 : i32
        %dma_wait3A_178 = arith.constant 0 : i32
        %dma_wait3A_179 = tpu.memref_slice %arg6[%add3A_177, %dma_wait3A_178] : memref<64x80xi32, #tpu.memory_space<vmem>> -> memref<1x80xi32, #tpu.memory_space<vmem>>
        %dma_wait3A_180 = tpu.memref_squeeze %dma_wait3A_179 : memref<1x80xi32, #tpu.memory_space<vmem>> -> memref<80xi32, #tpu.memory_space<vmem>>
        %dma_wait3A_181 = arith.constant 0 : i32
        %dma_wait3A_182 = arith.constant 0 : i32
        %dma_wait3A_183 = tpu.memref_slice %arg11[%dma_wait3A_181, %dma_wait3A_182] : memref<10240x128xf32, #tpu.memory_space<vmem_shared>> -> memref<10240x128xf32, #tpu.memory_space<vmem_shared>>
        tpu.wait_indirect_dma semaphore(%arg13 : memref<!tpu.dma_semaphore, #tpu.memory_space<semaphore_mem>>) src(%arg10 : memref<80x128xf32, #tpu.memory_space<vmem>>) dst(%dma_wait3A_183 : memref<10240x128xf32, #tpu.memory_space<vmem_shared>>)
      } else {
      }
      %add3A_49 = arith.constant 0 : i32
      %add3A_50 = arith.addi %mul3A_46, %add3A_49 : i32
      %mul3A_51 = arith.constant 80 : i32
      %mul3A_52 = arith.muli %add3A_50, %mul3A_51 : i32
      %add3A_53 = arith.addi %mul3A_6, %mul3A_52 : i32
      %dma_start3A = arith.constant 0 : i32
      %dma_start3A_54 = tpu.memref_slice %arg2[%add3A_53, %dma_start3A] : memref<163840x128xf32, #tpu.memory_space<hbm>> -> memref<80x128xf32, #tpu.memory_space<hbm>>
      %dma_start3A_55 = arith.constant 0 : i32
      %dma_start3A_56 = tpu.memref_slice %arg2[%add3A_53, %dma_start3A_55] : memref<163840x128xf32, #tpu.memory_space<hbm>> -> memref<80x128xf32, #tpu.memory_space<hbm>>
      tpu.enqueue_dma source(%dma_start3A_56 : memref<80x128xf32, #tpu.memory_space<hbm>>) target(%arg7 : memref<80x128xf32, #tpu.memory_space<vmem>>) target_semaphore(%arg12 : memref<!tpu.dma_semaphore, #tpu.memory_space<semaphore_mem>>)
      %add3A_57 = arith.constant 1 : i32
      %add3A_58 = arith.addi %mul3A_46, %add3A_57 : i32
      %mul3A_59 = arith.constant 80 : i32
      %mul3A_60 = arith.muli %add3A_58, %mul3A_59 : i32
      %add3A_61 = arith.addi %mul3A_6, %mul3A_60 : i32
      %dma_start3A_62 = arith.constant 0 : i32
      %dma_start3A_63 = tpu.memref_slice %arg2[%add3A_61, %dma_start3A_62] : memref<163840x128xf32, #tpu.memory_space<hbm>> -> memref<80x128xf32, #tpu.memory_space<hbm>>
      %dma_start3A_64 = arith.constant 0 : i32
      %dma_start3A_65 = tpu.memref_slice %arg2[%add3A_61, %dma_start3A_64] : memref<163840x128xf32, #tpu.memory_space<hbm>> -> memref<80x128xf32, #tpu.memory_space<hbm>>
      tpu.enqueue_dma source(%dma_start3A_65 : memref<80x128xf32, #tpu.memory_space<hbm>>) target(%arg8 : memref<80x128xf32, #tpu.memory_space<vmem>>) target_semaphore(%arg12 : memref<!tpu.dma_semaphore, #tpu.memory_space<semaphore_mem>>)
      %add3A_66 = arith.constant 2 : i32
      %add3A_67 = arith.addi %mul3A_46, %add3A_66 : i32
      %mul3A_68 = arith.constant 80 : i32
      %mul3A_69 = arith.muli %add3A_67, %mul3A_68 : i32
      %add3A_70 = arith.addi %mul3A_6, %mul3A_69 : i32
      %dma_start3A_71 = arith.constant 0 : i32
      %dma_start3A_72 = tpu.memref_slice %arg2[%add3A_70, %dma_start3A_71] : memref<163840x128xf32, #tpu.memory_space<hbm>> -> memref<80x128xf32, #tpu.memory_space<hbm>>
      %dma_start3A_73 = arith.constant 0 : i32
      %dma_start3A_74 = tpu.memref_slice %arg2[%add3A_70, %dma_start3A_73] : memref<163840x128xf32, #tpu.memory_space<hbm>> -> memref<80x128xf32, #tpu.memory_space<hbm>>
      tpu.enqueue_dma source(%dma_start3A_74 : memref<80x128xf32, #tpu.memory_space<hbm>>) target(%arg9 : memref<80x128xf32, #tpu.memory_space<vmem>>) target_semaphore(%arg12 : memref<!tpu.dma_semaphore, #tpu.memory_space<semaphore_mem>>)
      %add3A_75 = arith.constant 3 : i32
      %add3A_76 = arith.addi %mul3A_46, %add3A_75 : i32
      %mul3A_77 = arith.constant 80 : i32
      %mul3A_78 = arith.muli %add3A_76, %mul3A_77 : i32
      %add3A_79 = arith.addi %mul3A_6, %mul3A_78 : i32
      %dma_start3A_80 = arith.constant 0 : i32
      %dma_start3A_81 = tpu.memref_slice %arg2[%add3A_79, %dma_start3A_80] : memref<163840x128xf32, #tpu.memory_space<hbm>> -> memref<80x128xf32, #tpu.memory_space<hbm>>
      %dma_start3A_82 = arith.constant 0 : i32
      %dma_start3A_83 = tpu.memref_slice %arg2[%add3A_79, %dma_start3A_82] : memref<163840x128xf32, #tpu.memory_space<hbm>> -> memref<80x128xf32, #tpu.memory_space<hbm>>
      tpu.enqueue_dma source(%dma_start3A_83 : memref<80x128xf32, #tpu.memory_space<hbm>>) target(%arg10 : memref<80x128xf32, #tpu.memory_space<vmem>>) target_semaphore(%arg12 : memref<!tpu.dma_semaphore, #tpu.memory_space<semaphore_mem>>)
      %add3A_84 = arith.constant 0 : i32
      %add3A_85 = arith.addi %mul3A_46, %add3A_84 : i32
      %mul3A_86 = arith.constant 80 : i32
      %mul3A_87 = arith.muli %add3A_85, %mul3A_86 : i32
      %add3A_88 = arith.addi %mul3A_6, %mul3A_87 : i32
      %dma_wait3A_89 = arith.constant 0 : i32
      %dma_wait3A_90 = tpu.memref_slice %arg2[%add3A_88, %dma_wait3A_89] : memref<163840x128xf32, #tpu.memory_space<hbm>> -> memref<80x128xf32, #tpu.memory_space<hbm>>
      %dma_wait3A_91 = arith.constant 0 : i32
      %dma_wait3A_92 = tpu.memref_slice %arg2[%add3A_88, %dma_wait3A_91] : memref<163840x128xf32, #tpu.memory_space<hbm>> -> memref<80x128xf32, #tpu.memory_space<hbm>>
      tpu.wait_dma2 semaphore(%arg12 : memref<!tpu.dma_semaphore, #tpu.memory_space<semaphore_mem>>) src(%dma_wait3A_92 : memref<80x128xf32, #tpu.memory_space<hbm>>) dst(%arg7 : memref<80x128xf32, #tpu.memory_space<vmem>>)
      %add3A_93 = arith.constant 1 : i32
      %add3A_94 = arith.addi %mul3A_46, %add3A_93 : i32
      %mul3A_95 = arith.constant 80 : i32
      %mul3A_96 = arith.muli %add3A_94, %mul3A_95 : i32
      %add3A_97 = arith.addi %mul3A_6, %mul3A_96 : i32
      %dma_wait3A_98 = arith.constant 0 : i32
      %dma_wait3A_99 = tpu.memref_slice %arg2[%add3A_97, %dma_wait3A_98] : memref<163840x128xf32, #tpu.memory_space<hbm>> -> memref<80x128xf32, #tpu.memory_space<hbm>>
      %dma_wait3A_100 = arith.constant 0 : i32
      %dma_wait3A_101 = tpu.memref_slice %arg2[%add3A_97, %dma_wait3A_100] : memref<163840x128xf32, #tpu.memory_space<hbm>> -> memref<80x128xf32, #tpu.memory_space<hbm>>
      tpu.wait_dma2 semaphore(%arg12 : memref<!tpu.dma_semaphore, #tpu.memory_space<semaphore_mem>>) src(%dma_wait3A_101 : memref<80x128xf32, #tpu.memory_space<hbm>>) dst(%arg8 : memref<80x128xf32, #tpu.memory_space<vmem>>)
      %add3A_102 = arith.constant 2 : i32
      %add3A_103 = arith.addi %mul3A_46, %add3A_102 : i32
      %mul3A_104 = arith.constant 80 : i32
      %mul3A_105 = arith.muli %add3A_103, %mul3A_104 : i32
      %add3A_106 = arith.addi %mul3A_6, %mul3A_105 : i32
      %dma_wait3A_107 = arith.constant 0 : i32
      %dma_wait3A_108 = tpu.memref_slice %arg2[%add3A_106, %dma_wait3A_107] : memref<163840x128xf32, #tpu.memory_space<hbm>> -> memref<80x128xf32, #tpu.memory_space<hbm>>
      %dma_wait3A_109 = arith.constant 0 : i32
      %dma_wait3A_110 = tpu.memref_slice %arg2[%add3A_106, %dma_wait3A_109] : memref<163840x128xf32, #tpu.memory_space<hbm>> -> memref<80x128xf32, #tpu.memory_space<hbm>>
      tpu.wait_dma2 semaphore(%arg12 : memref<!tpu.dma_semaphore, #tpu.memory_space<semaphore_mem>>) src(%dma_wait3A_110 : memref<80x128xf32, #tpu.memory_space<hbm>>) dst(%arg9 : memref<80x128xf32, #tpu.memory_space<vmem>>)
      %add3A_111 = arith.constant 3 : i32
      %add3A_112 = arith.addi %mul3A_46, %add3A_111 : i32
      %mul3A_113 = arith.constant 80 : i32
      %mul3A_114 = arith.muli %add3A_112, %mul3A_113 : i32
      %add3A_115 = arith.addi %mul3A_6, %mul3A_114 : i32
      %dma_wait3A_116 = arith.constant 0 : i32
      %dma_wait3A_117 = tpu.memref_slice %arg2[%add3A_115, %dma_wait3A_116] : memref<163840x128xf32, #tpu.memory_space<hbm>> -> memref<80x128xf32, #tpu.memory_space<hbm>>
      %dma_wait3A_118 = arith.constant 0 : i32
      %dma_wait3A_119 = tpu.memref_slice %arg2[%add3A_115, %dma_wait3A_118] : memref<163840x128xf32, #tpu.memory_space<hbm>> -> memref<80x128xf32, #tpu.memory_space<hbm>>
      tpu.wait_dma2 semaphore(%arg12 : memref<!tpu.dma_semaphore, #tpu.memory_space<semaphore_mem>>) src(%dma_wait3A_119 : memref<80x128xf32, #tpu.memory_space<hbm>>) dst(%arg10 : memref<80x128xf32, #tpu.memory_space<vmem>>)
      %add3A_120 = arith.constant 0 : i32
      %add3A_121 = arith.addi %mul3A_46, %add3A_120 : i32
      %dma_start3A_122 = arith.constant 0 : i32
      %dma_start3A_123 = tpu.memref_slice %arg6[%add3A_121, %dma_start3A_122] : memref<64x80xi32, #tpu.memory_space<vmem>> -> memref<1x80xi32, #tpu.memory_space<vmem>>
      %dma_start3A_124 = tpu.memref_squeeze %dma_start3A_123 : memref<1x80xi32, #tpu.memory_space<vmem>> -> memref<80xi32, #tpu.memory_space<vmem>>
      %dma_start3A_125 = arith.constant 0 : i32
      %dma_start3A_126 = arith.constant 0 : i32
      %dma_start3A_127 = tpu.memref_slice %arg11[%dma_start3A_125, %dma_start3A_126] : memref<10240x128xf32, #tpu.memory_space<vmem_shared>> -> memref<10240x128xf32, #tpu.memory_space<vmem_shared>>
      tpu.enqueue_indirect_dma source(%arg7 : memref<80x128xf32, #tpu.memory_space<vmem>>) target(%dma_start3A_127 : memref<10240x128xf32, #tpu.memory_space<vmem_shared>>) offsets(%dma_start3A_124 : memref<80xi32, #tpu.memory_space<vmem>>) semaphore(%arg13 : memref<!tpu.dma_semaphore, #tpu.memory_space<semaphore_mem>>) {add = true}
      %add3A_128 = arith.constant 1 : i32
      %add3A_129 = arith.addi %mul3A_46, %add3A_128 : i32
      %dma_start3A_130 = arith.constant 0 : i32
      %dma_start3A_131 = tpu.memref_slice %arg6[%add3A_129, %dma_start3A_130] : memref<64x80xi32, #tpu.memory_space<vmem>> -> memref<1x80xi32, #tpu.memory_space<vmem>>
      %dma_start3A_132 = tpu.memref_squeeze %dma_start3A_131 : memref<1x80xi32, #tpu.memory_space<vmem>> -> memref<80xi32, #tpu.memory_space<vmem>>
      %dma_start3A_133 = arith.constant 0 : i32
      %dma_start3A_134 = arith.constant 0 : i32
      %dma_start3A_135 = tpu.memref_slice %arg11[%dma_start3A_133, %dma_start3A_134] : memref<10240x128xf32, #tpu.memory_space<vmem_shared>> -> memref<10240x128xf32, #tpu.memory_space<vmem_shared>>
      tpu.enqueue_indirect_dma source(%arg8 : memref<80x128xf32, #tpu.memory_space<vmem>>) target(%dma_start3A_135 : memref<10240x128xf32, #tpu.memory_space<vmem_shared>>) offsets(%dma_start3A_132 : memref<80xi32, #tpu.memory_space<vmem>>) semaphore(%arg13 : memref<!tpu.dma_semaphore, #tpu.memory_space<semaphore_mem>>) {add = true}
      %add3A_136 = arith.constant 2 : i32
      %add3A_137 = arith.addi %mul3A_46, %add3A_136 : i32
      %dma_start3A_138 = arith.constant 0 : i32
      %dma_start3A_139 = tpu.memref_slice %arg6[%add3A_137, %dma_start3A_138] : memref<64x80xi32, #tpu.memory_space<vmem>> -> memref<1x80xi32, #tpu.memory_space<vmem>>
      %dma_start3A_140 = tpu.memref_squeeze %dma_start3A_139 : memref<1x80xi32, #tpu.memory_space<vmem>> -> memref<80xi32, #tpu.memory_space<vmem>>
      %dma_start3A_141 = arith.constant 0 : i32
      %dma_start3A_142 = arith.constant 0 : i32
      %dma_start3A_143 = tpu.memref_slice %arg11[%dma_start3A_141, %dma_start3A_142] : memref<10240x128xf32, #tpu.memory_space<vmem_shared>> -> memref<10240x128xf32, #tpu.memory_space<vmem_shared>>
      tpu.enqueue_indirect_dma source(%arg9 : memref<80x128xf32, #tpu.memory_space<vmem>>) target(%dma_start3A_143 : memref<10240x128xf32, #tpu.memory_space<vmem_shared>>) offsets(%dma_start3A_140 : memref<80xi32, #tpu.memory_space<vmem>>) semaphore(%arg13 : memref<!tpu.dma_semaphore, #tpu.memory_space<semaphore_mem>>) {add = true}
      %add3A_144 = arith.constant 3 : i32
      %add3A_145 = arith.addi %mul3A_46, %add3A_144 : i32
      %dma_start3A_146 = arith.constant 0 : i32
      %dma_start3A_147 = tpu.memref_slice %arg6[%add3A_145, %dma_start3A_146] : memref<64x80xi32, #tpu.memory_space<vmem>> -> memref<1x80xi32, #tpu.memory_space<vmem>>
      %dma_start3A_148 = tpu.memref_squeeze %dma_start3A_147 : memref<1x80xi32, #tpu.memory_space<vmem>> -> memref<80xi32, #tpu.memory_space<vmem>>
      %dma_start3A_149 = arith.constant 0 : i32
      %dma_start3A_150 = arith.constant 0 : i32
      %dma_start3A_151 = tpu.memref_slice %arg11[%dma_start3A_149, %dma_start3A_150] : memref<10240x128xf32, #tpu.memory_space<vmem_shared>> -> memref<10240x128xf32, #tpu.memory_space<vmem_shared>>
      tpu.enqueue_indirect_dma source(%arg10 : memref<80x128xf32, #tpu.memory_space<vmem>>) target(%dma_start3A_151 : memref<10240x128xf32, #tpu.memory_space<vmem_shared>>) offsets(%dma_start3A_148 : memref<80xi32, #tpu.memory_space<vmem>>) semaphore(%arg13 : memref<!tpu.dma_semaphore, #tpu.memory_space<semaphore_mem>>) {add = true}
    }
    %scan3A_11 = arith.constant 16 : i32
    %dma_wait3A = arith.constant 0 : i32
    %dma_wait3A_12 = arith.constant 0 : i32
    %dma_wait3A_13 = tpu.memref_slice %arg6[%dma_wait3A, %dma_wait3A_12] : memref<64x80xi32, #tpu.memory_space<vmem>> -> memref<1x80xi32, #tpu.memory_space<vmem>>
    %dma_wait3A_14 = tpu.memref_squeeze %dma_wait3A_13 : memref<1x80xi32, #tpu.memory_space<vmem>> -> memref<80xi32, #tpu.memory_space<vmem>>
    %dma_wait3A_15 = arith.constant 0 : i32
    %dma_wait3A_16 = arith.constant 0 : i32
    %dma_wait3A_17 = tpu.memref_slice %arg11[%dma_wait3A_15, %dma_wait3A_16] : memref<10240x128xf32, #tpu.memory_space<vmem_shared>> -> memref<10240x128xf32, #tpu.memory_space<vmem_shared>>
    tpu.wait_indirect_dma semaphore(%arg13 : memref<!tpu.dma_semaphore, #tpu.memory_space<semaphore_mem>>) src(%arg7 : memref<80x128xf32, #tpu.memory_space<vmem>>) dst(%dma_wait3A_17 : memref<10240x128xf32, #tpu.memory_space<vmem_shared>>)
    %dma_wait3A_18 = arith.constant 1 : i32
    %dma_wait3A_19 = arith.constant 0 : i32
    %dma_wait3A_20 = tpu.memref_slice %arg6[%dma_wait3A_18, %dma_wait3A_19] : memref<64x80xi32, #tpu.memory_space<vmem>> -> memref<1x80xi32, #tpu.memory_space<vmem>>
    %dma_wait3A_21 = tpu.memref_squeeze %dma_wait3A_20 : memref<1x80xi32, #tpu.memory_space<vmem>> -> memref<80xi32, #tpu.memory_space<vmem>>
    %dma_wait3A_22 = arith.constant 0 : i32
    %dma_wait3A_23 = arith.constant 0 : i32
    %dma_wait3A_24 = tpu.memref_slice %arg11[%dma_wait3A_22, %dma_wait3A_23] : memref<10240x128xf32, #tpu.memory_space<vmem_shared>> -> memref<10240x128xf32, #tpu.memory_space<vmem_shared>>
    tpu.wait_indirect_dma semaphore(%arg13 : memref<!tpu.dma_semaphore, #tpu.memory_space<semaphore_mem>>) src(%arg8 : memref<80x128xf32, #tpu.memory_space<vmem>>) dst(%dma_wait3A_24 : memref<10240x128xf32, #tpu.memory_space<vmem_shared>>)
    %dma_wait3A_25 = arith.constant 2 : i32
    %dma_wait3A_26 = arith.constant 0 : i32
    %dma_wait3A_27 = tpu.memref_slice %arg6[%dma_wait3A_25, %dma_wait3A_26] : memref<64x80xi32, #tpu.memory_space<vmem>> -> memref<1x80xi32, #tpu.memory_space<vmem>>
    %dma_wait3A_28 = tpu.memref_squeeze %dma_wait3A_27 : memref<1x80xi32, #tpu.memory_space<vmem>> -> memref<80xi32, #tpu.memory_space<vmem>>
    %dma_wait3A_29 = arith.constant 0 : i32
    %dma_wait3A_30 = arith.constant 0 : i32
    %dma_wait3A_31 = tpu.memref_slice %arg11[%dma_wait3A_29, %dma_wait3A_30] : memref<10240x128xf32, #tpu.memory_space<vmem_shared>> -> memref<10240x128xf32, #tpu.memory_space<vmem_shared>>
    tpu.wait_indirect_dma semaphore(%arg13 : memref<!tpu.dma_semaphore, #tpu.memory_space<semaphore_mem>>) src(%arg9 : memref<80x128xf32, #tpu.memory_space<vmem>>) dst(%dma_wait3A_31 : memref<10240x128xf32, #tpu.memory_space<vmem_shared>>)
    %dma_wait3A_32 = arith.constant 3 : i32
    %dma_wait3A_33 = arith.constant 0 : i32
    %dma_wait3A_34 = tpu.memref_slice %arg6[%dma_wait3A_32, %dma_wait3A_33] : memref<64x80xi32, #tpu.memory_space<vmem>> -> memref<1x80xi32, #tpu.memory_space<vmem>>
    %dma_wait3A_35 = tpu.memref_squeeze %dma_wait3A_34 : memref<1x80xi32, #tpu.memory_space<vmem>> -> memref<80xi32, #tpu.memory_space<vmem>>
    %dma_wait3A_36 = arith.constant 0 : i32
    %dma_wait3A_37 = arith.constant 0 : i32
    %dma_wait3A_38 = tpu.memref_slice %arg11[%dma_wait3A_36, %dma_wait3A_37] : memref<10240x128xf32, #tpu.memory_space<vmem_shared>> -> memref<10240x128xf32, #tpu.memory_space<vmem_shared>>
    tpu.wait_indirect_dma semaphore(%arg13 : memref<!tpu.dma_semaphore, #tpu.memory_space<semaphore_mem>>) src(%arg10 : memref<80x128xf32, #tpu.memory_space<vmem>>) dst(%dma_wait3A_38 : memref<10240x128xf32, #tpu.memory_space<vmem_shared>>)
    %barrier3A_39 = arith.constant 0 : index
    tpu.barrier barrier_id(%barrier3A_39)
    %mul3A_40 = arith.constant 640 : i32
    %mul3A_41 = arith.muli %arg1, %mul3A_40 : i32
    %mul3A_42 = arith.constant 640 : i32
    %mul3A_43 = arith.muli %arg1, %mul3A_42 : i32
    "tpu.region"() ({
      %run_scoped3A = tpu.sem_alloc : memref<!tpu.dma_semaphore, #tpu.memory_space<semaphore_mem>>
      %dma_start3A = arith.constant 0 : i32
      %dma_start3A_44 = tpu.memref_slice %arg5[%arg0, %mul3A_43, %dma_start3A] : memref<2x10240x128xf32, #tpu.memory_space<hbm>> -> memref<1x640x128xf32, #tpu.memory_space<hbm>>
      %dma_start3A_45 = tpu.memref_squeeze %dma_start3A_44 : memref<1x640x128xf32, #tpu.memory_space<hbm>> -> memref<640x128xf32, #tpu.memory_space<hbm>>
      %dma_start3A_46 = arith.constant 0 : i32
      %dma_start3A_47 = tpu.memref_slice %arg11[%mul3A_41, %dma_start3A_46] : memref<10240x128xf32, #tpu.memory_space<vmem_shared>> -> memref<640x128xf32, #tpu.memory_space<vmem_shared>>
      tpu.enqueue_dma source(%dma_start3A_47 : memref<640x128xf32, #tpu.memory_space<vmem_shared>>) target(%dma_start3A_45 : memref<640x128xf32, #tpu.memory_space<hbm>>) target_semaphore(%run_scoped3A : memref<!tpu.dma_semaphore, #tpu.memory_space<semaphore_mem>>)
      %dma_wait3A_48 = arith.constant 0 : i32
      %dma_wait3A_49 = tpu.memref_slice %arg5[%arg0, %mul3A_43, %dma_wait3A_48] : memref<2x10240x128xf32, #tpu.memory_space<hbm>> -> memref<1x640x128xf32, #tpu.memory_space<hbm>>
      %dma_wait3A_50 = tpu.memref_squeeze %dma_wait3A_49 : memref<1x640x128xf32, #tpu.memory_space<hbm>> -> memref<640x128xf32, #tpu.memory_space<hbm>>
      %dma_wait3A_51 = arith.constant 0 : i32
      %dma_wait3A_52 = tpu.memref_slice %arg11[%mul3A_41, %dma_wait3A_51] : memref<10240x128xf32, #tpu.memory_space<vmem_shared>> -> memref<640x128xf32, #tpu.memory_space<vmem_shared>>
      tpu.wait_dma2 semaphore(%run_scoped3A : memref<!tpu.dma_semaphore, #tpu.memory_space<semaphore_mem>>) src(%dma_wait3A_52 : memref<640x128xf32, #tpu.memory_space<vmem_shared>>) dst(%dma_wait3A_50 : memref<640x128xf32, #tpu.memory_space<hbm>>)
      tpu.yield
    }) : () -> ()
    return
  }
}

#map = affine_map<(d0, d1) -> (0, 0)>
#map1 = affine_map<(d0, d1) -> (0, 0, 0)>
module attributes {stable_mosaic.version = 14 : i64} {
  func.func @sc_gather(%arg0: i32, %arg1: i32, %arg2: memref<10000x128xf32, #tpu.memory_space<hbm>>, %arg3: memref<32x64x80xi32, #tpu.memory_space<hbm>>, %arg4: memref<163840x128xf32, #tpu.memory_space<hbm>>, %arg5: memref<64x80xi32, #tpu.memory_space<vmem>>, %arg6: memref<80x128xf32, #tpu.memory_space<vmem>>, %arg7: memref<80x128xf32, #tpu.memory_space<vmem>>, %arg8: memref<80x128xf32, #tpu.memory_space<vmem>>, %arg9: memref<80x128xf32, #tpu.memory_space<vmem>>, %arg10: memref<10000x128xf32, #tpu.memory_space<vmem_shared>>, %arg11: memref<!tpu.dma_semaphore, #tpu.memory_space<semaphore_mem>>, %arg12: memref<!tpu.dma_semaphore, #tpu.memory_space<semaphore_mem>>) attributes {dimension_semantics = [#tpu.dimension_semantics<core_parallel>, #tpu.dimension_semantics<subcore_parallel>], iteration_bounds = array<i64: 2, 16>, scalar_prefetch = 0 : i64, scratch_operands = 8 : i64, tpu.core_type = #tpu.core_type<sc_vector_subcore>, window_params = [{transform_indices = #map}, {transform_indices = #map1}, {transform_indices = #map}]} {
    %mul3A = arith.constant 2 : i32
    %mul3A_0 = arith.muli %arg1, %mul3A : i32
    %add3A = arith.addi %mul3A_0, %arg0 : i32
    %lt3A = arith.constant 15 : i32
    %lt3A_1 = arith.cmpi slt, %arg1, %lt3A : i32
    %convert_element_type3A = arith.extui %lt3A_1 : i1 to i32
    %cond3A = arith.constant 0 : i32
    %cond3A_2 = arith.cmpi ne, %convert_element_type3A, %cond3A : i32
    scf.if %cond3A_2 {
      %mul3A_29 = arith.constant 632 : i32
      %mul3A_30 = arith.muli %arg1, %mul3A_29 : i32
      %mul3A_31 = arith.constant 632 : i32
      %mul3A_32 = arith.muli %arg1, %mul3A_31 : i32
      "tpu.region"() ({
        %run_scoped3A = tpu.sem_alloc : memref<!tpu.dma_semaphore, #tpu.memory_space<semaphore_mem>>
        %dma_start3A = arith.constant 0 : i32
        %dma_start3A_33 = tpu.memref_slice %arg10[%mul3A_32, %dma_start3A] : memref<10000x128xf32, #tpu.memory_space<vmem_shared>> -> memref<632x128xf32, #tpu.memory_space<vmem_shared>>
        %dma_start3A_34 = arith.constant 0 : i32
        %dma_start3A_35 = tpu.memref_slice %arg2[%mul3A_30, %dma_start3A_34] : memref<10000x128xf32, #tpu.memory_space<hbm>> -> memref<632x128xf32, #tpu.memory_space<hbm>>
        tpu.enqueue_dma source(%dma_start3A_35 : memref<632x128xf32, #tpu.memory_space<hbm>>) target(%dma_start3A_33 : memref<632x128xf32, #tpu.memory_space<vmem_shared>>) target_semaphore(%run_scoped3A : memref<!tpu.dma_semaphore, #tpu.memory_space<semaphore_mem>>)
        %dma_wait3A_36 = arith.constant 0 : i32
        %dma_wait3A_37 = tpu.memref_slice %arg10[%mul3A_32, %dma_wait3A_36] : memref<10000x128xf32, #tpu.memory_space<vmem_shared>> -> memref<632x128xf32, #tpu.memory_space<vmem_shared>>
        %dma_wait3A_38 = arith.constant 0 : i32
        %dma_wait3A_39 = tpu.memref_slice %arg2[%mul3A_30, %dma_wait3A_38] : memref<10000x128xf32, #tpu.memory_space<hbm>> -> memref<632x128xf32, #tpu.memory_space<hbm>>
        tpu.wait_dma2 semaphore(%run_scoped3A : memref<!tpu.dma_semaphore, #tpu.memory_space<semaphore_mem>>) src(%dma_wait3A_39 : memref<632x128xf32, #tpu.memory_space<hbm>>) dst(%dma_wait3A_37 : memref<632x128xf32, #tpu.memory_space<vmem_shared>>)
        tpu.yield
      }) : () -> ()
    } else {
    }
    %eq3A = arith.constant 15 : i32
    %eq3A_3 = arith.cmpi eq, %arg1, %eq3A : i32
    %convert_element_type3A_4 = arith.extui %eq3A_3 : i1 to i32
    %cond3A_5 = arith.constant 0 : i32
    %cond3A_6 = arith.cmpi ne, %convert_element_type3A_4, %cond3A_5 : i32
    scf.if %cond3A_6 {
      "tpu.region"() ({
        %run_scoped3A = tpu.sem_alloc : memref<!tpu.dma_semaphore, #tpu.memory_space<semaphore_mem>>
        %dma_start3A = arith.constant 9480 : i32
        %dma_start3A_29 = arith.constant 0 : i32
        %dma_start3A_30 = tpu.memref_slice %arg10[%dma_start3A, %dma_start3A_29] : memref<10000x128xf32, #tpu.memory_space<vmem_shared>> -> memref<520x128xf32, #tpu.memory_space<vmem_shared>>
        %dma_start3A_31 = arith.constant 9480 : i32
        %dma_start3A_32 = arith.constant 0 : i32
        %dma_start3A_33 = tpu.memref_slice %arg2[%dma_start3A_31, %dma_start3A_32] : memref<10000x128xf32, #tpu.memory_space<hbm>> -> memref<520x128xf32, #tpu.memory_space<hbm>>
        tpu.enqueue_dma source(%dma_start3A_33 : memref<520x128xf32, #tpu.memory_space<hbm>>) target(%dma_start3A_30 : memref<520x128xf32, #tpu.memory_space<vmem_shared>>) target_semaphore(%run_scoped3A : memref<!tpu.dma_semaphore, #tpu.memory_space<semaphore_mem>>)
        %dma_wait3A_34 = arith.constant 9480 : i32
        %dma_wait3A_35 = arith.constant 0 : i32
        %dma_wait3A_36 = tpu.memref_slice %arg10[%dma_wait3A_34, %dma_wait3A_35] : memref<10000x128xf32, #tpu.memory_space<vmem_shared>> -> memref<520x128xf32, #tpu.memory_space<vmem_shared>>
        %dma_wait3A_37 = arith.constant 9480 : i32
        %dma_wait3A_38 = arith.constant 0 : i32
        %dma_wait3A_39 = tpu.memref_slice %arg2[%dma_wait3A_37, %dma_wait3A_38] : memref<10000x128xf32, #tpu.memory_space<hbm>> -> memref<520x128xf32, #tpu.memory_space<hbm>>
        tpu.wait_dma2 semaphore(%run_scoped3A : memref<!tpu.dma_semaphore, #tpu.memory_space<semaphore_mem>>) src(%dma_wait3A_39 : memref<520x128xf32, #tpu.memory_space<hbm>>) dst(%dma_wait3A_36 : memref<520x128xf32, #tpu.memory_space<vmem_shared>>)
        tpu.yield
      }) : () -> ()
    } else {
    }
    "tpu.region"() ({
      %run_scoped3A = tpu.sem_alloc : memref<!tpu.dma_semaphore, #tpu.memory_space<semaphore_mem>>
      %dma_start3A = arith.constant 0 : i32
      %dma_start3A_29 = arith.constant 0 : i32
      %dma_start3A_30 = tpu.memref_slice %arg3[%add3A, %dma_start3A, %dma_start3A_29] : memref<32x64x80xi32, #tpu.memory_space<hbm>> -> memref<1x64x80xi32, #tpu.memory_space<hbm>>
      %dma_start3A_31 = tpu.memref_squeeze %dma_start3A_30 : memref<1x64x80xi32, #tpu.memory_space<hbm>> -> memref<64x80xi32, #tpu.memory_space<hbm>>
      %dma_start3A_32 = arith.constant 0 : i32
      %dma_start3A_33 = arith.constant 0 : i32
      %dma_start3A_34 = tpu.memref_slice %arg3[%add3A, %dma_start3A_32, %dma_start3A_33] : memref<32x64x80xi32, #tpu.memory_space<hbm>> -> memref<1x64x80xi32, #tpu.memory_space<hbm>>
      %dma_start3A_35 = tpu.memref_squeeze %dma_start3A_34 : memref<1x64x80xi32, #tpu.memory_space<hbm>> -> memref<64x80xi32, #tpu.memory_space<hbm>>
      tpu.enqueue_dma source(%dma_start3A_35 : memref<64x80xi32, #tpu.memory_space<hbm>>) target(%arg5 : memref<64x80xi32, #tpu.memory_space<vmem>>) target_semaphore(%run_scoped3A : memref<!tpu.dma_semaphore, #tpu.memory_space<semaphore_mem>>)
      %dma_wait3A_36 = arith.constant 0 : i32
      %dma_wait3A_37 = arith.constant 0 : i32
      %dma_wait3A_38 = tpu.memref_slice %arg3[%add3A, %dma_wait3A_36, %dma_wait3A_37] : memref<32x64x80xi32, #tpu.memory_space<hbm>> -> memref<1x64x80xi32, #tpu.memory_space<hbm>>
      %dma_wait3A_39 = tpu.memref_squeeze %dma_wait3A_38 : memref<1x64x80xi32, #tpu.memory_space<hbm>> -> memref<64x80xi32, #tpu.memory_space<hbm>>
      %dma_wait3A_40 = arith.constant 0 : i32
      %dma_wait3A_41 = arith.constant 0 : i32
      %dma_wait3A_42 = tpu.memref_slice %arg3[%add3A, %dma_wait3A_40, %dma_wait3A_41] : memref<32x64x80xi32, #tpu.memory_space<hbm>> -> memref<1x64x80xi32, #tpu.memory_space<hbm>>
      %dma_wait3A_43 = tpu.memref_squeeze %dma_wait3A_42 : memref<1x64x80xi32, #tpu.memory_space<hbm>> -> memref<64x80xi32, #tpu.memory_space<hbm>>
      tpu.wait_dma2 semaphore(%run_scoped3A : memref<!tpu.dma_semaphore, #tpu.memory_space<semaphore_mem>>) src(%dma_wait3A_43 : memref<64x80xi32, #tpu.memory_space<hbm>>) dst(%arg5 : memref<64x80xi32, #tpu.memory_space<vmem>>)
      tpu.yield
    }) : () -> ()
    %barrier3A = arith.constant 0 : index
    tpu.barrier barrier_id(%barrier3A)
    %mul3A_7 = arith.constant 5120 : i32
    %mul3A_8 = arith.muli %add3A, %mul3A_7 : i32
    %scan3A = arith.constant 0 : i32
    %scan3A_9 = arith.constant 0 : i32
    %scan3A_10 = arith.constant 16 : i32
    %scan3A_11 = arith.addi %scan3A_9, %scan3A_10 : i32
    %scan3A_12 = arith.constant 1 : i32
    scf.for %scan3A_29 = %scan3A_9 to %scan3A_11 step %scan3A_12  : i32 {
      %mul3A_30 = arith.constant 4 : i32
      %mul3A_31 = arith.muli %scan3A_29, %mul3A_30 : i32
      %gt3A = arith.constant 0 : i32
      %gt3A_32 = arith.cmpi sgt, %scan3A_29, %gt3A : i32
      %convert_element_type3A_33 = arith.extui %gt3A_32 : i1 to i32
      %cond3A_34 = arith.constant 0 : i32
      %cond3A_35 = arith.cmpi ne, %convert_element_type3A_33, %cond3A_34 : i32
      scf.if %cond3A_35 {
        %dma_wait3A_135 = arith.constant 0 : i32
        %dma_wait3A_136 = tpu.memref_slice %arg4[%mul3A_8, %dma_wait3A_135] : memref<163840x128xf32, #tpu.memory_space<hbm>> -> memref<80x128xf32, #tpu.memory_space<hbm>>
        %dma_wait3A_137 = arith.constant 0 : i32
        %dma_wait3A_138 = tpu.memref_slice %arg4[%mul3A_8, %dma_wait3A_137] : memref<163840x128xf32, #tpu.memory_space<hbm>> -> memref<80x128xf32, #tpu.memory_space<hbm>>
        tpu.wait_dma2 semaphore(%arg12 : memref<!tpu.dma_semaphore, #tpu.memory_space<semaphore_mem>>) src(%arg6 : memref<80x128xf32, #tpu.memory_space<vmem>>) dst(%dma_wait3A_138 : memref<80x128xf32, #tpu.memory_space<hbm>>)
        %dma_wait3A_139 = arith.constant 0 : i32
        %dma_wait3A_140 = tpu.memref_slice %arg4[%mul3A_8, %dma_wait3A_139] : memref<163840x128xf32, #tpu.memory_space<hbm>> -> memref<80x128xf32, #tpu.memory_space<hbm>>
        %dma_wait3A_141 = arith.constant 0 : i32
        %dma_wait3A_142 = tpu.memref_slice %arg4[%mul3A_8, %dma_wait3A_141] : memref<163840x128xf32, #tpu.memory_space<hbm>> -> memref<80x128xf32, #tpu.memory_space<hbm>>
        tpu.wait_dma2 semaphore(%arg12 : memref<!tpu.dma_semaphore, #tpu.memory_space<semaphore_mem>>) src(%arg7 : memref<80x128xf32, #tpu.memory_space<vmem>>) dst(%dma_wait3A_142 : memref<80x128xf32, #tpu.memory_space<hbm>>)
        %dma_wait3A_143 = arith.constant 0 : i32
        %dma_wait3A_144 = tpu.memref_slice %arg4[%mul3A_8, %dma_wait3A_143] : memref<163840x128xf32, #tpu.memory_space<hbm>> -> memref<80x128xf32, #tpu.memory_space<hbm>>
        %dma_wait3A_145 = arith.constant 0 : i32
        %dma_wait3A_146 = tpu.memref_slice %arg4[%mul3A_8, %dma_wait3A_145] : memref<163840x128xf32, #tpu.memory_space<hbm>> -> memref<80x128xf32, #tpu.memory_space<hbm>>
        tpu.wait_dma2 semaphore(%arg12 : memref<!tpu.dma_semaphore, #tpu.memory_space<semaphore_mem>>) src(%arg8 : memref<80x128xf32, #tpu.memory_space<vmem>>) dst(%dma_wait3A_146 : memref<80x128xf32, #tpu.memory_space<hbm>>)
        %dma_wait3A_147 = arith.constant 0 : i32
        %dma_wait3A_148 = tpu.memref_slice %arg4[%mul3A_8, %dma_wait3A_147] : memref<163840x128xf32, #tpu.memory_space<hbm>> -> memref<80x128xf32, #tpu.memory_space<hbm>>
        %dma_wait3A_149 = arith.constant 0 : i32
        %dma_wait3A_150 = tpu.memref_slice %arg4[%mul3A_8, %dma_wait3A_149] : memref<163840x128xf32, #tpu.memory_space<hbm>> -> memref<80x128xf32, #tpu.memory_space<hbm>>
        tpu.wait_dma2 semaphore(%arg12 : memref<!tpu.dma_semaphore, #tpu.memory_space<semaphore_mem>>) src(%arg9 : memref<80x128xf32, #tpu.memory_space<vmem>>) dst(%dma_wait3A_150 : memref<80x128xf32, #tpu.memory_space<hbm>>)
      } else {
      }
      %add3A_36 = arith.constant 0 : i32
      %add3A_37 = arith.addi %mul3A_31, %add3A_36 : i32
      %dma_start3A = arith.constant 0 : i32
      %dma_start3A_38 = tpu.memref_slice %arg5[%add3A_37, %dma_start3A] : memref<64x80xi32, #tpu.memory_space<vmem>> -> memref<1x80xi32, #tpu.memory_space<vmem>>
      %dma_start3A_39 = tpu.memref_squeeze %dma_start3A_38 : memref<1x80xi32, #tpu.memory_space<vmem>> -> memref<80xi32, #tpu.memory_space<vmem>>
      %dma_start3A_40 = arith.constant 0 : i32
      %dma_start3A_41 = arith.constant 0 : i32
      %dma_start3A_42 = tpu.memref_slice %arg10[%dma_start3A_40, %dma_start3A_41] : memref<10000x128xf32, #tpu.memory_space<vmem_shared>> -> memref<10000x128xf32, #tpu.memory_space<vmem_shared>>
      tpu.enqueue_indirect_dma source(%dma_start3A_42 : memref<10000x128xf32, #tpu.memory_space<vmem_shared>>) target(%arg6 : memref<80x128xf32, #tpu.memory_space<vmem>>) offsets(%dma_start3A_39 : memref<80xi32, #tpu.memory_space<vmem>>) semaphore(%arg11 : memref<!tpu.dma_semaphore, #tpu.memory_space<semaphore_mem>>)
      %add3A_43 = arith.constant 1 : i32
      %add3A_44 = arith.addi %mul3A_31, %add3A_43 : i32
      %dma_start3A_45 = arith.constant 0 : i32
      %dma_start3A_46 = tpu.memref_slice %arg5[%add3A_44, %dma_start3A_45] : memref<64x80xi32, #tpu.memory_space<vmem>> -> memref<1x80xi32, #tpu.memory_space<vmem>>
      %dma_start3A_47 = tpu.memref_squeeze %dma_start3A_46 : memref<1x80xi32, #tpu.memory_space<vmem>> -> memref<80xi32, #tpu.memory_space<vmem>>
      %dma_start3A_48 = arith.constant 0 : i32
      %dma_start3A_49 = arith.constant 0 : i32
      %dma_start3A_50 = tpu.memref_slice %arg10[%dma_start3A_48, %dma_start3A_49] : memref<10000x128xf32, #tpu.memory_space<vmem_shared>> -> memref<10000x128xf32, #tpu.memory_space<vmem_shared>>
      tpu.enqueue_indirect_dma source(%dma_start3A_50 : memref<10000x128xf32, #tpu.memory_space<vmem_shared>>) target(%arg7 : memref<80x128xf32, #tpu.memory_space<vmem>>) offsets(%dma_start3A_47 : memref<80xi32, #tpu.memory_space<vmem>>) semaphore(%arg11 : memref<!tpu.dma_semaphore, #tpu.memory_space<semaphore_mem>>)
      %add3A_51 = arith.constant 2 : i32
      %add3A_52 = arith.addi %mul3A_31, %add3A_51 : i32
      %dma_start3A_53 = arith.constant 0 : i32
      %dma_start3A_54 = tpu.memref_slice %arg5[%add3A_52, %dma_start3A_53] : memref<64x80xi32, #tpu.memory_space<vmem>> -> memref<1x80xi32, #tpu.memory_space<vmem>>
      %dma_start3A_55 = tpu.memref_squeeze %dma_start3A_54 : memref<1x80xi32, #tpu.memory_space<vmem>> -> memref<80xi32, #tpu.memory_space<vmem>>
      %dma_start3A_56 = arith.constant 0 : i32
      %dma_start3A_57 = arith.constant 0 : i32
      %dma_start3A_58 = tpu.memref_slice %arg10[%dma_start3A_56, %dma_start3A_57] : memref<10000x128xf32, #tpu.memory_space<vmem_shared>> -> memref<10000x128xf32, #tpu.memory_space<vmem_shared>>
      tpu.enqueue_indirect_dma source(%dma_start3A_58 : memref<10000x128xf32, #tpu.memory_space<vmem_shared>>) target(%arg8 : memref<80x128xf32, #tpu.memory_space<vmem>>) offsets(%dma_start3A_55 : memref<80xi32, #tpu.memory_space<vmem>>) semaphore(%arg11 : memref<!tpu.dma_semaphore, #tpu.memory_space<semaphore_mem>>)
      %add3A_59 = arith.constant 3 : i32
      %add3A_60 = arith.addi %mul3A_31, %add3A_59 : i32
      %dma_start3A_61 = arith.constant 0 : i32
      %dma_start3A_62 = tpu.memref_slice %arg5[%add3A_60, %dma_start3A_61] : memref<64x80xi32, #tpu.memory_space<vmem>> -> memref<1x80xi32, #tpu.memory_space<vmem>>
      %dma_start3A_63 = tpu.memref_squeeze %dma_start3A_62 : memref<1x80xi32, #tpu.memory_space<vmem>> -> memref<80xi32, #tpu.memory_space<vmem>>
      %dma_start3A_64 = arith.constant 0 : i32
      %dma_start3A_65 = arith.constant 0 : i32
      %dma_start3A_66 = tpu.memref_slice %arg10[%dma_start3A_64, %dma_start3A_65] : memref<10000x128xf32, #tpu.memory_space<vmem_shared>> -> memref<10000x128xf32, #tpu.memory_space<vmem_shared>>
      tpu.enqueue_indirect_dma source(%dma_start3A_66 : memref<10000x128xf32, #tpu.memory_space<vmem_shared>>) target(%arg9 : memref<80x128xf32, #tpu.memory_space<vmem>>) offsets(%dma_start3A_63 : memref<80xi32, #tpu.memory_space<vmem>>) semaphore(%arg11 : memref<!tpu.dma_semaphore, #tpu.memory_space<semaphore_mem>>)
      %add3A_67 = arith.constant 0 : i32
      %add3A_68 = arith.addi %mul3A_31, %add3A_67 : i32
      %dma_wait3A_69 = arith.constant 0 : i32
      %dma_wait3A_70 = tpu.memref_slice %arg5[%add3A_68, %dma_wait3A_69] : memref<64x80xi32, #tpu.memory_space<vmem>> -> memref<1x80xi32, #tpu.memory_space<vmem>>
      %dma_wait3A_71 = tpu.memref_squeeze %dma_wait3A_70 : memref<1x80xi32, #tpu.memory_space<vmem>> -> memref<80xi32, #tpu.memory_space<vmem>>
      %dma_wait3A_72 = arith.constant 0 : i32
      %dma_wait3A_73 = arith.constant 0 : i32
      %dma_wait3A_74 = tpu.memref_slice %arg10[%dma_wait3A_72, %dma_wait3A_73] : memref<10000x128xf32, #tpu.memory_space<vmem_shared>> -> memref<10000x128xf32, #tpu.memory_space<vmem_shared>>
      tpu.wait_indirect_dma semaphore(%arg11 : memref<!tpu.dma_semaphore, #tpu.memory_space<semaphore_mem>>) src(%dma_wait3A_74 : memref<10000x128xf32, #tpu.memory_space<vmem_shared>>) dst(%arg6 : memref<80x128xf32, #tpu.memory_space<vmem>>)
      %add3A_75 = arith.constant 1 : i32
      %add3A_76 = arith.addi %mul3A_31, %add3A_75 : i32
      %dma_wait3A_77 = arith.constant 0 : i32
      %dma_wait3A_78 = tpu.memref_slice %arg5[%add3A_76, %dma_wait3A_77] : memref<64x80xi32, #tpu.memory_space<vmem>> -> memref<1x80xi32, #tpu.memory_space<vmem>>
      %dma_wait3A_79 = tpu.memref_squeeze %dma_wait3A_78 : memref<1x80xi32, #tpu.memory_space<vmem>> -> memref<80xi32, #tpu.memory_space<vmem>>
      %dma_wait3A_80 = arith.constant 0 : i32
      %dma_wait3A_81 = arith.constant 0 : i32
      %dma_wait3A_82 = tpu.memref_slice %arg10[%dma_wait3A_80, %dma_wait3A_81] : memref<10000x128xf32, #tpu.memory_space<vmem_shared>> -> memref<10000x128xf32, #tpu.memory_space<vmem_shared>>
      tpu.wait_indirect_dma semaphore(%arg11 : memref<!tpu.dma_semaphore, #tpu.memory_space<semaphore_mem>>) src(%dma_wait3A_82 : memref<10000x128xf32, #tpu.memory_space<vmem_shared>>) dst(%arg7 : memref<80x128xf32, #tpu.memory_space<vmem>>)
      %add3A_83 = arith.constant 2 : i32
      %add3A_84 = arith.addi %mul3A_31, %add3A_83 : i32
      %dma_wait3A_85 = arith.constant 0 : i32
      %dma_wait3A_86 = tpu.memref_slice %arg5[%add3A_84, %dma_wait3A_85] : memref<64x80xi32, #tpu.memory_space<vmem>> -> memref<1x80xi32, #tpu.memory_space<vmem>>
      %dma_wait3A_87 = tpu.memref_squeeze %dma_wait3A_86 : memref<1x80xi32, #tpu.memory_space<vmem>> -> memref<80xi32, #tpu.memory_space<vmem>>
      %dma_wait3A_88 = arith.constant 0 : i32
      %dma_wait3A_89 = arith.constant 0 : i32
      %dma_wait3A_90 = tpu.memref_slice %arg10[%dma_wait3A_88, %dma_wait3A_89] : memref<10000x128xf32, #tpu.memory_space<vmem_shared>> -> memref<10000x128xf32, #tpu.memory_space<vmem_shared>>
      tpu.wait_indirect_dma semaphore(%arg11 : memref<!tpu.dma_semaphore, #tpu.memory_space<semaphore_mem>>) src(%dma_wait3A_90 : memref<10000x128xf32, #tpu.memory_space<vmem_shared>>) dst(%arg8 : memref<80x128xf32, #tpu.memory_space<vmem>>)
      %add3A_91 = arith.constant 3 : i32
      %add3A_92 = arith.addi %mul3A_31, %add3A_91 : i32
      %dma_wait3A_93 = arith.constant 0 : i32
      %dma_wait3A_94 = tpu.memref_slice %arg5[%add3A_92, %dma_wait3A_93] : memref<64x80xi32, #tpu.memory_space<vmem>> -> memref<1x80xi32, #tpu.memory_space<vmem>>
      %dma_wait3A_95 = tpu.memref_squeeze %dma_wait3A_94 : memref<1x80xi32, #tpu.memory_space<vmem>> -> memref<80xi32, #tpu.memory_space<vmem>>
      %dma_wait3A_96 = arith.constant 0 : i32
      %dma_wait3A_97 = arith.constant 0 : i32
      %dma_wait3A_98 = tpu.memref_slice %arg10[%dma_wait3A_96, %dma_wait3A_97] : memref<10000x128xf32, #tpu.memory_space<vmem_shared>> -> memref<10000x128xf32, #tpu.memory_space<vmem_shared>>
      tpu.wait_indirect_dma semaphore(%arg11 : memref<!tpu.dma_semaphore, #tpu.memory_space<semaphore_mem>>) src(%dma_wait3A_98 : memref<10000x128xf32, #tpu.memory_space<vmem_shared>>) dst(%arg9 : memref<80x128xf32, #tpu.memory_space<vmem>>)
      %add3A_99 = arith.constant 0 : i32
      %add3A_100 = arith.addi %mul3A_31, %add3A_99 : i32
      %mul3A_101 = arith.constant 80 : i32
      %mul3A_102 = arith.muli %add3A_100, %mul3A_101 : i32
      %add3A_103 = arith.addi %mul3A_8, %mul3A_102 : i32
      %dma_start3A_104 = arith.constant 0 : i32
      %dma_start3A_105 = tpu.memref_slice %arg4[%add3A_103, %dma_start3A_104] : memref<163840x128xf32, #tpu.memory_space<hbm>> -> memref<80x128xf32, #tpu.memory_space<hbm>>
      %dma_start3A_106 = arith.constant 0 : i32
      %dma_start3A_107 = tpu.memref_slice %arg4[%add3A_103, %dma_start3A_106] : memref<163840x128xf32, #tpu.memory_space<hbm>> -> memref<80x128xf32, #tpu.memory_space<hbm>>
      tpu.enqueue_dma source(%arg6 : memref<80x128xf32, #tpu.memory_space<vmem>>) target(%dma_start3A_107 : memref<80x128xf32, #tpu.memory_space<hbm>>) target_semaphore(%arg12 : memref<!tpu.dma_semaphore, #tpu.memory_space<semaphore_mem>>)
      %add3A_108 = arith.constant 1 : i32
      %add3A_109 = arith.addi %mul3A_31, %add3A_108 : i32
      %mul3A_110 = arith.constant 80 : i32
      %mul3A_111 = arith.muli %add3A_109, %mul3A_110 : i32
      %add3A_112 = arith.addi %mul3A_8, %mul3A_111 : i32
      %dma_start3A_113 = arith.constant 0 : i32
      %dma_start3A_114 = tpu.memref_slice %arg4[%add3A_112, %dma_start3A_113] : memref<163840x128xf32, #tpu.memory_space<hbm>> -> memref<80x128xf32, #tpu.memory_space<hbm>>
      %dma_start3A_115 = arith.constant 0 : i32
      %dma_start3A_116 = tpu.memref_slice %arg4[%add3A_112, %dma_start3A_115] : memref<163840x128xf32, #tpu.memory_space<hbm>> -> memref<80x128xf32, #tpu.memory_space<hbm>>
      tpu.enqueue_dma source(%arg7 : memref<80x128xf32, #tpu.memory_space<vmem>>) target(%dma_start3A_116 : memref<80x128xf32, #tpu.memory_space<hbm>>) target_semaphore(%arg12 : memref<!tpu.dma_semaphore, #tpu.memory_space<semaphore_mem>>)
      %add3A_117 = arith.constant 2 : i32
      %add3A_118 = arith.addi %mul3A_31, %add3A_117 : i32
      %mul3A_119 = arith.constant 80 : i32
      %mul3A_120 = arith.muli %add3A_118, %mul3A_119 : i32
      %add3A_121 = arith.addi %mul3A_8, %mul3A_120 : i32
      %dma_start3A_122 = arith.constant 0 : i32
      %dma_start3A_123 = tpu.memref_slice %arg4[%add3A_121, %dma_start3A_122] : memref<163840x128xf32, #tpu.memory_space<hbm>> -> memref<80x128xf32, #tpu.memory_space<hbm>>
      %dma_start3A_124 = arith.constant 0 : i32
      %dma_start3A_125 = tpu.memref_slice %arg4[%add3A_121, %dma_start3A_124] : memref<163840x128xf32, #tpu.memory_space<hbm>> -> memref<80x128xf32, #tpu.memory_space<hbm>>
      tpu.enqueue_dma source(%arg8 : memref<80x128xf32, #tpu.memory_space<vmem>>) target(%dma_start3A_125 : memref<80x128xf32, #tpu.memory_space<hbm>>) target_semaphore(%arg12 : memref<!tpu.dma_semaphore, #tpu.memory_space<semaphore_mem>>)
      %add3A_126 = arith.constant 3 : i32
      %add3A_127 = arith.addi %mul3A_31, %add3A_126 : i32
      %mul3A_128 = arith.constant 80 : i32
      %mul3A_129 = arith.muli %add3A_127, %mul3A_128 : i32
      %add3A_130 = arith.addi %mul3A_8, %mul3A_129 : i32
      %dma_start3A_131 = arith.constant 0 : i32
      %dma_start3A_132 = tpu.memref_slice %arg4[%add3A_130, %dma_start3A_131] : memref<163840x128xf32, #tpu.memory_space<hbm>> -> memref<80x128xf32, #tpu.memory_space<hbm>>
      %dma_start3A_133 = arith.constant 0 : i32
      %dma_start3A_134 = tpu.memref_slice %arg4[%add3A_130, %dma_start3A_133] : memref<163840x128xf32, #tpu.memory_space<hbm>> -> memref<80x128xf32, #tpu.memory_space<hbm>>
      tpu.enqueue_dma source(%arg9 : memref<80x128xf32, #tpu.memory_space<vmem>>) target(%dma_start3A_134 : memref<80x128xf32, #tpu.memory_space<hbm>>) target_semaphore(%arg12 : memref<!tpu.dma_semaphore, #tpu.memory_space<semaphore_mem>>)
    }
    %scan3A_13 = arith.constant 16 : i32
    %dma_wait3A = arith.constant 0 : i32
    %dma_wait3A_14 = tpu.memref_slice %arg4[%mul3A_8, %dma_wait3A] : memref<163840x128xf32, #tpu.memory_space<hbm>> -> memref<80x128xf32, #tpu.memory_space<hbm>>
    %dma_wait3A_15 = arith.constant 0 : i32
    %dma_wait3A_16 = tpu.memref_slice %arg4[%mul3A_8, %dma_wait3A_15] : memref<163840x128xf32, #tpu.memory_space<hbm>> -> memref<80x128xf32, #tpu.memory_space<hbm>>
    tpu.wait_dma2 semaphore(%arg12 : memref<!tpu.dma_semaphore, #tpu.memory_space<semaphore_mem>>) src(%arg6 : memref<80x128xf32, #tpu.memory_space<vmem>>) dst(%dma_wait3A_16 : memref<80x128xf32, #tpu.memory_space<hbm>>)
    %dma_wait3A_17 = arith.constant 0 : i32
    %dma_wait3A_18 = tpu.memref_slice %arg4[%mul3A_8, %dma_wait3A_17] : memref<163840x128xf32, #tpu.memory_space<hbm>> -> memref<80x128xf32, #tpu.memory_space<hbm>>
    %dma_wait3A_19 = arith.constant 0 : i32
    %dma_wait3A_20 = tpu.memref_slice %arg4[%mul3A_8, %dma_wait3A_19] : memref<163840x128xf32, #tpu.memory_space<hbm>> -> memref<80x128xf32, #tpu.memory_space<hbm>>
    tpu.wait_dma2 semaphore(%arg12 : memref<!tpu.dma_semaphore, #tpu.memory_space<semaphore_mem>>) src(%arg7 : memref<80x128xf32, #tpu.memory_space<vmem>>) dst(%dma_wait3A_20 : memref<80x128xf32, #tpu.memory_space<hbm>>)
    %dma_wait3A_21 = arith.constant 0 : i32
    %dma_wait3A_22 = tpu.memref_slice %arg4[%mul3A_8, %dma_wait3A_21] : memref<163840x128xf32, #tpu.memory_space<hbm>> -> memref<80x128xf32, #tpu.memory_space<hbm>>
    %dma_wait3A_23 = arith.constant 0 : i32
    %dma_wait3A_24 = tpu.memref_slice %arg4[%mul3A_8, %dma_wait3A_23] : memref<163840x128xf32, #tpu.memory_space<hbm>> -> memref<80x128xf32, #tpu.memory_space<hbm>>
    tpu.wait_dma2 semaphore(%arg12 : memref<!tpu.dma_semaphore, #tpu.memory_space<semaphore_mem>>) src(%arg8 : memref<80x128xf32, #tpu.memory_space<vmem>>) dst(%dma_wait3A_24 : memref<80x128xf32, #tpu.memory_space<hbm>>)
    %dma_wait3A_25 = arith.constant 0 : i32
    %dma_wait3A_26 = tpu.memref_slice %arg4[%mul3A_8, %dma_wait3A_25] : memref<163840x128xf32, #tpu.memory_space<hbm>> -> memref<80x128xf32, #tpu.memory_space<hbm>>
    %dma_wait3A_27 = arith.constant 0 : i32
    %dma_wait3A_28 = tpu.memref_slice %arg4[%mul3A_8, %dma_wait3A_27] : memref<163840x128xf32, #tpu.memory_space<hbm>> -> memref<80x128xf32, #tpu.memory_space<hbm>>
    tpu.wait_dma2 semaphore(%arg12 : memref<!tpu.dma_semaphore, #tpu.memory_space<semaphore_mem>>) src(%arg9 : memref<80x128xf32, #tpu.memory_space<vmem>>) dst(%dma_wait3A_28 : memref<80x128xf32, #tpu.memory_space<hbm>>)
    return
  }
}

#map = affine_map<(d0, d1) -> (0, 0)>
#map1 = affine_map<(d0, d1) -> (0, 0, 0)>
module attributes {stable_mosaic.version = 14 : i64} {
  func.func @sc_scatter(%arg0: i32, %arg1: i32, %arg2: memref<163840x128xf32, #tpu.memory_space<hbm>>, %arg3: memref<32x64x80xi32, #tpu.memory_space<hbm>>, %arg4: memref<2x10240x128xf32, #tpu.memory_space<hbm>>, %arg5: memref<2x10240x128xf32, #tpu.memory_space<hbm>>, %arg6: memref<64x80xi32, #tpu.memory_space<vmem>>, %arg7: memref<80x128xf32, #tpu.memory_space<vmem>>, %arg8: memref<80x128xf32, #tpu.memory_space<vmem>>, %arg9: memref<80x128xf32, #tpu.memory_space<vmem>>, %arg10: memref<80x128xf32, #tpu.memory_space<vmem>>, %arg11: memref<10240x128xf32, #tpu.memory_space<vmem_shared>>, %arg12: memref<!tpu.dma_semaphore, #tpu.memory_space<semaphore_mem>>, %arg13: memref<!tpu.dma_semaphore, #tpu.memory_space<semaphore_mem>>) attributes {dimension_semantics = [#tpu.dimension_semantics<core_parallel>, #tpu.dimension_semantics<subcore_parallel>], iteration_bounds = array<i64: 2, 16>, scalar_prefetch = 0 : i64, scratch_operands = 8 : i64, tpu.core_type = #tpu.core_type<sc_vector_subcore>, window_params = [{transform_indices = #map}, {transform_indices = #map1}, {transform_indices = #map1}, {transform_indices = #map1}]} {
    %mul3A = arith.constant 2 : i32
    %mul3A_0 = arith.muli %arg1, %mul3A : i32
    %add3A = arith.addi %mul3A_0, %arg0 : i32
    %mul3A_1 = arith.constant 640 : i32
    %mul3A_2 = arith.muli %arg1, %mul3A_1 : i32
    %mul3A_3 = arith.constant 640 : i32
    %mul3A_4 = arith.muli %arg1, %mul3A_3 : i32
    "tpu.region"() ({
      %run_scoped3A = tpu.sem_alloc : memref<!tpu.dma_semaphore, #tpu.memory_space<semaphore_mem>>
      %dma_start3A = arith.constant 0 : i32
      %dma_start3A_44 = tpu.memref_slice %arg11[%mul3A_4, %dma_start3A] : memref<10240x128xf32, #tpu.memory_space<vmem_shared>> -> memref<640x128xf32, #tpu.memory_space<vmem_shared>>
      %dma_start3A_45 = arith.constant 0 : i32
      %dma_start3A_46 = tpu.memref_slice %arg4[%arg0, %mul3A_2, %dma_start3A_45] : memref<2x10240x128xf32, #tpu.memory_space<hbm>> -> memref<1x640x128xf32, #tpu.memory_space<hbm>>
      %dma_start3A_47 = tpu.memref_squeeze %dma_start3A_46 : memref<1x640x128xf32, #tpu.memory_space<hbm>> -> memref<640x128xf32, #tpu.memory_space<hbm>>
      tpu.enqueue_dma source(%dma_start3A_47 : memref<640x128xf32, #tpu.memory_space<hbm>>) target(%dma_start3A_44 : memref<640x128xf32, #tpu.memory_space<vmem_shared>>) target_semaphore(%run_scoped3A : memref<!tpu.dma_semaphore, #tpu.memory_space<semaphore_mem>>)
      %dma_wait3A_48 = arith.constant 0 : i32
      %dma_wait3A_49 = tpu.memref_slice %arg11[%mul3A_4, %dma_wait3A_48] : memref<10240x128xf32, #tpu.memory_space<vmem_shared>> -> memref<640x128xf32, #tpu.memory_space<vmem_shared>>
      %dma_wait3A_50 = arith.constant 0 : i32
      %dma_wait3A_51 = tpu.memref_slice %arg4[%arg0, %mul3A_2, %dma_wait3A_50] : memref<2x10240x128xf32, #tpu.memory_space<hbm>> -> memref<1x640x128xf32, #tpu.memory_space<hbm>>
      %dma_wait3A_52 = tpu.memref_squeeze %dma_wait3A_51 : memref<1x640x128xf32, #tpu.memory_space<hbm>> -> memref<640x128xf32, #tpu.memory_space<hbm>>
      tpu.wait_dma2 semaphore(%run_scoped3A : memref<!tpu.dma_semaphore, #tpu.memory_space<semaphore_mem>>) src(%dma_wait3A_52 : memref<640x128xf32, #tpu.memory_space<hbm>>) dst(%dma_wait3A_49 : memref<640x128xf32, #tpu.memory_space<vmem_shared>>)
      tpu.yield
    }) : () -> ()
    "tpu.region"() ({
      %run_scoped3A = tpu.sem_alloc : memref<!tpu.dma_semaphore, #tpu.memory_space<semaphore_mem>>
      %dma_start3A = arith.constant 0 : i32
      %dma_start3A_44 = arith.constant 0 : i32
      %dma_start3A_45 = tpu.memref_slice %arg3[%add3A, %dma_start3A, %dma_start3A_44] : memref<32x64x80xi32, #tpu.memory_space<hbm>> -> memref<1x64x80xi32, #tpu.memory_space<hbm>>
      %dma_start3A_46 = tpu.memref_squeeze %dma_start3A_45 : memref<1x64x80xi32, #tpu.memory_space<hbm>> -> memref<64x80xi32, #tpu.memory_space<hbm>>
      %dma_start3A_47 = arith.constant 0 : i32
      %dma_start3A_48 = arith.constant 0 : i32
      %dma_start3A_49 = tpu.memref_slice %arg3[%add3A, %dma_start3A_47, %dma_start3A_48] : memref<32x64x80xi32, #tpu.memory_space<hbm>> -> memref<1x64x80xi32, #tpu.memory_space<hbm>>
      %dma_start3A_50 = tpu.memref_squeeze %dma_start3A_49 : memref<1x64x80xi32, #tpu.memory_space<hbm>> -> memref<64x80xi32, #tpu.memory_space<hbm>>
      tpu.enqueue_dma source(%dma_start3A_50 : memref<64x80xi32, #tpu.memory_space<hbm>>) target(%arg6 : memref<64x80xi32, #tpu.memory_space<vmem>>) target_semaphore(%run_scoped3A : memref<!tpu.dma_semaphore, #tpu.memory_space<semaphore_mem>>)
      %dma_wait3A_51 = arith.constant 0 : i32
      %dma_wait3A_52 = arith.constant 0 : i32
      %dma_wait3A_53 = tpu.memref_slice %arg3[%add3A, %dma_wait3A_51, %dma_wait3A_52] : memref<32x64x80xi32, #tpu.memory_space<hbm>> -> memref<1x64x80xi32, #tpu.memory_space<hbm>>
      %dma_wait3A_54 = tpu.memref_squeeze %dma_wait3A_53 : memref<1x64x80xi32, #tpu.memory_space<hbm>> -> memref<64x80xi32, #tpu.memory_space<hbm>>
      %dma_wait3A_55 = arith.constant 0 : i32
      %dma_wait3A_56 = arith.constant 0 : i32
      %dma_wait3A_57 = tpu.memref_slice %arg3[%add3A, %dma_wait3A_55, %dma_wait3A_56] : memref<32x64x80xi32, #tpu.memory_space<hbm>> -> memref<1x64x80xi32, #tpu.memory_space<hbm>>
      %dma_wait3A_58 = tpu.memref_squeeze %dma_wait3A_57 : memref<1x64x80xi32, #tpu.memory_space<hbm>> -> memref<64x80xi32, #tpu.memory_space<hbm>>
      tpu.wait_dma2 semaphore(%run_scoped3A : memref<!tpu.dma_semaphore, #tpu.memory_space<semaphore_mem>>) src(%dma_wait3A_58 : memref<64x80xi32, #tpu.memory_space<hbm>>) dst(%arg6 : memref<64x80xi32, #tpu.memory_space<vmem>>)
      tpu.yield
    }) : () -> ()
    %barrier3A = arith.constant 0 : index
    tpu.barrier barrier_id(%barrier3A)
    %mul3A_5 = arith.constant 5120 : i32
    %mul3A_6 = arith.muli %add3A, %mul3A_5 : i32
    %scan3A = arith.constant 0 : i32
    %scan3A_7 = arith.constant 0 : i32
    %scan3A_8 = arith.constant 16 : i32
    %scan3A_9 = arith.addi %scan3A_7, %scan3A_8 : i32
    %scan3A_10 = arith.constant 1 : i32
    scf.for %scan3A_44 = %scan3A_7 to %scan3A_9 step %scan3A_10  : i32 {
      %mul3A_45 = arith.constant 4 : i32
      %mul3A_46 = arith.muli %scan3A_44, %mul3A_45 : i32
      %gt3A = arith.constant 0 : i32
      %gt3A_47 = arith.cmpi sgt, %scan3A_44, %gt3A : i32
      %convert_element_type3A = arith.extui %gt3A_47 : i1 to i32
      %cond3A = arith.constant 0 : i32
      %cond3A_48 = arith.cmpi ne, %convert_element_type3A, %cond3A : i32
      scf.if %cond3A_48 {
        %add3A_152 = arith.constant 0 : i32
        %add3A_153 = arith.addi %mul3A_46, %add3A_152 : i32
        %dma_wait3A_154 = arith.constant 0 : i32
        %dma_wait3A_155 = tpu.memref_slice %arg6[%add3A_153, %dma_wait3A_154] : memref<64x80xi32, #tpu.memory_space<vmem>> -> memref<1x80xi32, #tpu.memory_space<vmem>>
        %dma_wait3A_156 = tpu.memref_squeeze %dma_wait3A_155 : memref<1x80xi32, #tpu.memory_space<vmem>> -> memref<80xi32, #tpu.memory_space<vmem>>
        %dma_wait3A_157 = arith.constant 0 : i32
        %dma_wait3A_158 = arith.constant 0 : i32
        %dma_wait3A_159 = tpu.memref_slice %arg11[%dma_wait3A_157, %dma_wait3A_158] : memref<10240x128xf32, #tpu.memory_space<vmem_shared>> -> memref<10240x128xf32, #tpu.memory_space<vmem_shared>>
        tpu.wait_indirect_dma semaphore(%arg13 : memref<!tpu.dma_semaphore, #tpu.memory_space<semaphore_mem>>) src(%arg7 : memref<80x128xf32, #tpu.memory_space<vmem>>) dst(%dma_wait3A_159 : memref<10240x128xf32, #tpu.memory_space<vmem_shared>>)
        %add3A_160 = arith.constant 1 : i32
        %add3A_161 = arith.addi %mul3A_46, %add3A_160 : i32
        %dma_wait3A_162 = arith.constant 0 : i32
        %dma_wait3A_163 = tpu.memref_slice %arg6[%add3A_161, %dma_wait3A_162] : memref<64x80xi32, #tpu.memory_space<vmem>> -> memref<1x80xi32, #tpu.memory_space<vmem>>
        %dma_wait3A_164 = tpu.memref_squeeze %dma_wait3A_163 : memref<1x80xi32, #tpu.memory_space<vmem>> -> memref<80xi32, #tpu.memory_space<vmem>>
        %dma_wait3A_165 = arith.constant 0 : i32
        %dma_wait3A_166 = arith.constant 0 : i32
        %dma_wait3A_167 = tpu.memref_slice %arg11[%dma_wait3A_165, %dma_wait3A_166] : memref<10240x128xf32, #tpu.memory_space<vmem_shared>> -> memref<10240x128xf32, #tpu.memory_space<vmem_shared>>
        tpu.wait_indirect_dma semaphore(%arg13 : memref<!tpu.dma_semaphore, #tpu.memory_space<semaphore_mem>>) src(%arg8 : memref<80x128xf32, #tpu.memory_space<vmem>>) dst(%dma_wait3A_167 : memref<10240x128xf32, #tpu.memory_space<vmem_shared>>)
        %add3A_168 = arith.constant 2 : i32
        %add3A_169 = arith.addi %mul3A_46, %add3A_168 : i32
        %dma_wait3A_170 = arith.constant 0 : i32
        %dma_wait3A_171 = tpu.memref_slice %arg6[%add3A_169, %dma_wait3A_170] : memref<64x80xi32, #tpu.memory_space<vmem>> -> memref<1x80xi32, #tpu.memory_space<vmem>>
        %dma_wait3A_172 = tpu.memref_squeeze %dma_wait3A_171 : memref<1x80xi32, #tpu.memory_space<vmem>> -> memref<80xi32, #tpu.memory_space<vmem>>
        %dma_wait3A_173 = arith.constant 0 : i32
        %dma_wait3A_174 = arith.constant 0 : i32
        %dma_wait3A_175 = tpu.memref_slice %arg11[%dma_wait3A_173, %dma_wait3A_174] : memref<10240x128xf32, #tpu.memory_space<vmem_shared>> -> memref<10240x128xf32, #tpu.memory_space<vmem_shared>>
        tpu.wait_indirect_dma semaphore(%arg13 : memref<!tpu.dma_semaphore, #tpu.memory_space<semaphore_mem>>) src(%arg9 : memref<80x128xf32, #tpu.memory_space<vmem>>) dst(%dma_wait3A_175 : memref<10240x128xf32, #tpu.memory_space<vmem_shared>>)
        %add3A_176 = arith.constant 3 : i32
        %add3A_177 = arith.addi %mul3A_46, %add3A_176 : i32
        %dma_wait3A_178 = arith.constant 0 : i32
        %dma_wait3A_179 = tpu.memref_slice %arg6[%add3A_177, %dma_wait3A_178] : memref<64x80xi32, #tpu.memory_space<vmem>> -> memref<1x80xi32, #tpu.memory_space<vmem>>
        %dma_wait3A_180 = tpu.memref_squeeze %dma_wait3A_179 : memref<1x80xi32, #tpu.memory_space<vmem>> -> memref<80xi32, #tpu.memory_space<vmem>>
        %dma_wait3A_181 = arith.constant 0 : i32
        %dma_wait3A_182 = arith.constant 0 : i32
        %dma_wait3A_183 = tpu.memref_slice %arg11[%dma_wait3A_181, %dma_wait3A_182] : memref<10240x128xf32, #tpu.memory_space<vmem_shared>> -> memref<10240x128xf32, #tpu.memory_space<vmem_shared>>
        tpu.wait_indirect_dma semaphore(%arg13 : memref<!tpu.dma_semaphore, #tpu.memory_space<semaphore_mem>>) src(%arg10 : memref<80x128xf32, #tpu.memory_space<vmem>>) dst(%dma_wait3A_183 : memref<10240x128xf32, #tpu.memory_space<vmem_shared>>)
      } else {
      }
      %add3A_49 = arith.constant 0 : i32
      %add3A_50 = arith.addi %mul3A_46, %add3A_49 : i32
      %mul3A_51 = arith.constant 80 : i32
      %mul3A_52 = arith.muli %add3A_50, %mul3A_51 : i32
      %add3A_53 = arith.addi %mul3A_6, %mul3A_52 : i32
      %dma_start3A = arith.constant 0 : i32
      %dma_start3A_54 = tpu.memref_slice %arg2[%add3A_53, %dma_start3A] : memref<163840x128xf32, #tpu.memory_space<hbm>> -> memref<80x128xf32, #tpu.memory_space<hbm>>
      %dma_start3A_55 = arith.constant 0 : i32
      %dma_start3A_56 = tpu.memref_slice %arg2[%add3A_53, %dma_start3A_55] : memref<163840x128xf32, #tpu.memory_space<hbm>> -> memref<80x128xf32, #tpu.memory_space<hbm>>
      tpu.enqueue_dma source(%dma_start3A_56 : memref<80x128xf32, #tpu.memory_space<hbm>>) target(%arg7 : memref<80x128xf32, #tpu.memory_space<vmem>>) target_semaphore(%arg12 : memref<!tpu.dma_semaphore, #tpu.memory_space<semaphore_mem>>)
      %add3A_57 = arith.constant 1 : i32
      %add3A_58 = arith.addi %mul3A_46, %add3A_57 : i32
      %mul3A_59 = arith.constant 80 : i32
      %mul3A_60 = arith.muli %add3A_58, %mul3A_59 : i32
      %add3A_61 = arith.addi %mul3A_6, %mul3A_60 : i32
      %dma_start3A_62 = arith.constant 0 : i32
      %dma_start3A_63 = tpu.memref_slice %arg2[%add3A_61, %dma_start3A_62] : memref<163840x128xf32, #tpu.memory_space<hbm>> -> memref<80x128xf32, #tpu.memory_space<hbm>>
      %dma_start3A_64 = arith.constant 0 : i32
      %dma_start3A_65 = tpu.memref_slice %arg2[%add3A_61, %dma_start3A_64] : memref<163840x128xf32, #tpu.memory_space<hbm>> -> memref<80x128xf32, #tpu.memory_space<hbm>>
      tpu.enqueue_dma source(%dma_start3A_65 : memref<80x128xf32, #tpu.memory_space<hbm>>) target(%arg8 : memref<80x128xf32, #tpu.memory_space<vmem>>) target_semaphore(%arg12 : memref<!tpu.dma_semaphore, #tpu.memory_space<semaphore_mem>>)
      %add3A_66 = arith.constant 2 : i32
      %add3A_67 = arith.addi %mul3A_46, %add3A_66 : i32
      %mul3A_68 = arith.constant 80 : i32
      %mul3A_69 = arith.muli %add3A_67, %mul3A_68 : i32
      %add3A_70 = arith.addi %mul3A_6, %mul3A_69 : i32
      %dma_start3A_71 = arith.constant 0 : i32
      %dma_start3A_72 = tpu.memref_slice %arg2[%add3A_70, %dma_start3A_71] : memref<163840x128xf32, #tpu.memory_space<hbm>> -> memref<80x128xf32, #tpu.memory_space<hbm>>
      %dma_start3A_73 = arith.constant 0 : i32
      %dma_start3A_74 = tpu.memref_slice %arg2[%add3A_70, %dma_start3A_73] : memref<163840x128xf32, #tpu.memory_space<hbm>> -> memref<80x128xf32, #tpu.memory_space<hbm>>
      tpu.enqueue_dma source(%dma_start3A_74 : memref<80x128xf32, #tpu.memory_space<hbm>>) target(%arg9 : memref<80x128xf32, #tpu.memory_space<vmem>>) target_semaphore(%arg12 : memref<!tpu.dma_semaphore, #tpu.memory_space<semaphore_mem>>)
      %add3A_75 = arith.constant 3 : i32
      %add3A_76 = arith.addi %mul3A_46, %add3A_75 : i32
      %mul3A_77 = arith.constant 80 : i32
      %mul3A_78 = arith.muli %add3A_76, %mul3A_77 : i32
      %add3A_79 = arith.addi %mul3A_6, %mul3A_78 : i32
      %dma_start3A_80 = arith.constant 0 : i32
      %dma_start3A_81 = tpu.memref_slice %arg2[%add3A_79, %dma_start3A_80] : memref<163840x128xf32, #tpu.memory_space<hbm>> -> memref<80x128xf32, #tpu.memory_space<hbm>>
      %dma_start3A_82 = arith.constant 0 : i32
      %dma_start3A_83 = tpu.memref_slice %arg2[%add3A_79, %dma_start3A_82] : memref<163840x128xf32, #tpu.memory_space<hbm>> -> memref<80x128xf32, #tpu.memory_space<hbm>>
      tpu.enqueue_dma source(%dma_start3A_83 : memref<80x128xf32, #tpu.memory_space<hbm>>) target(%arg10 : memref<80x128xf32, #tpu.memory_space<vmem>>) target_semaphore(%arg12 : memref<!tpu.dma_semaphore, #tpu.memory_space<semaphore_mem>>)
      %add3A_84 = arith.constant 0 : i32
      %add3A_85 = arith.addi %mul3A_46, %add3A_84 : i32
      %mul3A_86 = arith.constant 80 : i32
      %mul3A_87 = arith.muli %add3A_85, %mul3A_86 : i32
      %add3A_88 = arith.addi %mul3A_6, %mul3A_87 : i32
      %dma_wait3A_89 = arith.constant 0 : i32
      %dma_wait3A_90 = tpu.memref_slice %arg2[%add3A_88, %dma_wait3A_89] : memref<163840x128xf32, #tpu.memory_space<hbm>> -> memref<80x128xf32, #tpu.memory_space<hbm>>
      %dma_wait3A_91 = arith.constant 0 : i32
      %dma_wait3A_92 = tpu.memref_slice %arg2[%add3A_88, %dma_wait3A_91] : memref<163840x128xf32, #tpu.memory_space<hbm>> -> memref<80x128xf32, #tpu.memory_space<hbm>>
      tpu.wait_dma2 semaphore(%arg12 : memref<!tpu.dma_semaphore, #tpu.memory_space<semaphore_mem>>) src(%dma_wait3A_92 : memref<80x128xf32, #tpu.memory_space<hbm>>) dst(%arg7 : memref<80x128xf32, #tpu.memory_space<vmem>>)
      %add3A_93 = arith.constant 1 : i32
      %add3A_94 = arith.addi %mul3A_46, %add3A_93 : i32
      %mul3A_95 = arith.constant 80 : i32
      %mul3A_96 = arith.muli %add3A_94, %mul3A_95 : i32
      %add3A_97 = arith.addi %mul3A_6, %mul3A_96 : i32
      %dma_wait3A_98 = arith.constant 0 : i32
      %dma_wait3A_99 = tpu.memref_slice %arg2[%add3A_97, %dma_wait3A_98] : memref<163840x128xf32, #tpu.memory_space<hbm>> -> memref<80x128xf32, #tpu.memory_space<hbm>>
      %dma_wait3A_100 = arith.constant 0 : i32
      %dma_wait3A_101 = tpu.memref_slice %arg2[%add3A_97, %dma_wait3A_100] : memref<163840x128xf32, #tpu.memory_space<hbm>> -> memref<80x128xf32, #tpu.memory_space<hbm>>
      tpu.wait_dma2 semaphore(%arg12 : memref<!tpu.dma_semaphore, #tpu.memory_space<semaphore_mem>>) src(%dma_wait3A_101 : memref<80x128xf32, #tpu.memory_space<hbm>>) dst(%arg8 : memref<80x128xf32, #tpu.memory_space<vmem>>)
      %add3A_102 = arith.constant 2 : i32
      %add3A_103 = arith.addi %mul3A_46, %add3A_102 : i32
      %mul3A_104 = arith.constant 80 : i32
      %mul3A_105 = arith.muli %add3A_103, %mul3A_104 : i32
      %add3A_106 = arith.addi %mul3A_6, %mul3A_105 : i32
      %dma_wait3A_107 = arith.constant 0 : i32
      %dma_wait3A_108 = tpu.memref_slice %arg2[%add3A_106, %dma_wait3A_107] : memref<163840x128xf32, #tpu.memory_space<hbm>> -> memref<80x128xf32, #tpu.memory_space<hbm>>
      %dma_wait3A_109 = arith.constant 0 : i32
      %dma_wait3A_110 = tpu.memref_slice %arg2[%add3A_106, %dma_wait3A_109] : memref<163840x128xf32, #tpu.memory_space<hbm>> -> memref<80x128xf32, #tpu.memory_space<hbm>>
      tpu.wait_dma2 semaphore(%arg12 : memref<!tpu.dma_semaphore, #tpu.memory_space<semaphore_mem>>) src(%dma_wait3A_110 : memref<80x128xf32, #tpu.memory_space<hbm>>) dst(%arg9 : memref<80x128xf32, #tpu.memory_space<vmem>>)
      %add3A_111 = arith.constant 3 : i32
      %add3A_112 = arith.addi %mul3A_46, %add3A_111 : i32
      %mul3A_113 = arith.constant 80 : i32
      %mul3A_114 = arith.muli %add3A_112, %mul3A_113 : i32
      %add3A_115 = arith.addi %mul3A_6, %mul3A_114 : i32
      %dma_wait3A_116 = arith.constant 0 : i32
      %dma_wait3A_117 = tpu.memref_slice %arg2[%add3A_115, %dma_wait3A_116] : memref<163840x128xf32, #tpu.memory_space<hbm>> -> memref<80x128xf32, #tpu.memory_space<hbm>>
      %dma_wait3A_118 = arith.constant 0 : i32
      %dma_wait3A_119 = tpu.memref_slice %arg2[%add3A_115, %dma_wait3A_118] : memref<163840x128xf32, #tpu.memory_space<hbm>> -> memref<80x128xf32, #tpu.memory_space<hbm>>
      tpu.wait_dma2 semaphore(%arg12 : memref<!tpu.dma_semaphore, #tpu.memory_space<semaphore_mem>>) src(%dma_wait3A_119 : memref<80x128xf32, #tpu.memory_space<hbm>>) dst(%arg10 : memref<80x128xf32, #tpu.memory_space<vmem>>)
      %add3A_120 = arith.constant 0 : i32
      %add3A_121 = arith.addi %mul3A_46, %add3A_120 : i32
      %dma_start3A_122 = arith.constant 0 : i32
      %dma_start3A_123 = tpu.memref_slice %arg6[%add3A_121, %dma_start3A_122] : memref<64x80xi32, #tpu.memory_space<vmem>> -> memref<1x80xi32, #tpu.memory_space<vmem>>
      %dma_start3A_124 = tpu.memref_squeeze %dma_start3A_123 : memref<1x80xi32, #tpu.memory_space<vmem>> -> memref<80xi32, #tpu.memory_space<vmem>>
      %dma_start3A_125 = arith.constant 0 : i32
      %dma_start3A_126 = arith.constant 0 : i32
      %dma_start3A_127 = tpu.memref_slice %arg11[%dma_start3A_125, %dma_start3A_126] : memref<10240x128xf32, #tpu.memory_space<vmem_shared>> -> memref<10240x128xf32, #tpu.memory_space<vmem_shared>>
      tpu.enqueue_indirect_dma source(%arg7 : memref<80x128xf32, #tpu.memory_space<vmem>>) target(%dma_start3A_127 : memref<10240x128xf32, #tpu.memory_space<vmem_shared>>) offsets(%dma_start3A_124 : memref<80xi32, #tpu.memory_space<vmem>>) semaphore(%arg13 : memref<!tpu.dma_semaphore, #tpu.memory_space<semaphore_mem>>) {add = true}
      %add3A_128 = arith.constant 1 : i32
      %add3A_129 = arith.addi %mul3A_46, %add3A_128 : i32
      %dma_start3A_130 = arith.constant 0 : i32
      %dma_start3A_131 = tpu.memref_slice %arg6[%add3A_129, %dma_start3A_130] : memref<64x80xi32, #tpu.memory_space<vmem>> -> memref<1x80xi32, #tpu.memory_space<vmem>>
      %dma_start3A_132 = tpu.memref_squeeze %dma_start3A_131 : memref<1x80xi32, #tpu.memory_space<vmem>> -> memref<80xi32, #tpu.memory_space<vmem>>
      %dma_start3A_133 = arith.constant 0 : i32
      %dma_start3A_134 = arith.constant 0 : i32
      %dma_start3A_135 = tpu.memref_slice %arg11[%dma_start3A_133, %dma_start3A_134] : memref<10240x128xf32, #tpu.memory_space<vmem_shared>> -> memref<10240x128xf32, #tpu.memory_space<vmem_shared>>
      tpu.enqueue_indirect_dma source(%arg8 : memref<80x128xf32, #tpu.memory_space<vmem>>) target(%dma_start3A_135 : memref<10240x128xf32, #tpu.memory_space<vmem_shared>>) offsets(%dma_start3A_132 : memref<80xi32, #tpu.memory_space<vmem>>) semaphore(%arg13 : memref<!tpu.dma_semaphore, #tpu.memory_space<semaphore_mem>>) {add = true}
      %add3A_136 = arith.constant 2 : i32
      %add3A_137 = arith.addi %mul3A_46, %add3A_136 : i32
      %dma_start3A_138 = arith.constant 0 : i32
      %dma_start3A_139 = tpu.memref_slice %arg6[%add3A_137, %dma_start3A_138] : memref<64x80xi32, #tpu.memory_space<vmem>> -> memref<1x80xi32, #tpu.memory_space<vmem>>
      %dma_start3A_140 = tpu.memref_squeeze %dma_start3A_139 : memref<1x80xi32, #tpu.memory_space<vmem>> -> memref<80xi32, #tpu.memory_space<vmem>>
      %dma_start3A_141 = arith.constant 0 : i32
      %dma_start3A_142 = arith.constant 0 : i32
      %dma_start3A_143 = tpu.memref_slice %arg11[%dma_start3A_141, %dma_start3A_142] : memref<10240x128xf32, #tpu.memory_space<vmem_shared>> -> memref<10240x128xf32, #tpu.memory_space<vmem_shared>>
      tpu.enqueue_indirect_dma source(%arg9 : memref<80x128xf32, #tpu.memory_space<vmem>>) target(%dma_start3A_143 : memref<10240x128xf32, #tpu.memory_space<vmem_shared>>) offsets(%dma_start3A_140 : memref<80xi32, #tpu.memory_space<vmem>>) semaphore(%arg13 : memref<!tpu.dma_semaphore, #tpu.memory_space<semaphore_mem>>) {add = true}
      %add3A_144 = arith.constant 3 : i32
      %add3A_145 = arith.addi %mul3A_46, %add3A_144 : i32
      %dma_start3A_146 = arith.constant 0 : i32
      %dma_start3A_147 = tpu.memref_slice %arg6[%add3A_145, %dma_start3A_146] : memref<64x80xi32, #tpu.memory_space<vmem>> -> memref<1x80xi32, #tpu.memory_space<vmem>>
      %dma_start3A_148 = tpu.memref_squeeze %dma_start3A_147 : memref<1x80xi32, #tpu.memory_space<vmem>> -> memref<80xi32, #tpu.memory_space<vmem>>
      %dma_start3A_149 = arith.constant 0 : i32
      %dma_start3A_150 = arith.constant 0 : i32
      %dma_start3A_151 = tpu.memref_slice %arg11[%dma_start3A_149, %dma_start3A_150] : memref<10240x128xf32, #tpu.memory_space<vmem_shared>> -> memref<10240x128xf32, #tpu.memory_space<vmem_shared>>
      tpu.enqueue_indirect_dma source(%arg10 : memref<80x128xf32, #tpu.memory_space<vmem>>) target(%dma_start3A_151 : memref<10240x128xf32, #tpu.memory_space<vmem_shared>>) offsets(%dma_start3A_148 : memref<80xi32, #tpu.memory_space<vmem>>) semaphore(%arg13 : memref<!tpu.dma_semaphore, #tpu.memory_space<semaphore_mem>>) {add = true}
    }
    %scan3A_11 = arith.constant 16 : i32
    %dma_wait3A = arith.constant 0 : i32
    %dma_wait3A_12 = arith.constant 0 : i32
    %dma_wait3A_13 = tpu.memref_slice %arg6[%dma_wait3A, %dma_wait3A_12] : memref<64x80xi32, #tpu.memory_space<vmem>> -> memref<1x80xi32, #tpu.memory_space<vmem>>
    %dma_wait3A_14 = tpu.memref_squeeze %dma_wait3A_13 : memref<1x80xi32, #tpu.memory_space<vmem>> -> memref<80xi32, #tpu.memory_space<vmem>>
    %dma_wait3A_15 = arith.constant 0 : i32
    %dma_wait3A_16 = arith.constant 0 : i32
    %dma_wait3A_17 = tpu.memref_slice %arg11[%dma_wait3A_15, %dma_wait3A_16] : memref<10240x128xf32, #tpu.memory_space<vmem_shared>> -> memref<10240x128xf32, #tpu.memory_space<vmem_shared>>
    tpu.wait_indirect_dma semaphore(%arg13 : memref<!tpu.dma_semaphore, #tpu.memory_space<semaphore_mem>>) src(%arg7 : memref<80x128xf32, #tpu.memory_space<vmem>>) dst(%dma_wait3A_17 : memref<10240x128xf32, #tpu.memory_space<vmem_shared>>)
    %dma_wait3A_18 = arith.constant 1 : i32
    %dma_wait3A_19 = arith.constant 0 : i32
    %dma_wait3A_20 = tpu.memref_slice %arg6[%dma_wait3A_18, %dma_wait3A_19] : memref<64x80xi32, #tpu.memory_space<vmem>> -> memref<1x80xi32, #tpu.memory_space<vmem>>
    %dma_wait3A_21 = tpu.memref_squeeze %dma_wait3A_20 : memref<1x80xi32, #tpu.memory_space<vmem>> -> memref<80xi32, #tpu.memory_space<vmem>>
    %dma_wait3A_22 = arith.constant 0 : i32
    %dma_wait3A_23 = arith.constant 0 : i32
    %dma_wait3A_24 = tpu.memref_slice %arg11[%dma_wait3A_22, %dma_wait3A_23] : memref<10240x128xf32, #tpu.memory_space<vmem_shared>> -> memref<10240x128xf32, #tpu.memory_space<vmem_shared>>
    tpu.wait_indirect_dma semaphore(%arg13 : memref<!tpu.dma_semaphore, #tpu.memory_space<semaphore_mem>>) src(%arg8 : memref<80x128xf32, #tpu.memory_space<vmem>>) dst(%dma_wait3A_24 : memref<10240x128xf32, #tpu.memory_space<vmem_shared>>)
    %dma_wait3A_25 = arith.constant 2 : i32
    %dma_wait3A_26 = arith.constant 0 : i32
    %dma_wait3A_27 = tpu.memref_slice %arg6[%dma_wait3A_25, %dma_wait3A_26] : memref<64x80xi32, #tpu.memory_space<vmem>> -> memref<1x80xi32, #tpu.memory_space<vmem>>
    %dma_wait3A_28 = tpu.memref_squeeze %dma_wait3A_27 : memref<1x80xi32, #tpu.memory_space<vmem>> -> memref<80xi32, #tpu.memory_space<vmem>>
    %dma_wait3A_29 = arith.constant 0 : i32
    %dma_wait3A_30 = arith.constant 0 : i32
    %dma_wait3A_31 = tpu.memref_slice %arg11[%dma_wait3A_29, %dma_wait3A_30] : memref<10240x128xf32, #tpu.memory_space<vmem_shared>> -> memref<10240x128xf32, #tpu.memory_space<vmem_shared>>
    tpu.wait_indirect_dma semaphore(%arg13 : memref<!tpu.dma_semaphore, #tpu.memory_space<semaphore_mem>>) src(%arg9 : memref<80x128xf32, #tpu.memory_space<vmem>>) dst(%dma_wait3A_31 : memref<10240x128xf32, #tpu.memory_space<vmem_shared>>)
    %dma_wait3A_32 = arith.constant 3 : i32
    %dma_wait3A_33 = arith.constant 0 : i32
    %dma_wait3A_34 = tpu.memref_slice %arg6[%dma_wait3A_32, %dma_wait3A_33] : memref<64x80xi32, #tpu.memory_space<vmem>> -> memref<1x80xi32, #tpu.memory_space<vmem>>
    %dma_wait3A_35 = tpu.memref_squeeze %dma_wait3A_34 : memref<1x80xi32, #tpu.memory_space<vmem>> -> memref<80xi32, #tpu.memory_space<vmem>>
    %dma_wait3A_36 = arith.constant 0 : i32
    %dma_wait3A_37 = arith.constant 0 : i32
    %dma_wait3A_38 = tpu.memref_slice %arg11[%dma_wait3A_36, %dma_wait3A_37] : memref<10240x128xf32, #tpu.memory_space<vmem_shared>> -> memref<10240x128xf32, #tpu.memory_space<vmem_shared>>
    tpu.wait_indirect_dma semaphore(%arg13 : memref<!tpu.dma_semaphore, #tpu.memory_space<semaphore_mem>>) src(%arg10 : memref<80x128xf32, #tpu.memory_space<vmem>>) dst(%dma_wait3A_38 : memref<10240x128xf32, #tpu.memory_space<vmem_shared>>)
    %barrier3A_39 = arith.constant 0 : index
    tpu.barrier barrier_id(%barrier3A_39)
    %mul3A_40 = arith.constant 640 : i32
    %mul3A_41 = arith.muli %arg1, %mul3A_40 : i32
    %mul3A_42 = arith.constant 640 : i32
    %mul3A_43 = arith.muli %arg1, %mul3A_42 : i32
    "tpu.region"() ({
      %run_scoped3A = tpu.sem_alloc : memref<!tpu.dma_semaphore, #tpu.memory_space<semaphore_mem>>
      %dma_start3A = arith.constant 0 : i32
      %dma_start3A_44 = tpu.memref_slice %arg5[%arg0, %mul3A_43, %dma_start3A] : memref<2x10240x128xf32, #tpu.memory_space<hbm>> -> memref<1x640x128xf32, #tpu.memory_space<hbm>>
      %dma_start3A_45 = tpu.memref_squeeze %dma_start3A_44 : memref<1x640x128xf32, #tpu.memory_space<hbm>> -> memref<640x128xf32, #tpu.memory_space<hbm>>
      %dma_start3A_46 = arith.constant 0 : i32
      %dma_start3A_47 = tpu.memref_slice %arg11[%mul3A_41, %dma_start3A_46] : memref<10240x128xf32, #tpu.memory_space<vmem_shared>> -> memref<640x128xf32, #tpu.memory_space<vmem_shared>>
      tpu.enqueue_dma source(%dma_start3A_47 : memref<640x128xf32, #tpu.memory_space<vmem_shared>>) target(%dma_start3A_45 : memref<640x128xf32, #tpu.memory_space<hbm>>) target_semaphore(%run_scoped3A : memref<!tpu.dma_semaphore, #tpu.memory_space<semaphore_mem>>)
      %dma_wait3A_48 = arith.constant 0 : i32
      %dma_wait3A_49 = tpu.memref_slice %arg5[%arg0, %mul3A_43, %dma_wait3A_48] : memref<2x10240x128xf32, #tpu.memory_space<hbm>> -> memref<1x640x128xf32, #tpu.memory_space<hbm>>
      %dma_wait3A_50 = tpu.memref_squeeze %dma_wait3A_49 : memref<1x640x128xf32, #tpu.memory_space<hbm>> -> memref<640x128xf32, #tpu.memory_space<hbm>>
      %dma_wait3A_51 = arith.constant 0 : i32
      %dma_wait3A_52 = tpu.memref_slice %arg11[%mul3A_41, %dma_wait3A_51] : memref<10240x128xf32, #tpu.memory_space<vmem_shared>> -> memref<640x128xf32, #tpu.memory_space<vmem_shared>>
      tpu.wait_dma2 semaphore(%run_scoped3A : memref<!tpu.dma_semaphore, #tpu.memory_space<semaphore_mem>>) src(%dma_wait3A_52 : memref<640x128xf32, #tpu.memory_space<vmem_shared>>) dst(%dma_wait3A_50 : memref<640x128xf32, #tpu.memory_space<hbm>>)
      tpu.yield
    }) : () -> ()
    return
  }
}

module attributes {stable_mosaic.version = 14 : i64} {
  func.func @_y_body(%arg0: memref<10000x128xf32, #tpu.memory_space<vmem>>, %arg1: memref<128x128xf32, #tpu.memory_space<vmem>>, %arg2: memref<10000x128xf32, #tpu.memory_space<vmem>>, %arg3: memref<2x10240x128xf32, #tpu.memory_space<vmem>>) attributes {dimension_semantics = [], scalar_prefetch = 0 : i64, scratch_operands = 0 : i64, tpu.core_type = #tpu.core_type<tc>} {
    %get3A = arith.constant 0 : index
    %get3A_0 = arith.constant 0 : index
    %get3A_1 = vector.load %arg0[%get3A, %get3A_0] : memref<10000x128xf32, #tpu.memory_space<vmem>>, vector<10000x128xf32>
    %get3A_2 = arith.constant 0 : index
    %get3A_3 = arith.constant 0 : index
    %get3A_4 = vector.load %arg1[%get3A_2, %get3A_3] : memref<128x128xf32, #tpu.memory_space<vmem>>, vector<128x128xf32>
    %dot_general3A = arith.constant dense<0.000000e+00> : vector<10000x128xf32>
    %dot_general3A_5 = tpu.matmul %get3A_1, %get3A_4, %dot_general3A {dimension_numbers = #tpu.dot_dimension_numbers<[1], [0], [0], [1], [0, 0, 1, 1], [], []>, transpose_lhs_hint = false} : vector<10000x128xf32>, vector<128x128xf32>, vector<10000x128xf32> -> vector<10000x128xf32>
    %swap3A = arith.constant 0 : index
    %swap3A_6 = arith.constant 0 : index
    %swap3A_7 = vector.load %arg2[%swap3A, %swap3A_6] : memref<10000x128xf32, #tpu.memory_space<vmem>>, vector<10000x128xf32>
    tpu.vector_store %arg2[%swap3A, %swap3A_6], %dot_general3A_5 {strides = array<i32>} : memref<10000x128xf32, #tpu.memory_space<vmem>>, vector<10000x128xf32>,
    %broadcast_in_dim3A = arith.constant 0.000000e+00 : f32
    %broadcast_in_dim3A_8 = vector.broadcast %broadcast_in_dim3A : f32 to vector<2x10240x128xf32>
    %swap3A_9 = arith.constant 0 : index
    %swap3A_10 = arith.constant 0 : index
    %swap3A_11 = arith.constant 0 : index
    %swap3A_12 = vector.load %arg3[%swap3A_9, %swap3A_10, %swap3A_11] : memref<2x10240x128xf32, #tpu.memory_space<vmem>>, vector<2x10240x128xf32>
    tpu.vector_store %arg3[%swap3A_9, %swap3A_10, %swap3A_11], %broadcast_in_dim3A_8 {strides = array<i32>} : memref<2x10240x128xf32, #tpu.memory_space<vmem>>, vector<2x10240x128xf32>,
    return
  }
}

module attributes {stable_mosaic.version = 14 : i64} {
  func.func @_msg_body(%arg0: i32, %arg1: memref<2560x128xf32, #tpu.memory_space<vmem>>, %arg2: memref<16x2560xf32, #tpu.memory_space<vmem>>, %arg3: memref<16x128xf32, #tpu.memory_space<vmem>>, %arg4: memref<1x128xf32, #tpu.memory_space<vmem>>, %arg5: memref<2560x128xf32, #tpu.memory_space<vmem>>) attributes {dimension_semantics = [#tpu.dimension_semantics<arbitrary>], iteration_bounds = array<i64: 64>, scalar_prefetch = 0 : i64, scratch_operands = 0 : i64, tpu.core_type = #tpu.core_type<tc>, window_params = [{transform_indices = @transform_0, window_bounds = array<i64: 2560, 128>}, {transform_indices = @transform_1, window_bounds = array<i64: 16, 2560>}, {pipeline_mode = #tpu.pipeline_mode<synchronous>, transform_indices = @transform_2, window_bounds = array<i64: 16, 128>}, {pipeline_mode = #tpu.pipeline_mode<synchronous>, transform_indices = @transform_3, window_bounds = array<i64: 1, 128>}, {transform_indices = @transform_4, window_bounds = array<i64: 2560, 128>}]} {
    %get3A = arith.constant 0 : index
    %get3A_0 = arith.constant 0 : index
    %get3A_1 = vector.load %arg2[%get3A, %get3A_0] : memref<16x2560xf32, #tpu.memory_space<vmem>>, vector<16x2560xf32>
    %get3A_2 = arith.constant 0 : index
    %get3A_3 = arith.constant 0 : index
    %get3A_4 = vector.load %arg3[%get3A_2, %get3A_3] : memref<16x128xf32, #tpu.memory_space<vmem>>, vector<16x128xf32>
    %dot_general3A = arith.constant dense<0.000000e+00> : vector<2560x128xf32>
    %dot_general3A_5 = tpu.matmul %get3A_1, %get3A_4, %dot_general3A {dimension_numbers = #tpu.dot_dimension_numbers<[0], [0], [1], [1], [0, 1, 1, 1], [], []>, transpose_lhs_hint = false} : vector<16x2560xf32>, vector<16x128xf32>, vector<2560x128xf32> -> vector<2560x128xf32>
    %get3A_6 = arith.constant 0 : index
    %get3A_7 = arith.constant 0 : index
    %get3A_8 = vector.load %arg1[%get3A_6, %get3A_7] : memref<2560x128xf32, #tpu.memory_space<vmem>>, vector<2560x128xf32>
    %add3A = arith.addf %get3A_8, %dot_general3A_5 : vector<2560x128xf32>
    %get3A_9 = arith.constant 0 : index
    %get3A_10 = arith.constant 0 : index
    %get3A_11 = vector.load %arg4[%get3A_9, %get3A_10] : memref<1x128xf32, #tpu.memory_space<vmem>>, vector<1x128xf32>
    %add3A_12 = vector.broadcast %get3A_11 : vector<1x128xf32> to vector<2560x128xf32>
    %add3A_13 = arith.addf %add3A, %add3A_12 : vector<2560x128xf32>
    %mul3A = arith.constant 5.000000e-01 : f32
    %mul3A_14 = vector.broadcast %mul3A : f32 to vector<2560x128xf32>
    %mul3A_15 = arith.mulf %mul3A_14, %add3A_13 : vector<2560x128xf32>
    %mul3A_16 = arith.constant 4.471500e-02 : f32
    %mul3A_17 = vector.broadcast %mul3A_16 : f32 to vector<2560x128xf32>
    %mul3A_18 = arith.mulf %mul3A_17, %add3A_13 : vector<2560x128xf32>
    %mul3A_19 = arith.mulf %mul3A_18, %add3A_13 : vector<2560x128xf32>
    %mul3A_20 = arith.mulf %mul3A_19, %add3A_13 : vector<2560x128xf32>
    %add3A_21 = arith.addf %add3A_13, %mul3A_20 : vector<2560x128xf32>
    %mul3A_22 = arith.constant 0.797884583 : f32
    %mul3A_23 = vector.broadcast %mul3A_22 : f32 to vector<2560x128xf32>
    %mul3A_24 = arith.mulf %mul3A_23, %add3A_21 : vector<2560x128xf32>
    %tanh3A = math.tanh %mul3A_24 : vector<2560x128xf32>
    %add3A_25 = arith.constant 1.000000e+00 : f32
    %add3A_26 = vector.broadcast %add3A_25 : f32 to vector<2560x128xf32>
    %add3A_27 = arith.addf %add3A_26, %tanh3A : vector<2560x128xf32>
    %mul3A_28 = arith.mulf %mul3A_15, %add3A_27 : vector<2560x128xf32>
    %swap3A = arith.constant 0 : index
    %swap3A_29 = arith.constant 0 : index
    %swap3A_30 = vector.load %arg5[%swap3A, %swap3A_29] : memref<2560x128xf32, #tpu.memory_space<vmem>>, vector<2560x128xf32>
    tpu.vector_store %arg5[%swap3A, %swap3A_29], %mul3A_28 {strides = array<i32>} : memref<2560x128xf32, #tpu.memory_space<vmem>>, vector<2560x128xf32>,
    return
  }
  func.func @transform_0(%arg0: i32) -> (i32, i32) {
    %c0_i32 = arith.constant 0 : i32
    %c0_i32_0 = arith.constant 0 : i32
    return %arg0, %c0_i32 : i32, i32
  }
  func.func @transform_1(%arg0: i32) -> (i32, i32) {
    %add3A = arith.constant 0 : i32
    %add3A_0 = arith.addi %arg0, %add3A : i32
    %c0_i32 = arith.constant 0 : i32
    %c0_i32_1 = arith.constant 0 : i32
    return %c0_i32, %add3A_0 : i32, i32
  }
  func.func @transform_2(%arg0: i32) -> (i32, i32) {
    %c0_i32 = arith.constant 0 : i32
    %c0_i32_0 = arith.constant 0 : i32
    %c0_i32_1 = arith.constant 0 : i32
    return %c0_i32, %c0_i32_0 : i32, i32
  }
  func.func @transform_3(%arg0: i32) -> (i32, i32) {
    %c0_i32 = arith.constant 0 : i32
    %c0_i32_0 = arith.constant 0 : i32
    %c0_i32_1 = arith.constant 0 : i32
    return %c0_i32, %c0_i32_0 : i32, i32
  }
  func.func @transform_4(%arg0: i32) -> (i32, i32) {
    %c0_i32 = arith.constant 0 : i32
    %c0_i32_0 = arith.constant 0 : i32
    return %arg0, %c0_i32 : i32, i32
  }
}

module attributes {stable_mosaic.version = 14 : i64} {
  func.func @_msg_body(%arg0: i32, %arg1: memref<2560x128xf32, #tpu.memory_space<vmem>>, %arg2: memref<16x2560xf32, #tpu.memory_space<vmem>>, %arg3: memref<16x128xf32, #tpu.memory_space<vmem>>, %arg4: memref<1x128xf32, #tpu.memory_space<vmem>>, %arg5: memref<2560x128xf32, #tpu.memory_space<vmem>>) attributes {dimension_semantics = [#tpu.dimension_semantics<arbitrary>], iteration_bounds = array<i64: 61>, scalar_prefetch = 0 : i64, scratch_operands = 0 : i64, tpu.core_type = #tpu.core_type<tc>, window_params = [{transform_indices = @transform_0, window_bounds = array<i64: 2560, 128>}, {transform_indices = @transform_1, window_bounds = array<i64: 16, 2560>}, {pipeline_mode = #tpu.pipeline_mode<synchronous>, transform_indices = @transform_2, window_bounds = array<i64: 16, 128>}, {pipeline_mode = #tpu.pipeline_mode<synchronous>, transform_indices = @transform_3, window_bounds = array<i64: 1, 128>}, {transform_indices = @transform_4, window_bounds = array<i64: 2560, 128>}]} {
    %get3A = arith.constant 0 : index
    %get3A_0 = arith.constant 0 : index
    %get3A_1 = vector.load %arg2[%get3A, %get3A_0] : memref<16x2560xf32, #tpu.memory_space<vmem>>, vector<16x2560xf32>
    %get3A_2 = arith.constant 0 : index
    %get3A_3 = arith.constant 0 : index
    %get3A_4 = vector.load %arg3[%get3A_2, %get3A_3] : memref<16x128xf32, #tpu.memory_space<vmem>>, vector<16x128xf32>
    %dot_general3A = arith.constant dense<0.000000e+00> : vector<2560x128xf32>
    %dot_general3A_5 = tpu.matmul %get3A_1, %get3A_4, %dot_general3A {dimension_numbers = #tpu.dot_dimension_numbers<[0], [0], [1], [1], [0, 1, 1, 1], [], []>, transpose_lhs_hint = false} : vector<16x2560xf32>, vector<16x128xf32>, vector<2560x128xf32> -> vector<2560x128xf32>
    %get3A_6 = arith.constant 0 : index
    %get3A_7 = arith.constant 0 : index
    %get3A_8 = vector.load %arg1[%get3A_6, %get3A_7] : memref<2560x128xf32, #tpu.memory_space<vmem>>, vector<2560x128xf32>
    %add3A = arith.addf %get3A_8, %dot_general3A_5 : vector<2560x128xf32>
    %get3A_9 = arith.constant 0 : index
    %get3A_10 = arith.constant 0 : index
    %get3A_11 = vector.load %arg4[%get3A_9, %get3A_10] : memref<1x128xf32, #tpu.memory_space<vmem>>, vector<1x128xf32>
    %add3A_12 = vector.broadcast %get3A_11 : vector<1x128xf32> to vector<2560x128xf32>
    %add3A_13 = arith.addf %add3A, %add3A_12 : vector<2560x128xf32>
    %mul3A = arith.constant 5.000000e-01 : f32
    %mul3A_14 = vector.broadcast %mul3A : f32 to vector<2560x128xf32>
    %mul3A_15 = arith.mulf %mul3A_14, %add3A_13 : vector<2560x128xf32>
    %mul3A_16 = arith.constant 4.471500e-02 : f32
    %mul3A_17 = vector.broadcast %mul3A_16 : f32 to vector<2560x128xf32>
    %mul3A_18 = arith.mulf %mul3A_17, %add3A_13 : vector<2560x128xf32>
    %mul3A_19 = arith.mulf %mul3A_18, %add3A_13 : vector<2560x128xf32>
    %mul3A_20 = arith.mulf %mul3A_19, %add3A_13 : vector<2560x128xf32>
    %add3A_21 = arith.addf %add3A_13, %mul3A_20 : vector<2560x128xf32>
    %mul3A_22 = arith.constant 0.797884583 : f32
    %mul3A_23 = vector.broadcast %mul3A_22 : f32 to vector<2560x128xf32>
    %mul3A_24 = arith.mulf %mul3A_23, %add3A_21 : vector<2560x128xf32>
    %tanh3A = math.tanh %mul3A_24 : vector<2560x128xf32>
    %add3A_25 = arith.constant 1.000000e+00 : f32
    %add3A_26 = vector.broadcast %add3A_25 : f32 to vector<2560x128xf32>
    %add3A_27 = arith.addf %add3A_26, %tanh3A : vector<2560x128xf32>
    %mul3A_28 = arith.mulf %mul3A_15, %add3A_27 : vector<2560x128xf32>
    %swap3A = arith.constant 0 : index
    %swap3A_29 = arith.constant 0 : index
    %swap3A_30 = vector.load %arg5[%swap3A, %swap3A_29] : memref<2560x128xf32, #tpu.memory_space<vmem>>, vector<2560x128xf32>
    tpu.vector_store %arg5[%swap3A, %swap3A_29], %mul3A_28 {strides = array<i32>} : memref<2560x128xf32, #tpu.memory_space<vmem>>, vector<2560x128xf32>,
    return
  }
  func.func @transform_0(%arg0: i32) -> (i32, i32) {
    %c0_i32 = arith.constant 0 : i32
    %c0_i32_0 = arith.constant 0 : i32
    return %arg0, %c0_i32 : i32, i32
  }
  func.func @transform_1(%arg0: i32) -> (i32, i32) {
    %add3A = arith.constant 64 : i32
    %add3A_0 = arith.addi %arg0, %add3A : i32
    %c0_i32 = arith.constant 0 : i32
    %c0_i32_1 = arith.constant 0 : i32
    return %c0_i32, %add3A_0 : i32, i32
  }
  func.func @transform_2(%arg0: i32) -> (i32, i32) {
    %c0_i32 = arith.constant 0 : i32
    %c0_i32_0 = arith.constant 0 : i32
    %c0_i32_1 = arith.constant 0 : i32
    return %c0_i32, %c0_i32_0 : i32, i32
  }
  func.func @transform_3(%arg0: i32) -> (i32, i32) {
    %c0_i32 = arith.constant 0 : i32
    %c0_i32_0 = arith.constant 0 : i32
    %c0_i32_1 = arith.constant 0 : i32
    return %c0_i32, %c0_i32_0 : i32, i32
  }
  func.func @transform_4(%arg0: i32) -> (i32, i32) {
    %c0_i32 = arith.constant 0 : i32
    %c0_i32_0 = arith.constant 0 : i32
    return %arg0, %c0_i32 : i32, i32
  }
}

module attributes {stable_mosaic.version = 14 : i64} {
  func.func @_out_body(%arg0: i32, %arg1: memref<2000x128xf32, #tpu.memory_space<vmem>>, %arg2: memref<1x2000x128xf32, #tpu.memory_space<vmem>>, %arg3: memref<1x2000x128xf32, #tpu.memory_space<vmem>>, %arg4: memref<128x128xf32, #tpu.memory_space<vmem>>, %arg5: memref<1x128xf32, #tpu.memory_space<vmem>>, %arg6: memref<1x1xf32, #tpu.memory_space<vmem>>, %arg7: memref<2000x128xf32, #tpu.memory_space<vmem>>) attributes {dimension_semantics = [#tpu.dimension_semantics<arbitrary>], iteration_bounds = array<i64: 5>, scalar_prefetch = 0 : i64, scratch_operands = 0 : i64, tpu.core_type = #tpu.core_type<tc>, window_params = [{transform_indices = @transform_0, window_bounds = array<i64: 2000, 128>}, {transform_indices = @transform_1, window_bounds = array<i64: 1, 2000, 128>}, {transform_indices = @transform_2, window_bounds = array<i64: 1, 2000, 128>}, {pipeline_mode = #tpu.pipeline_mode<synchronous>, transform_indices = @transform_3, window_bounds = array<i64: 128, 128>}, {pipeline_mode = #tpu.pipeline_mode<synchronous>, transform_indices = @transform_4, window_bounds = array<i64: 1, 128>}, {pipeline_mode = #tpu.pipeline_mode<synchronous>, transform_indices = @transform_5, window_bounds = array<i64: 1, 1>}, {transform_indices = @transform_6, window_bounds = array<i64: 2000, 128>}]} {
    %get3A = arith.constant 0 : index
    %get3A_0 = arith.constant 0 : index
    %get3A_1 = vector.load %arg1[%get3A, %get3A_0] : memref<2000x128xf32, #tpu.memory_space<vmem>>, vector<2000x128xf32>
    %get3A_2 = arith.constant 0 : index
    %get3A_3 = arith.constant 0 : index
    %get3A_4 = vector.load %arg6[%get3A_2, %get3A_3] : memref<1x1xf32, #tpu.memory_space<vmem>>, vector<1x1xf32>
    %get3A_5 = vector.extract %get3A_4[0, 0] : f32 from vector<1x1xf32>
    %add3A = arith.constant 1.000000e+00 : f32
    %add3A_6 = arith.addf %add3A, %get3A_5 : f32
    %mul3A = vector.broadcast %add3A_6 : f32 to vector<2000x128xf32>
    %mul3A_7 = arith.mulf %get3A_1, %mul3A : vector<2000x128xf32>
    %get3A_8 = arith.constant 0 : index
    %get3A_9 = arith.constant 0 : index
    %get3A_10 = arith.constant 0 : index
    %get3A_11 = vector.load %arg2[%get3A_8, %get3A_9, %get3A_10] : memref<1x2000x128xf32, #tpu.memory_space<vmem>>, vector<1x2000x128xf32>
    %get3A_12 = vector.shape_cast %get3A_11 : vector<1x2000x128xf32> to vector<2000x128xf32>
    %add3A_13 = arith.addf %mul3A_7, %get3A_12 : vector<2000x128xf32>
    %get3A_14 = arith.constant 0 : index
    %get3A_15 = arith.constant 0 : index
    %get3A_16 = arith.constant 0 : index
    %get3A_17 = vector.load %arg3[%get3A_14, %get3A_15, %get3A_16] : memref<1x2000x128xf32, #tpu.memory_space<vmem>>, vector<1x2000x128xf32>
    %get3A_18 = vector.shape_cast %get3A_17 : vector<1x2000x128xf32> to vector<2000x128xf32>
    %add3A_19 = arith.addf %add3A_13, %get3A_18 : vector<2000x128xf32>
    %get3A_20 = arith.constant 0 : index
    %get3A_21 = arith.constant 0 : index
    %get3A_22 = vector.load %arg4[%get3A_20, %get3A_21] : memref<128x128xf32, #tpu.memory_space<vmem>>, vector<128x128xf32>
    %dot_general3A = arith.constant dense<0.000000e+00> : vector<2000x128xf32>
    %dot_general3A_23 = tpu.matmul %add3A_19, %get3A_22, %dot_general3A {dimension_numbers = #tpu.dot_dimension_numbers<[1], [0], [0], [1], [0, 0, 1, 1], [], []>, transpose_lhs_hint = false} : vector<2000x128xf32>, vector<128x128xf32>, vector<2000x128xf32> -> vector<2000x128xf32>
    %get3A_24 = arith.constant 0 : index
    %get3A_25 = arith.constant 0 : index
    %get3A_26 = vector.load %arg5[%get3A_24, %get3A_25] : memref<1x128xf32, #tpu.memory_space<vmem>>, vector<1x128xf32>
    %add3A_27 = vector.broadcast %get3A_26 : vector<1x128xf32> to vector<2000x128xf32>
    %add3A_28 = arith.addf %dot_general3A_23, %add3A_27 : vector<2000x128xf32>
    %mul3A_29 = arith.constant 5.000000e-01 : f32
    %mul3A_30 = vector.broadcast %mul3A_29 : f32 to vector<2000x128xf32>
    %mul3A_31 = arith.mulf %add3A_28, %mul3A_30 : vector<2000x128xf32>
    %mul3A_32 = arith.constant 0.707106769 : f32
    %mul3A_33 = vector.broadcast %mul3A_32 : f32 to vector<2000x128xf32>
    %mul3A_34 = arith.mulf %add3A_28, %mul3A_33 : vector<2000x128xf32>
    %erf3A = math.erf %mul3A_34 : vector<2000x128xf32>
    %add3A_35 = arith.constant 1.000000e+00 : f32
    %add3A_36 = vector.broadcast %add3A_35 : f32 to vector<2000x128xf32>
    %add3A_37 = arith.addf %add3A_36, %erf3A : vector<2000x128xf32>
    %mul3A_38 = arith.mulf %mul3A_31, %add3A_37 : vector<2000x128xf32>
    %swap3A = arith.constant 0 : index
    %swap3A_39 = arith.constant 0 : index
    %swap3A_40 = vector.load %arg7[%swap3A, %swap3A_39] : memref<2000x128xf32, #tpu.memory_space<vmem>>, vector<2000x128xf32>
    tpu.vector_store %arg7[%swap3A, %swap3A_39], %mul3A_38 {strides = array<i32>} : memref<2000x128xf32, #tpu.memory_space<vmem>>, vector<2000x128xf32>,
    return
  }
  func.func @transform_0(%arg0: i32) -> (i32, i32) {
    %c0_i32 = arith.constant 0 : i32
    %c0_i32_0 = arith.constant 0 : i32
    return %arg0, %c0_i32 : i32, i32
  }
  func.func @transform_1(%arg0: i32) -> (i32, i32, i32) {
    %c0_i32 = arith.constant 0 : i32
    %c0_i32_0 = arith.constant 0 : i32
    %c0_i32_1 = arith.constant 0 : i32
    return %c0_i32, %arg0, %c0_i32_0 : i32, i32, i32
  }
  func.func @transform_2(%arg0: i32) -> (i32, i32, i32) {
    %c1_i32 = arith.constant 1 : i32
    %c0_i32 = arith.constant 0 : i32
    %c0_i32_0 = arith.constant 0 : i32
    return %c1_i32, %arg0, %c0_i32 : i32, i32, i32
  }
  func.func @transform_3(%arg0: i32) -> (i32, i32) {
    %c0_i32 = arith.constant 0 : i32
    %c0_i32_0 = arith.constant 0 : i32
    %c0_i32_1 = arith.constant 0 : i32
    return %c0_i32, %c0_i32_0 : i32, i32
  }
  func.func @transform_4(%arg0: i32) -> (i32, i32) {
    %c0_i32 = arith.constant 0 : i32
    %c0_i32_0 = arith.constant 0 : i32
    %c0_i32_1 = arith.constant 0 : i32
    return %c0_i32, %c0_i32_0 : i32, i32
  }
  func.func @transform_5(%arg0: i32) -> (i32, i32) {
    %c0_i32 = arith.constant 0 : i32
    %c0_i32_0 = arith.constant 0 : i32
    %c0_i32_1 = arith.constant 0 : i32
    return %c0_i32, %c0_i32_0 : i32, i32
  }
  func.func @transform_6(%arg0: i32) -> (i32, i32) {
    %c0_i32 = arith.constant 0 : i32
    %c0_i32_0 = arith.constant 0 : i32
    return %arg0, %c0_i32 : i32, i32
  }
}

</mosaic_0001>

<sc_bundles>
// kernel: kernel.10.cloned.1.call-start
scs
__scs_entry_jumppad:
0x0: {  	(pc) =	sbr.rel $0x88, $3  }
0x1: {  	(tag) =	ssettag $0x0;
	lr =	simm.s32 $0x1  }
0x2: {  	[smem:$0x3F99] =	sst lr;
	_ =	strace $0xD0000000  }
0x3: {  	_ = 	snop  }
0x4: {  	_ = 	snop  }
0x5: {  	_ = 	snop  }
0x6: {  	_ = 	snop  }
0x7: {  	_ = 	snop  }
__scs_overlays_trampoline_lowered:
0x8: {  	[smem:$0x3FA8] =	sst s0  }
0x9: {  	[smem:$0x3FA9] =	sst s1  }
0xa: {  	[smem:$0x3FAA] =	sst s2  }
0xb: {  	[smem:$0x3FAB] =	sst s3  }
0xc: {  	[smem:$0x3FAC] =	sst s4  }
0xd: {  	[smem:$0x3FAD] =	sst s5  }
0xe: {  	[smem:$0x3FAE] =	sst s6  }
0xf: {  	[smem:$0x3FAF] =	sst s7  }
0x10: {  	[smem:$0x3FB0] =	sst s8  }
0x11: {  	[smem:$0x3FB1] =	sst s9;
	s0 =	simm.s32 @!p0 $0x0  }
0x12: {  	s1 =	sld [smem:$0x3F97];
	s0 =	simm.s32 @p0 $0x1  }
0x13: {  	[smem:$0x3FB2] =	sst s0;
	s0 =	simm.s32 @!p1 $0x0  }
0x14: {  	s2 =	sld [smem:$0x3F96];
	s0 =	simm.s32 @p1 $0x1  }
0x15: {  	[smem:$0x3FB3] =	sst s0;
	s0 =	simm.s32 @!p2 $0x0  }
0x16: {  	s3 =	sld [smem:$0x3FDB];
	s0 =	simm.s32 @p2 $0x1  }
0x17: {  	s4 =	simm.s32 $0x1BF5;
	[smem:$0x3FB5] =	sst s0  }
0x18: {  	s0 =	sld [smem:$0x3F98];
	_ =	swait.ge [sflag:s4], $0x0  }
0x19: {  	s7 =	sld [smem:$0x3F99]  }
0x1a: {  	s8 =	sadd.s32 $0xFFFFE003, lr  }
0x1b: {  	s9 =	sadd.s32 $0xFFFFFEF7, lr;
	s5 =	simm.s32 $0xFFFFFFFF;
	p2 =	slt.u32 s8, $0xFFFFF086  }
0x1c: {  	p1 =	slt.u32 s9, $0xF7A;
	s5 =	simm.s32 @!p2 $0x0  }
0x1d: {  	s5 =	simm.s32 @p1 $0x1;
	p0 =	seq.s32 s7, s2  }
0x1e: {  	s7 =	smul.u32 @!p0 $0xF7A, s2;
	p2 =	seq.s32 @!p0 s5, $0x0  }
0x1f: {  	s9 =	smul.u32 $0xF7A, s1;
	s8 =	simm.s32 @!p0 $0x1BF5;
	p2 =	por !p2, p0  }
0x20: {  	[sflag:s8] =	ssyncset.s32 @!p0 $0xFFFFF086;
	s6 =	sadd.s32 @!p0 s3, s7;
	s7 =	simm.s32 @!p0 $0x108  }
0x21: {  	s3 =	sadd.s32 s3, s9;
	s6 =	sadd.s32 @!p0 $0x88, s6;
	s7 =	simm.s32 @p2 $0x1082  }
0x22: {  	[simem:s7], [sflag:s8] =	dma.local @!p0 [hbm:s6], $0xF7A  }
0x23: {  	s9 =	sor.u32 $0xD0000000, s2;
	s6 =	simm.s32 $0x108;
	_ =	swait.ge @!p0 [sflag:s8], $0x0  }
0x24: {  	s3 =	sadd.s32 $0x88, s3;
	s6 =	simm.s32 @!p1 $0x1082;
	[sflag:s4] =	ssyncset.s32 $0xFFFFF086  }
0x25: {  	[simem:s6], [sflag:s4] =	dma.local [hbm:s3], $0xF7A  }
0x26: {  	[smem:$0x3F99] =	sst s1;
	(tag) =	ssettag s2;
	_ =	strace s9  }
0x27: {  	s1 =	sld [smem:$0x3FA9]  }
0x28: {  	s2 =	sld [smem:$0x3FAA]  }
0x29: {  	s4 =	sld [smem:$0x3FAC]  }
0x2a: {  	p0 =	seq.s32 s5, $0x0;
	s5 =	sld [smem:$0x3FAD]  }
0x2b: {  	s6 =	sld [smem:$0x3FAE]  }
0x2c: {  	s7 =	sld [smem:$0x3FAF]  }
0x2d: {  	s3 =	simm.s32 $0x108;
	s8 =	sld [smem:$0x3FB0]  }
0x2e: {  	s3 =	simm.s32 @!p0 $0x1082;
	s9 =	sld [smem:$0x3FB1]  }
0x2f: {  	lr =	sadd.s32 s0, s3;
	s0 =	sld [smem:$0x3FA8]  }
0x30: {  	s3 =	sld [smem:$0x3FAB]  }
0x31: {  	[smem:$0x3FB4] =	sst s10  }
0x32: {  	s10 =	sld [smem:$0x3FB2];
	_ =	sdelay $0x3  }
0x33: {  	p0 =	seq.s32 s10, $0x1;
	s10 =	sld [smem:$0x3FB4];
	_ =	sdelay $0x3  }
0x34: {  	[smem:$0x3FB4] =	sst s10  }
0x35: {  	s10 =	sld [smem:$0x3FB3];
	_ =	sdelay $0x3  }
0x36: {  	p1 =	seq.s32 s10, $0x1;
	s10 =	sld [smem:$0x3FB4];
	_ =	sdelay $0x3  }
0x37: {  	[smem:$0x3FB4] =	sst s10  }
0x38: {  	s10 =	sld [smem:$0x3FB5]  }
0x39: {  	_ = 	snop;
	(pc) =	sbr.ind lr, $3  }
0x3a: {  	_ = 	snop  }
0x3b: {  	_ = 	snop  }
0x3c: {  	p2 =	seq.s32 s10, $0x1;
	s10 =	sld [smem:$0x3FB4]  }
0x3d: {  	_ =	shalt  }
0x3e: {  	_ =	shalt  }
0x3f: {  	_ =	shalt  }
0x40: {  	_ =	shalt  }
0x41: {  	_ =	shalt  }
0x42: {  	_ =	shalt  }
0x43: {  	_ =	shalt  }
0x44: {  	_ =	shalt  }
0x45: {  	_ =	shalt  }
0x46: {  	_ =	shalt  }
0x47: {  	_ =	shalt  }
0x48: {  	_ =	shalt  }
0x49: {  	_ =	shalt  }
0x4a: {  	_ =	shalt  }
0x4b: {  	_ =	shalt  }
0x4c: {  	_ =	shalt  }
0x4d: {  	_ =	shalt  }
0x4e: {  	_ =	shalt  }
0x4f: {  	_ =	shalt  }
0x50: {  	_ =	shalt  }
0x51: {  	_ =	shalt  }
0x52: {  	_ =	shalt  }
0x53: {  	_ =	shalt  }
0x54: {  	_ =	shalt  }
0x55: {  	_ =	shalt  }
0x56: {  	_ =	shalt  }
0x57: {  	_ =	shalt  }
0x58: {  	_ =	shalt  }
0x59: {  	_ =	shalt  }
0x5a: {  	_ =	shalt  }
0x5b: {  	_ =	shalt  }
0x5c: {  	_ =	shalt  }
0x5d: {  	_ =	shalt  }
0x5e: {  	_ =	shalt  }
0x5f: {  	_ =	shalt  }
0x60: {  	_ =	shalt  }
0x61: {  	_ =	shalt  }
0x62: {  	_ =	shalt  }
0x63: {  	_ =	shalt  }
0x64: {  	_ =	shalt  }
0x65: {  	_ =	shalt  }
0x66: {  	_ =	shalt  }
0x67: {  	_ =	shalt  }
0x68: {  	_ =	shalt  }
0x69: {  	_ =	shalt  }
0x6a: {  	_ =	shalt  }
0x6b: {  	_ =	shalt  }
0x6c: {  	_ =	shalt  }
0x6d: {  	_ =	shalt  }
0x6e: {  	_ =	shalt  }
0x6f: {  	_ =	shalt  }
0x70: {  	_ =	shalt  }
0x71: {  	_ =	shalt  }
0x72: {  	_ =	shalt  }
0x73: {  	_ =	shalt  }
0x74: {  	_ =	shalt  }
0x75: {  	_ =	shalt  }
0x76: {  	_ =	shalt  }
0x77: {  	_ =	shalt  }
0x78: {  	_ =	shalt  }
0x79: {  	_ =	shalt  }
0x7a: {  	_ =	shalt  }
0x7b: {  	_ =	shalt  }
0x7c: {  	_ =	shalt  }
0x7d: {  	_ =	shalt  }
0x7e: {  	_ =	shalt  }
0x7f: {  	_ =	shalt  }
0x80: {  	_ =	shalt  }
0x81: {  	_ =	shalt  }
0x82: {  	_ =	shalt  }
0x83: {  	_ =	shalt  }
0x84: {  	_ =	shalt  }
0x85: {  	_ =	shalt  }
0x86: {  	_ =	shalt  }
0x87: {  	_ =	shalt  }
.Lfunc_end0:
.L_simem_size_0:
called_computation_lowered:
.L_overlay_start_0:
0x88: {  	s2 =	sld [smem:$0x3FD9]  }
0x89: {  	s3 =	sld [smem:$0x3FFE];
	_ =	sdelay $0x1  }
0x8a: {  	s1 =	srdreg.scid  }
0x8b: {  	s0 =	sand.u32 $0x1, s1  }
0x8c: {  	s17 =	sshll.u32 s0, $0xA;
	s2 =	sadd.s32 s3, s2  }
0x8d: {  	s2 =	sadd.s32 s2, s17  }
0x8e: {  	[smem:$0x3FC0] =	sst s2  }
0x8f: {  	_ = 	snop  }
0x90: {  	s2 =	sld [smem:$0x3FD0];
	(tm) =	ssettm $0x1  }
0x91: {  	s18 =	sld [smem:$0x3FFB];
	_ =	sdelay $0x3  }
0x92: {  	_ =	strace s18  }
0x93: {  	s3 =	sld [smem:$0x3FFC];
	_ =	sdelay $0x3  }
0x94: {  	_ =	strace s3  }
0x95: {  	s3 =	sld [smem:$0x3FFD];
	_ =	sdelay $0x3  }
0x96: {  	_ =	strace s3  }
0x97: {  	_ =	strace $0x8FFFFFFF  }
0x98: {  	s19 =	sld [smem:$0x3FDB];
	_ =	sdelay $0x1  }
0x99: {  	s4 =	simm.s32 $_scs_section_size  }
0x9a: {  	s5 =	simm.s32 $_size__tile_overlayer_lowered;
	s6 =	simm.s32 $_tile_overlayer_lowered  }
0x9b: {  	s22 =	simm.s32 $0x1BFF;
	s21 =	sshll.u32 s6, $0x1;
	s3 =	sadd.s32 s4, s19  }
0x9c: {  	s7 =	simm.s32 $0x0;
	s20 =	sshll.u32 s5, $0x1;
	s5 =	sadd.s32 s21, s3  }
0x9d: {  	[timem:s7], [sflag:s22] =	dma.local [hbm:s5], s20  }
0x9e: {  	_ =	swait.ge [sflag:s22], s20  }
0x9f: {  	s4 =	ssub.s32 $0x0, s20;
	[sflag:s22] =	ssyncset.done $0x0  }
0xa0: {  	[sflag:s22] =	ssyncadd.s32 s4;
	_ =	sdelay $0x1  }
0xa1: {  	s23 =	simm.s32 $0x1B8B  }
0xa2: {  	_ =	swait.ge [sflag:s23], $0x1  }
0xa3: {  	[sflag:s23] =	ssyncset.done $0x0  }
0xa4: {  	s25 =	simm.s32 $0x1B8E;
	s24 =	sld [smem:$0x3FFE];
	[sflag:s23] =	ssyncadd.s32 $0xFFFFFFFF  }
0xa5: {  	s26 =	simm.s32 $execute0_lowered;
	[smem:$0x3FD2] =	sst s25  }
0xa6: {  	s5 =	sshll.u32 s26, $0x1;
	_ =	strace $0x80000046;
	[dreg:$0x1] =	wrdreg $0xFFFFFFFF  }
0xa7: {  	s28 =	simm.s32 $_size_execute0_lowered;
	s3 =	sadd.s32 s3, s5;
	[dreg:$0x0] =	wrdreg $0x0  }
0xa8: {  	s5 =	sshll.u32 s28, $0x1;
	[dreg:$0x2] =	wrdreg s3  }
0xa9: {  	[dreg:$0x3] =	wrdreg s5  }
0xaa: {  	[dreg:$0x4] =	wrdreg $0xC0  }
0xab: {  	_ =	task [dreg:s7], $0x5FFFF  }
0xac: {  	[dreg:$0x1] =	wrdreg $0xFFFFFFFF  }
0xad: {  	[dreg:$0x0] =	wrdreg $0x60  }
0xae: {  	[dreg:$0x2] =	wrdreg s2  }
0xaf: {  	[dreg:$0x3] =	wrdreg s24  }
0xb0: {  	[dreg:$0x4] =	wrdreg $0xC0000  }
0xb1: {  	[dreg:$0x5] =	wrdreg $0xA  }
0xb2: {  	_ =	task.clear_ibuf [dreg:s7], $0x6FFFF;
	_ =	strace $0x90000046  }
0xb3: {  	s29 =	simm.s32 $0xA;
	_ =	strace $0x80000048  }
0xb4: {  	_ =	swait.ge [sflag:s29], $0x1  }
0xb5: {  	[sflag:s29] =	ssyncadd.s32 $0xFFFFFFFF  }
0xb6: {  	_ =	strace $0x90000048  }
0xb7: {  	_ =	sfence  }
0xb8: {  	s30 =	sld [smem:$0x0];
	_ =	sdelay $0x2  }
0xb9: {  	s31 =	sshll.u32 s1, $0xD;
	s1 =	sshrl.u32 s1, $0x2  }
0xba: {  	s3 =	sand.u32 $0x4000, s31;
	s1 =	sadd.s32 s1, s30  }
0xbb: {  	s0 =	sor.u32 s3, s0;
	s1 =	sshll.u32 s1, $0x11  }
0xbc: {  	s0 =	sor.u32 s1, s0  }
0xbd: {  	s0 =	sadd.s32 $0x8F2B, s0  }
0xbe: {  	[sflag:s0] =	ssyncadd.remote.s32 $0x1  }
0xbf: {  	_ =	sfence.sel $0xFFFF  }
0xc0: {  	[dreg:$0x0] =	wrdreg $0xFFFFFFFF;
	(pc) =	sbr.abs _section_cstart, $3  }
0xc1: {  	[dreg:$0x1] =	wrdreg $0xFFFFFFFF  }
0xc2: {  	_ =	task.clear_ibuf [dreg:s7], $0x2FFFF;
	_ =	strace $0x9FFFFFFF  }
0xc3: {  	(tm) =	ssettm $0x7FFFFFFF  }
tec
execute0_lowered:
.L_overlay_start_1:
0x0: {  	(tag) =	ssettag $0x1  }
0x1: {  	s5 =	rddreg [dreg:$0x0]  }
0x2: {  	s4 =	rddreg [dreg:$0x1]  }
0x3: {  	s2 =	rddreg [dreg:$0x2];
	s6 =	srdreg.scid  }
0x4: {  	s1 =	stileid.u32;
	s3 =	simm.s32 $0x0;
	s16 =	simm.s32 $0x3  }
0x5: {  	s17 =	simm.s32 $0x50;
	s18 =	simm.s32 $0x2000;
	s19 =	simm.s32 $0x80  }
0x6: {  	s20 =	simm.s32 $0x4800;
	s21 =	simm.s32 $0x100;
	s22 =	simm.s32 $0x7000  }
0x7: {  	s23 =	simm.s32 $0x180;
	s24 =	simm.s32 $0x9800;
	s25 =	simm.s32 $0x1  }
0x8: {  	s28 =	simm.s32 $0x0;
	s10 =	sand.u32 $0x1, s6;
	s8 =	smul.u32 $0x4F000, s1  }
0x9: {  	s26 =	sshll.u32 s1, $0x1;
	[smem:$0x7FF] =	sst s3;
	s12 =	smul.u32 $0x2780, s1  }
0xa: {  	s11 =	sadd.s32 $0x60200, s4;
	s13 =	sadd.s32 $0x128400, s2;
	s31 =	smul.u32 $0x28000, s1  }
0xb: {  	p0 =	seq.s32 s1, $0xF;
	s6 =	sor.u32 s10, s26;
	_ =	strace $0x80000047  }
0xc: {  	s29 =	ssub.s32 $0x2, s10;
	s14 =	smul.u32 $0x14000, s10;
	s13 =	sshrl.u32 @p0 s13, $0x3  }
0xd: {  	s26 =	simm.s32 $0x2;
	s7 =	sshll.u32 s6, $0xA;
	s9 =	sshrl.u32 s29, $0x1  }
0xe: {  	s8 =	sshrl.u32 s8, $0x2;
	s30 =	smul.u32 $0x14000, s6;
	s7 =	sadd.s32 s7, s4  }
0xf: {  	s9 =	ssub.s32 s29, s9;
	s15 =	sadd.s32 s8, s2;
	s4 =	sadd.s32 s5, s12  }
0x10: {  	s5 =	sadd.s32 $0x25080, s5;
	s12 =	sadd.s32 s31, s11;
	s6 =	sadd.s32 $0x8200, s7  }
0x11: {  	s7 =	sadd.s32 s11, s30;
	s8 =	smax.u32 s9, $0x1;
	s12 =	sadd.s32 s14, s12  }
0x12: {  	s14 =	sshll.u32 @!p0 s1, $0x6;
	s15 =	sshrl.u32 @!p0 s15, $0x3;
	s9 =	sadd.s32 $0x500, s7  }
0x13: {  	s10 =	sadd.s32 $0xA00, s7;
	s11 =	sadd.s32 $0xF00, s7;
	s14 =	sor.u32 @!p0 $0x1C03, s14  }
.LBB2_1:
0x14: {  	s29 =	simm.s32 @p0 $0x1FC3  }
0x15: {  	[spmem:s13], [sflag:s29] =	dma.local @p0 [hbm:s5], $0x2080  }
0x16: {  	s29 =	simm.s32 @p0 $0x3  }
0x17: {  	_ =	swait.ge @p0 [sflag:s29], $0x2080  }
0x18: {  	[sflag:s29] =	ssyncset.done @p0 $0x0  }
0x19: {  	[sflag:s29] =	ssyncadd.s32 @p0 $0xFFFFDF80;
	s29 =	simm.s32 @!p0 $0x3  }
0x1a: {  	[spmem:s15], [sflag:s14] =	dma.local @!p0 [hbm:s4], $0x2780  }
0x1b: {  	_ =	swait.ge @!p0 [sflag:s29], $0x2780  }
0x1c: {  	[sflag:s29] =	ssyncset.done @!p0 $0x0  }
0x1d: {  	[sflag:s29] =	ssyncadd.s32 @!p0 $0xFFFFD880  }
0x1e: {  	[tilespmem:s3], [sflag:$0x3] =	stream.linear.gather [hbm4b:s6+s3], $0x2000, $0x38;
	[tilespmem:$0x1F880] =	vst v63  }
0x1f: {  	_ =	swait.ge [sflag:s16], $0x2000  }
0x20: {  	[sflag:s16] =	ssyncset.done $0x0  }
0x21: {  	[sflag:s16] =	ssyncadd.s32 $0xFFFFE000  }
0x22: {  	[bflag:$0x0] =	sbarrier.arrive $0xFFFF  }
0x23: {  	[tilespmem:s18], [sflag:$0x1] =	stream.indirect.gather [spmem:s2], $0x80, s3, s17, $0xb8;
	[tilespmem:$0x1F880] =	vst v63  }
0x24: {  	_ = 	snop  }
0x25: {  	[tilespmem:s20], [sflag:$0x1] =	stream.indirect.gather [spmem:s2], $0x80, s19, s17, $0xb8;
	[tilespmem:$0x1F880] =	vst v63  }
0x26: {  	_ = 	snop  }
0x27: {  	[tilespmem:s22], [sflag:$0x1] =	stream.indirect.gather [spmem:s2], $0x80, s21, s17, $0xb8;
	[tilespmem:$0x1F880] =	vst v63  }
0x28: {  	_ = 	snop  }
0x29: {  	[tilespmem:s24], [sflag:$0x1] =	stream.indirect.gather [spmem:s2], $0x80, s23, s17, $0xb8;
	[tilespmem:$0x1F880] =	vst v63  }
0x2a: {  	_ =	swait.ge [sflag:s25], $0x2800  }
0x2b: {  	[sflag:s25] =	ssyncset.done $0x0  }
0x2c: {  	[sflag:s25] =	ssyncadd.s32 $0xFFFFD800  }
0x2d: {  	_ =	swait.ge [sflag:s25], $0x2800  }
0x2e: {  	[sflag:s25] =	ssyncset.done $0x0  }
0x2f: {  	[sflag:s25] =	ssyncadd.s32 $0xFFFFD800  }
0x30: {  	_ =	swait.ge [sflag:s25], $0x2800  }
0x31: {  	[sflag:s25] =	ssyncset.done $0x0  }
0x32: {  	[sflag:s25] =	ssyncadd.s32 $0xFFFFD800  }
0x33: {  	_ =	swait.ge [sflag:s25], $0x2800  }
0x34: {  	[sflag:s25] =	ssyncset.done $0x0  }
0x35: {  	[sflag:s25] =	ssyncadd.s32 $0xFFFFD800  }
0x36: {  	[hbm4b:s7+s3] =	stream.linear.scatter [tilespmem:s18], [sflag:$0x2], $0x2800, $0x38;
	[tilespmem:$0x1F880] =	vst v63  }
0x37: {  	_ = 	snop  }
0x38: {  	[hbm4b:s9+s3] =	stream.linear.scatter [tilespmem:s20], [sflag:$0x2], $0x2800, $0x38;
	[tilespmem:$0x1F880] =	vst v63  }
0x39: {  	_ = 	snop  }
0x3a: {  	[hbm4b:s10+s3] =	stream.linear.scatter [tilespmem:s22], [sflag:$0x2], $0x2800, $0x38;
	[tilespmem:$0x1F880] =	vst v63  }
0x3b: {  	_ = 	snop  }
0x3c: {  	[hbm4b:s11+s3] =	stream.linear.scatter [tilespmem:s24], [sflag:$0x2], $0x2800, $0x38;
	[tilespmem:$0x1F880] =	vst v63  }
0x3d: {  	_ =	swait.ge [sflag:s26], $0x2800  }
0x3e: {  	[sflag:s26] =	ssyncset.done $0x0  }
0x3f: {  	[sflag:s26] =	ssyncadd.s32 $0xFFFFD800  }
0x40: {  	_ =	swait.ge [sflag:s26], $0x2800  }
0x41: {  	[sflag:s26] =	ssyncset.done $0x0  }
0x42: {  	[sflag:s26] =	ssyncadd.s32 $0xFFFFD800  }
0x43: {  	_ =	swait.ge [sflag:s26], $0x2800  }
0x44: {  	[sflag:s26] =	ssyncset.done $0x0  }
0x45: {  	[sflag:s26] =	ssyncadd.s32 $0xFFFFD800  }
0x46: {  	_ =	swait.ge [sflag:s26], $0x2800  }
0x47: {  	[sflag:s26] =	ssyncset.done $0x0  }
0x48: {  	s29 =	simm.s32 $0x200;
	[sflag:s26] =	ssyncadd.s32 $0xFFFFD800  }
0x49: {  	[tilespmem:s18], [sflag:$0x1] =	stream.indirect.gather [spmem:s2], $0x80, s29, s17, $0xb8;
	[tilespmem:$0x1F880] =	vst v63  }
0x4a: {  	s29 =	simm.s32 $0x280  }
0x4b: {  	[tilespmem:s20], [sflag:$0x1] =	stream.indirect.gather [spmem:s2], $0x80, s29, s17, $0xb8;
	[tilespmem:$0x1F880] =	vst v63  }
0x4c: {  	s29 =	simm.s32 $0x300  }
0x4d: {  	[tilespmem:s22], [sflag:$0x1] =	stream.indirect.gather [spmem:s2], $0x80, s29, s17, $0xb8;
	[tilespmem:$0x1F880] =	vst v63  }
0x4e: {  	s29 =	simm.s32 $0x380  }
0x4f: {  	[tilespmem:s24], [sflag:$0x1] =	stream.indirect.gather [spmem:s2], $0x80, s29, s17, $0xb8;
	[tilespmem:$0x1F880] =	vst v63  }
0x50: {  	_ =	swait.ge [sflag:s25], $0x2800  }
0x51: {  	[sflag:s25] =	ssyncset.done $0x0  }
0x52: {  	[sflag:s25] =	ssyncadd.s32 $0xFFFFD800  }
0x53: {  	_ =	swait.ge [sflag:s25], $0x2800  }
0x54: {  	[sflag:s25] =	ssyncset.done $0x0  }
0x55: {  	[sflag:s25] =	ssyncadd.s32 $0xFFFFD800  }
0x56: {  	_ =	swait.ge [sflag:s25], $0x2800  }
0x57: {  	[sflag:s25] =	ssyncset.done $0x0  }
0x58: {  	[sflag:s25] =	ssyncadd.s32 $0xFFFFD800  }
0x59: {  	_ =	swait.ge [sflag:s25], $0x2800  }
0x5a: {  	s30 =	sadd.s32 $0x0, s12;
	[sflag:s25] =	ssyncset.done $0x0  }
0x5b: {  	s29 =	sadd.s32 $0x1400, s30;
	[sflag:s25] =	ssyncadd.s32 $0xFFFFD800  }
0x5c: {  	[hbm4b:s29+s3] =	stream.linear.scatter [tilespmem:s18], [sflag:$0x2], $0x2800, $0x38;
	[tilespmem:$0x1F880] =	vst v63  }
0x5d: {  	s29 =	sadd.s32 $0x1900, s30  }
0x5e: {  	[hbm4b:s29+s3] =	stream.linear.scatter [tilespmem:s20], [sflag:$0x2], $0x2800, $0x38;
	[tilespmem:$0x1F880] =	vst v63  }
0x5f: {  	s29 =	sadd.s32 $0x1E00, s30  }
0x60: {  	[hbm4b:s29+s3] =	stream.linear.scatter [tilespmem:s22], [sflag:$0x2], $0x2800, $0x38;
	[tilespmem:$0x1F880] =	vst v63  }
0x61: {  	s31 =	sadd.s32 $0x2300, s30;
	s30 =	simm.s32 $0x400;
	s29 =	simm.s32 $0x1400  }
.LBB2_2:
0x62: {  	[hbm4b:s31+s3] =	stream.linear.scatter [tilespmem:s24], [sflag:$0x2], $0x2800, $0x38;
	[tilespmem:$0x1F880] =	vst v63  }
0x63: {  	s31 =	smov.u32 s29  }
0x64: {  	p1 =	sne.s32 s29, $0x11800;
	s29 =	sadd.s32 $0x1400, s29;
	_ =	swait.ge [sflag:s26], $0x2800  }
0x65: {  	[sflag:s26] =	ssyncset.done $0x0  }
0x66: {  	[sflag:s26] =	ssyncadd.s32 $0xFFFFD800  }
0x67: {  	_ =	swait.ge [sflag:s26], $0x2800  }
0x68: {  	[sflag:s26] =	ssyncset.done $0x0  }
0x69: {  	[sflag:s26] =	ssyncadd.s32 $0xFFFFD800  }
0x6a: {  	_ =	swait.ge [sflag:s26], $0x2800  }
0x6b: {  	[sflag:s26] =	ssyncset.done $0x0  }
0x6c: {  	[sflag:s26] =	ssyncadd.s32 $0xFFFFD800  }
0x6d: {  	_ =	swait.ge [sflag:s26], $0x2800  }
0x6e: {  	[sflag:s26] =	ssyncset.done $0x0  }
0x6f: {  	[sflag:s26] =	ssyncadd.s32 $0xFFFFD800  }
0x70: {  	[tilespmem:s18], [sflag:$0x1] =	stream.indirect.gather [spmem:s2], $0x80, s30, s17, $0xb8;
	[tilespmem:$0x1F880] =	vst v63  }
0x71: {  	s0 =	sadd.s32 $0x80, s30  }
0x72: {  	[tilespmem:s20], [sflag:$0x1] =	stream.indirect.gather [spmem:s2], $0x80, s0, s17, $0xb8;
	[tilespmem:$0x1F880] =	vst v63  }
0x73: {  	s0 =	sadd.s32 $0x100, s30  }
0x74: {  	[tilespmem:s22], [sflag:$0x1] =	stream.indirect.gather [spmem:s2], $0x80, s0, s17, $0xb8;
	[tilespmem:$0x1F880] =	vst v63  }
0x75: {  	s0 =	sadd.s32 $0x180, s30  }
0x76: {  	[tilespmem:s24], [sflag:$0x1] =	stream.indirect.gather [spmem:s2], $0x80, s0, s17, $0xb8;
	[tilespmem:$0x1F880] =	vst v63  }
0x77: {  	_ =	swait.ge [sflag:s25], $0x2800  }
0x78: {  	[sflag:s25] =	ssyncset.done $0x0  }
0x79: {  	[sflag:s25] =	ssyncadd.s32 $0xFFFFD800  }
0x7a: {  	_ =	swait.ge [sflag:s25], $0x2800  }
0x7b: {  	[sflag:s25] =	ssyncset.done $0x0  }
0x7c: {  	[sflag:s25] =	ssyncadd.s32 $0xFFFFD800  }
0x7d: {  	_ =	swait.ge [sflag:s25], $0x2800  }
0x7e: {  	[sflag:s25] =	ssyncset.done $0x0  }
0x7f: {  	[sflag:s25] =	ssyncadd.s32 $0xFFFFD800  }
0x80: {  	_ =	swait.ge [sflag:s25], $0x2800  }
0x81: {  	s0 =	sadd.s32 s31, s12;
	[sflag:s25] =	ssyncset.done $0x0  }
0x82: {  	s31 =	sadd.s32 $0x1400, s0;
	[sflag:s25] =	ssyncadd.s32 $0xFFFFD800  }
0x83: {  	[hbm4b:s31+s3] =	stream.linear.scatter [tilespmem:s18], [sflag:$0x2], $0x2800, $0x38;
	[tilespmem:$0x1F880] =	vst v63  }
.Ltmp0:
0x84: {  	s31 =	sadd.s32 $0x1900, s0;
	(pc) =	sbr.rel @p1 .LBB2_2-.Ltmp0, $4  }
0x85: {  	[hbm4b:s31+s3] =	stream.linear.scatter [tilespmem:s20], [sflag:$0x2], $0x2800, $0x38;
	[tilespmem:$0x1F880] =	vst v63  }
0x86: {  	s31 =	sadd.s32 $0x1E00, s0  }
0x87: {  	[hbm4b:s31+s3] =	stream.linear.scatter [tilespmem:s22], [sflag:$0x2], $0x2800, $0x38;
	[tilespmem:$0x1F880] =	vst v63  }
0x88: {  	s30 =	sadd.s32 $0x200, s30;
	s31 =	sadd.s32 $0x2300, s0  }
0x89: {  	[hbm4b:s31+s3] =	stream.linear.scatter [tilespmem:s24], [sflag:$0x2], $0x2800, $0x38;
	[tilespmem:$0x1F880] =	vst v63  }
0x8a: {  	_ =	swait.ge [sflag:s26], $0x2800  }
0x8b: {  	[sflag:s26] =	ssyncset.done $0x0  }
0x8c: {  	[sflag:s26] =	ssyncadd.s32 $0xFFFFD800  }
0x8d: {  	_ =	swait.ge [sflag:s26], $0x2800  }
0x8e: {  	[sflag:s26] =	ssyncset.done $0x0  }
0x8f: {  	s28 =	sadd.s32 $0x1, s28;
	[sflag:s26] =	ssyncadd.s32 $0xFFFFD800  }
0x90: {  	p1 =	sne.s32 s28, s8;
	_ =	swait.ge [sflag:s26], $0x2800  }
.Ltmp1:
0x91: {  	[sflag:s26] =	ssyncset.done $0x0;
	(pc) =	sbr.rel @p1 .LBB2_1-.Ltmp1, $4  }
0x92: {  	[sflag:s26] =	ssyncadd.s32 $0xFFFFD800  }
0x93: {  	_ =	swait.ge [sflag:s26], $0x2800  }
0x94: {  	[sflag:s26] =	ssyncset.done $0x0  }
0x95: {  	[sflag:s26] =	ssyncadd.s32 $0xFFFFD800  }
0x96: {  	_ =	sfence.sel $0x180000  }
0x97: {  	[bflag:$0x0] =	sbarrier.arrive $0xFFFF  }
0x98: {  	_ =	strace $0x90000047  }
0x99: {  	[bflag:$0x2] =	sbarrier.arrive $0xFFFF  }
0x9a: {  	p0 =	sne.s32 s1, $0x0;
	s0 =	rddreg [dreg:$0x3]  }
0x9b: {  	s0 =	sadd.s32 @!p0 $0x100000, s0  }
0x9c: {  	[sflag:s0] =	ssyncadd.tile.s32 @!p0 $0x1;
	_ =	shalt  }
.Lfunc_end2:
_tile_overlayer_lowered:
.L_overlay_start_2:
0x9d: {  	(tag) =	ssettag $0x2  }
0x9e: {  	s0 =	rddreg [dreg:$0x0];
	s2 =	stileid.u32  }
0x9f: {  	s1 =	rddreg [dreg:$0x1];
	p0 =	sne.s32 s2, $0x0  }
0xa0: {  	s3 =	rddreg [dreg:$0x2];
	[bflag:$0x3] =	sbarrier.arrive $0xFFFF;
	s2 =	simm.s32 @!p0 $0x1C03  }
0xa1: {  	[timem:s3], [sflag:s2] =	dma.local @!p0 [hbm:s0], s1  }
0xa2: {  	s0 =	simm.s32 @!p0 $0x3  }
0xa3: {  	_ =	swait.ge @!p0 [sflag:s0], s1  }
0xa4: {  	s1 =	ssub.s32 @!p0 $0x0, s1;
	[sflag:s0] =	ssyncset.done @!p0 $0x0  }
0xa5: {  	[sflag:s0] =	ssyncadd.s32 @!p0 s1  }
0xa6: {  	[bflag:$0x3] =	sbarrier.arrive $0xFFFF  }
0xa7: {  	_ =	shalt  }

// kernel: kernel.13.cloned.1.call-start
scs
__scs_entry_jumppad:
0x0: {  	(pc) =	sbr.rel $0x88, $3  }
0x1: {  	(tag) =	ssettag $0x0;
	lr =	simm.s32 $0x1  }
0x2: {  	[smem:$0x3F99] =	sst lr;
	_ =	strace $0xD0000000  }
0x3: {  	_ = 	snop  }
0x4: {  	_ = 	snop  }
0x5: {  	_ = 	snop  }
0x6: {  	_ = 	snop  }
0x7: {  	_ = 	snop  }
__scs_overlays_trampoline_lowered:
0x8: {  	[smem:$0x3FA8] =	sst s0  }
0x9: {  	[smem:$0x3FA9] =	sst s1  }
0xa: {  	[smem:$0x3FAA] =	sst s2  }
0xb: {  	[smem:$0x3FAB] =	sst s3  }
0xc: {  	[smem:$0x3FAC] =	sst s4  }
0xd: {  	[smem:$0x3FAD] =	sst s5  }
0xe: {  	[smem:$0x3FAE] =	sst s6  }
0xf: {  	[smem:$0x3FAF] =	sst s7  }
0x10: {  	[smem:$0x3FB0] =	sst s8  }
0x11: {  	[smem:$0x3FB1] =	sst s9;
	s0 =	simm.s32 @!p0 $0x0  }
0x12: {  	s1 =	sld [smem:$0x3F97];
	s0 =	simm.s32 @p0 $0x1  }
0x13: {  	[smem:$0x3FB2] =	sst s0;
	s0 =	simm.s32 @!p1 $0x0  }
0x14: {  	s2 =	sld [smem:$0x3F96];
	s0 =	simm.s32 @p1 $0x1  }
0x15: {  	[smem:$0x3FB3] =	sst s0;
	s0 =	simm.s32 @!p2 $0x0  }
0x16: {  	s3 =	sld [smem:$0x3FDB];
	s0 =	simm.s32 @p2 $0x1  }
0x17: {  	s4 =	simm.s32 $0x1BF5;
	[smem:$0x3FB5] =	sst s0  }
0x18: {  	s0 =	sld [smem:$0x3F98];
	_ =	swait.ge [sflag:s4], $0x0  }
0x19: {  	s7 =	sld [smem:$0x3F99]  }
0x1a: {  	s8 =	sadd.s32 $0xFFFFE003, lr  }
0x1b: {  	s9 =	sadd.s32 $0xFFFFFEF7, lr;
	s5 =	simm.s32 $0xFFFFFFFF;
	p2 =	slt.u32 s8, $0xFFFFF086  }
0x1c: {  	p1 =	slt.u32 s9, $0xF7A;
	s5 =	simm.s32 @!p2 $0x0  }
0x1d: {  	s5 =	simm.s32 @p1 $0x1;
	p0 =	seq.s32 s7, s2  }
0x1e: {  	s7 =	smul.u32 @!p0 $0xF7A, s2;
	p2 =	seq.s32 @!p0 s5, $0x0  }
0x1f: {  	s9 =	smul.u32 $0xF7A, s1;
	s8 =	simm.s32 @!p0 $0x1BF5;
	p2 =	por !p2, p0  }
0x20: {  	[sflag:s8] =	ssyncset.s32 @!p0 $0xFFFFF086;
	s6 =	sadd.s32 @!p0 s3, s7;
	s7 =	simm.s32 @!p0 $0x108  }
0x21: {  	s3 =	sadd.s32 s3, s9;
	s6 =	sadd.s32 @!p0 $0x88, s6;
	s7 =	simm.s32 @p2 $0x1082  }
0x22: {  	[simem:s7], [sflag:s8] =	dma.local @!p0 [hbm:s6], $0xF7A  }
0x23: {  	s9 =	sor.u32 $0xD0000000, s2;
	s6 =	simm.s32 $0x108;
	_ =	swait.ge @!p0 [sflag:s8], $0x0  }
0x24: {  	s3 =	sadd.s32 $0x88, s3;
	s6 =	simm.s32 @!p1 $0x1082;
	[sflag:s4] =	ssyncset.s32 $0xFFFFF086  }
0x25: {  	[simem:s6], [sflag:s4] =	dma.local [hbm:s3], $0xF7A  }
0x26: {  	[smem:$0x3F99] =	sst s1;
	(tag) =	ssettag s2;
	_ =	strace s9  }
0x27: {  	s1 =	sld [smem:$0x3FA9]  }
0x28: {  	s2 =	sld [smem:$0x3FAA]  }
0x29: {  	s4 =	sld [smem:$0x3FAC]  }
0x2a: {  	p0 =	seq.s32 s5, $0x0;
	s5 =	sld [smem:$0x3FAD]  }
0x2b: {  	s6 =	sld [smem:$0x3FAE]  }
0x2c: {  	s7 =	sld [smem:$0x3FAF]  }
0x2d: {  	s3 =	simm.s32 $0x108;
	s8 =	sld [smem:$0x3FB0]  }
0x2e: {  	s3 =	simm.s32 @!p0 $0x1082;
	s9 =	sld [smem:$0x3FB1]  }
0x2f: {  	lr =	sadd.s32 s0, s3;
	s0 =	sld [smem:$0x3FA8]  }
0x30: {  	s3 =	sld [smem:$0x3FAB]  }
0x31: {  	[smem:$0x3FB4] =	sst s10  }
0x32: {  	s10 =	sld [smem:$0x3FB2];
	_ =	sdelay $0x3  }
0x33: {  	p0 =	seq.s32 s10, $0x1;
	s10 =	sld [smem:$0x3FB4];
	_ =	sdelay $0x3  }
0x34: {  	[smem:$0x3FB4] =	sst s10  }
0x35: {  	s10 =	sld [smem:$0x3FB3];
	_ =	sdelay $0x3  }
0x36: {  	p1 =	seq.s32 s10, $0x1;
	s10 =	sld [smem:$0x3FB4];
	_ =	sdelay $0x3  }
0x37: {  	[smem:$0x3FB4] =	sst s10  }
0x38: {  	s10 =	sld [smem:$0x3FB5]  }
0x39: {  	_ = 	snop;
	(pc) =	sbr.ind lr, $3  }
0x3a: {  	_ = 	snop  }
0x3b: {  	_ = 	snop  }
0x3c: {  	p2 =	seq.s32 s10, $0x1;
	s10 =	sld [smem:$0x3FB4]  }
0x3d: {  	_ =	shalt  }
0x3e: {  	_ =	shalt  }
0x3f: {  	_ =	shalt  }
0x40: {  	_ =	shalt  }
0x41: {  	_ =	shalt  }
0x42: {  	_ =	shalt  }
0x43: {  	_ =	shalt  }
0x44: {  	_ =	shalt  }
0x45: {  	_ =	shalt  }
0x46: {  	_ =	shalt  }
0x47: {  	_ =	shalt  }
0x48: {  	_ =	shalt  }
0x49: {  	_ =	shalt  }
0x4a: {  	_ =	shalt  }
0x4b: {  	_ =	shalt  }
0x4c: {  	_ =	shalt  }
0x4d: {  	_ =	shalt  }
0x4e: {  	_ =	shalt  }
0x4f: {  	_ =	shalt  }
0x50: {  	_ =	shalt  }
0x51: {  	_ =	shalt  }
0x52: {  	_ =	shalt  }
0x53: {  	_ =	shalt  }
0x54: {  	_ =	shalt  }
0x55: {  	_ =	shalt  }
0x56: {  	_ =	shalt  }
0x57: {  	_ =	shalt  }
0x58: {  	_ =	shalt  }
0x59: {  	_ =	shalt  }
0x5a: {  	_ =	shalt  }
0x5b: {  	_ =	shalt  }
0x5c: {  	_ =	shalt  }
0x5d: {  	_ =	shalt  }
0x5e: {  	_ =	shalt  }
0x5f: {  	_ =	shalt  }
0x60: {  	_ =	shalt  }
0x61: {  	_ =	shalt  }
0x62: {  	_ =	shalt  }
0x63: {  	_ =	shalt  }
0x64: {  	_ =	shalt  }
0x65: {  	_ =	shalt  }
0x66: {  	_ =	shalt  }
0x67: {  	_ =	shalt  }
0x68: {  	_ =	shalt  }
0x69: {  	_ =	shalt  }
0x6a: {  	_ =	shalt  }
0x6b: {  	_ =	shalt  }
0x6c: {  	_ =	shalt  }
0x6d: {  	_ =	shalt  }
0x6e: {  	_ =	shalt  }
0x6f: {  	_ =	shalt  }
0x70: {  	_ =	shalt  }
0x71: {  	_ =	shalt  }
0x72: {  	_ =	shalt  }
0x73: {  	_ =	shalt  }
0x74: {  	_ =	shalt  }
0x75: {  	_ =	shalt  }
0x76: {  	_ =	shalt  }
0x77: {  	_ =	shalt  }
0x78: {  	_ =	shalt  }
0x79: {  	_ =	shalt  }
0x7a: {  	_ =	shalt  }
0x7b: {  	_ =	shalt  }
0x7c: {  	_ =	shalt  }
0x7d: {  	_ =	shalt  }
0x7e: {  	_ =	shalt  }
0x7f: {  	_ =	shalt  }
0x80: {  	_ =	shalt  }
0x81: {  	_ =	shalt  }
0x82: {  	_ =	shalt  }
0x83: {  	_ =	shalt  }
0x84: {  	_ =	shalt  }
0x85: {  	_ =	shalt  }
0x86: {  	_ =	shalt  }
0x87: {  	_ =	shalt  }
.Lfunc_end0:
.L_simem_size_0:
called_computation.1_lowered:
.L_overlay_start_0:
0x88: {  	s2 =	sld [smem:$0x3FD9]  }
0x89: {  	s3 =	sld [smem:$0x3FFE];
	_ =	sdelay $0x1  }
0x8a: {  	s1 =	srdreg.scid  }
0x8b: {  	s0 =	sand.u32 $0x1, s1  }
0x8c: {  	s17 =	sshll.u32 s0, $0xA;
	s2 =	sadd.s32 s3, s2  }
0x8d: {  	s2 =	sadd.s32 s2, s17  }
0x8e: {  	[smem:$0x3FC0] =	sst s2  }
0x8f: {  	_ = 	snop  }
0x90: {  	s18 =	sld [smem:$0x3FD0];
	(tm) =	ssettm $0x1  }
0x91: {  	s19 =	sld [smem:$0x3FFB];
	_ =	sdelay $0x3  }
0x92: {  	_ =	strace s19  }
0x93: {  	s2 =	sld [smem:$0x3FFC];
	_ =	sdelay $0x3  }
0x94: {  	_ =	strace s2  }
0x95: {  	s2 =	sld [smem:$0x3FFD];
	_ =	sdelay $0x3  }
0x96: {  	_ =	strace s2  }
0x97: {  	_ =	strace $0x8FFFFFFF  }
0x98: {  	s20 =	sld [smem:$0x3FDB];
	_ =	sdelay $0x1  }
0x99: {  	s4 =	simm.s32 $_scs_section_size  }
0x9a: {  	s5 =	simm.s32 $_size__tile_overlayer_lowered;
	s6 =	simm.s32 $_tile_overlayer_lowered  }
0x9b: {  	s7 =	simm.s32 $0x1BFF;
	s21 =	sshll.u32 s6, $0x1;
	s4 =	sadd.s32 s4, s20  }
0x9c: {  	s22 =	simm.s32 $0x0;
	s5 =	sshll.u32 s5, $0x1;
	s6 =	sadd.s32 s21, s4  }
0x9d: {  	[timem:s22], [sflag:s7] =	dma.local [hbm:s6], s5  }
0x9e: {  	_ =	swait.ge [sflag:s7], s5  }
0x9f: {  	s5 =	ssub.s32 $0x0, s5;
	[sflag:s7] =	ssyncset.done $0x0  }
0xa0: {  	[sflag:s7] =	ssyncadd.s32 s5;
	_ =	sdelay $0x1  }
0xa1: {  	s23 =	simm.s32 $0x1B8B  }
0xa2: {  	_ =	swait.ge [sflag:s23], $0x1  }
0xa3: {  	[sflag:s23] =	ssyncset.done $0x0  }
0xa4: {  	[sflag:s23] =	ssyncadd.s32 $0xFFFFFFFF  }
0xa5: {  	s5 =	sld [smem:$0x0]  }
0xa6: {  	s6 =	sand.u32 $0xFFFFFFFE, s1  }
0xa7: {  	p0 =	sne.s32 s1, s6  }
0xa8: {  	s6 =	sshll.u32 @p0 s6, $0xE  }
0xa9: {  	s6 =	sadd.s32 @p0 $0x11B8D, s6;
	s7 =	sshll.u32 @p0 s5, $0x11  }
0xaa: {  	s6 =	sor.u32 @p0 s7, s6  }
0xab: {  	[sflag:s6] =	ssyncadd.remote.s32 @p0 $0x1;
	_ =	sdelay $0x1  }
0xac: {  	s6 =	simm.s32 @p0 $0x1B8D  }
0xad: {  	_ =	swait.eq @p0 [sflag:s6], $0x1  }
0xae: {  	[sflag:s6] =	ssyncadd.s32 @p0 $0xFFFFFFFF  }
0xaf: {  	s7 =	sshll.u32 @!p0 s1, $0xE  }
0xb0: {  	s7 =	sor.u32 @!p0 $0x4000, s7;
	s6 =	simm.s32 @!p0 $0x1B8D  }
0xb1: {  	s5 =	sshll.u32 @!p0 s5, $0x11;
	s7 =	sadd.s32 @!p0 $0x11B8D, s7;
	_ =	swait.eq @!p0 [sflag:s6], $0x1  }
0xb2: {  	s5 =	sor.u32 @!p0 s5, s7;
	[sflag:s6] =	ssyncadd.s32 @!p0 $0xFFFFFFFF  }
0xb3: {  	s25 =	simm.s32 $0x1B8E;
	s24 =	sld [smem:$0x3FFE];
	[sflag:s5] =	ssyncadd.remote.s32 @!p0 $0x1  }
0xb4: {  	s26 =	simm.s32 $execute0_lowered;
	[smem:$0x3FD2] =	sst s25  }
0xb5: {  	s6 =	sshll.u32 s26, $0x1;
	_ =	strace $0x80000049;
	[dreg:$0x1] =	wrdreg $0xFFFFFFFF  }
0xb6: {  	s28 =	simm.s32 $_size_execute0_lowered;
	s4 =	sadd.s32 s4, s6;
	[dreg:$0x0] =	wrdreg $0x0  }
0xb7: {  	s6 =	sshll.u32 s28, $0x1;
	[dreg:$0x2] =	wrdreg s4  }
0xb8: {  	[dreg:$0x3] =	wrdreg s6  }
0xb9: {  	[dreg:$0x4] =	wrdreg $0xC0  }
0xba: {  	_ =	task [dreg:s22], $0x5FFFF  }
0xbb: {  	[dreg:$0x1] =	wrdreg $0xFFFFFFFF  }
0xbc: {  	[dreg:$0x0] =	wrdreg $0x60  }
0xbd: {  	[dreg:$0x2] =	wrdreg s18  }
0xbe: {  	[dreg:$0x3] =	wrdreg s24  }
0xbf: {  	[dreg:$0x4] =	wrdreg $0xC0000  }
0xc0: {  	[dreg:$0x5] =	wrdreg $0x9  }
0xc1: {  	_ =	task.clear_ibuf [dreg:s22], $0x6FFFF;
	_ =	strace $0x90000049  }
0xc2: {  	s29 =	simm.s32 $0x9;
	_ =	strace $0x8000004B  }
0xc3: {  	_ =	swait.ge [sflag:s29], $0x1  }
0xc4: {  	[sflag:s29] =	ssyncadd.s32 $0xFFFFFFFF  }
0xc5: {  	_ =	strace $0x9000004B  }
0xc6: {  	_ =	sfence  }
0xc7: {  	s30 =	sld [smem:$0x0];
	_ =	sdelay $0x2  }
0xc8: {  	s31 =	sshll.u32 s1, $0xD;
	s1 =	sshrl.u32 s1, $0x2  }
0xc9: {  	s4 =	sand.u32 $0x4000, s31;
	s1 =	sadd.s32 s1, s30  }
0xca: {  	s0 =	sor.u32 s4, s0;
	s1 =	sshll.u32 s1, $0x11  }
0xcb: {  	s0 =	sor.u32 s1, s0  }
0xcc: {  	s0 =	sadd.s32 $0x8F2B, s0  }
0xcd: {  	[sflag:s0] =	ssyncadd.remote.s32 $0x1  }
0xce: {  	_ =	sfence.sel $0xFFFF  }
0xcf: {  	[dreg:$0x0] =	wrdreg $0xFFFFFFFF;
	(pc) =	sbr.abs _section_cstart, $3  }
0xd0: {  	[dreg:$0x1] =	wrdreg $0xFFFFFFFF  }
0xd1: {  	_ =	task.clear_ibuf [dreg:s22], $0x2FFFF;
	_ =	strace $0x9FFFFFFF  }
0xd2: {  	(tm) =	ssettm $0x7FFFFFFF  }
0xd3: {  	_ =	shalt  }
tec
execute0_lowered:
.L_overlay_start_1:
0x0: {  	(tag) =	ssettag $0x1  }
0x1: {  	s5 =	rddreg [dreg:$0x0]  }
0x2: {  	s4 =	rddreg [dreg:$0x1]  }
0x3: {  	s2 =	rddreg [dreg:$0x2];
	s6 =	srdreg.scid  }
0x4: {  	s1 =	stileid.u32;
	s3 =	simm.s32 $0x0;
	s16 =	simm.s32 $0x3  }
0x5: {  	s17 =	simm.s32 $0x50;
	s18 =	simm.s32 $0x2000;
	s19 =	simm.s32 $0x80  }
0x6: {  	s20 =	simm.s32 $0x4800;
	s21 =	simm.s32 $0x100;
	s22 =	simm.s32 $0x7000  }
0x7: {  	s23 =	simm.s32 $0x180;
	s24 =	simm.s32 $0x9800;
	s25 =	simm.s32 $0x1  }
0x8: {  	s28 =	simm.s32 $0x0;
	s10 =	sand.u32 $0x1, s6;
	s8 =	smul.u32 $0x4F000, s1  }
0x9: {  	s26 =	sshll.u32 s1, $0x1;
	s11 =	sadd.s32 $0x2F2200, s4;
	s12 =	smul.u32 $0x2780, s1  }
0xa: {  	[smem:$0x7FF] =	sst s3;
	s13 =	sadd.s32 $0x128400, s2;
	s31 =	smul.u32 $0x28000, s1  }
0xb: {  	p0 =	seq.s32 s1, $0xF;
	s6 =	sor.u32 s10, s26;
	_ =	strace $0x8000004A  }
0xc: {  	s29 =	ssub.s32 $0x2, s10;
	s14 =	smul.u32 $0x14000, s10;
	s13 =	sshrl.u32 @p0 s13, $0x3  }
0xd: {  	s26 =	simm.s32 $0x2;
	s7 =	sshll.u32 s6, $0xA;
	s9 =	sshrl.u32 s29, $0x1  }
0xe: {  	s8 =	sshrl.u32 s8, $0x2;
	s30 =	smul.u32 $0x14000, s6;
	s7 =	sadd.s32 s7, s4  }
0xf: {  	s9 =	ssub.s32 s29, s9;
	s15 =	sadd.s32 s8, s2;
	s4 =	sadd.s32 s5, s12  }
0x10: {  	s5 =	sadd.s32 $0x25080, s5;
	s12 =	sadd.s32 s31, s11;
	s6 =	sadd.s32 $0x2EA200, s7  }
0x11: {  	s7 =	sadd.s32 s11, s30;
	s8 =	smax.u32 s9, $0x1;
	s12 =	sadd.s32 s14, s12  }
0x12: {  	s14 =	sshll.u32 @!p0 s1, $0x6;
	s15 =	sshrl.u32 @!p0 s15, $0x3;
	s9 =	sadd.s32 $0x500, s7  }
0x13: {  	s10 =	sadd.s32 $0xA00, s7;
	s11 =	sadd.s32 $0xF00, s7;
	s14 =	sor.u32 @!p0 $0x1C03, s14  }
.LBB2_1:
0x14: {  	s29 =	simm.s32 @p0 $0x1FC3  }
0x15: {  	[spmem:s13], [sflag:s29] =	dma.local @p0 [hbm:s5], $0x2080  }
0x16: {  	s29 =	simm.s32 @p0 $0x3  }
0x17: {  	_ =	swait.ge @p0 [sflag:s29], $0x2080  }
0x18: {  	[sflag:s29] =	ssyncset.done @p0 $0x0  }
0x19: {  	[sflag:s29] =	ssyncadd.s32 @p0 $0xFFFFDF80;
	s29 =	simm.s32 @!p0 $0x3  }
0x1a: {  	[spmem:s15], [sflag:s14] =	dma.local @!p0 [hbm:s4], $0x2780  }
0x1b: {  	_ =	swait.ge @!p0 [sflag:s29], $0x2780  }
0x1c: {  	[sflag:s29] =	ssyncset.done @!p0 $0x0  }
0x1d: {  	[sflag:s29] =	ssyncadd.s32 @!p0 $0xFFFFD880  }
0x1e: {  	[tilespmem:s3], [sflag:$0x3] =	stream.linear.gather [hbm4b:s6+s3], $0x2000, $0x38;
	[tilespmem:$0x1F880] =	vst v63  }
0x1f: {  	_ =	swait.ge [sflag:s16], $0x2000  }
0x20: {  	[sflag:s16] =	ssyncset.done $0x0  }
0x21: {  	[sflag:s16] =	ssyncadd.s32 $0xFFFFE000  }
0x22: {  	[bflag:$0x0] =	sbarrier.arrive $0xFFFF  }
0x23: {  	[tilespmem:s18], [sflag:$0x1] =	stream.indirect.gather [spmem:s2], $0x80, s3, s17, $0xb8;
	[tilespmem:$0x1F880] =	vst v63  }
0x24: {  	_ = 	snop  }
0x25: {  	[tilespmem:s20], [sflag:$0x1] =	stream.indirect.gather [spmem:s2], $0x80, s19, s17, $0xb8;
	[tilespmem:$0x1F880] =	vst v63  }
0x26: {  	_ = 	snop  }
0x27: {  	[tilespmem:s22], [sflag:$0x1] =	stream.indirect.gather [spmem:s2], $0x80, s21, s17, $0xb8;
	[tilespmem:$0x1F880] =	vst v63  }
0x28: {  	_ = 	snop  }
0x29: {  	[tilespmem:s24], [sflag:$0x1] =	stream.indirect.gather [spmem:s2], $0x80, s23, s17, $0xb8;
	[tilespmem:$0x1F880] =	vst v63  }
0x2a: {  	_ =	swait.ge [sflag:s25], $0x2800  }
0x2b: {  	[sflag:s25] =	ssyncset.done $0x0  }
0x2c: {  	[sflag:s25] =	ssyncadd.s32 $0xFFFFD800  }
0x2d: {  	_ =	swait.ge [sflag:s25], $0x2800  }
0x2e: {  	[sflag:s25] =	ssyncset.done $0x0  }
0x2f: {  	[sflag:s25] =	ssyncadd.s32 $0xFFFFD800  }
0x30: {  	_ =	swait.ge [sflag:s25], $0x2800  }
0x31: {  	[sflag:s25] =	ssyncset.done $0x0  }
0x32: {  	[sflag:s25] =	ssyncadd.s32 $0xFFFFD800  }
0x33: {  	_ =	swait.ge [sflag:s25], $0x2800  }
0x34: {  	[sflag:s25] =	ssyncset.done $0x0  }
0x35: {  	[sflag:s25] =	ssyncadd.s32 $0xFFFFD800  }
0x36: {  	[hbm4b:s7+s3] =	stream.linear.scatter [tilespmem:s18], [sflag:$0x2], $0x2800, $0x38;
	[tilespmem:$0x1F880] =	vst v63  }
0x37: {  	_ = 	snop  }
0x38: {  	[hbm4b:s9+s3] =	stream.linear.scatter [tilespmem:s20], [sflag:$0x2], $0x2800, $0x38;
	[tilespmem:$0x1F880] =	vst v63  }
0x39: {  	_ = 	snop  }
0x3a: {  	[hbm4b:s10+s3] =	stream.linear.scatter [tilespmem:s22], [sflag:$0x2], $0x2800, $0x38;
	[tilespmem:$0x1F880] =	vst v63  }
0x3b: {  	_ = 	snop  }
0x3c: {  	[hbm4b:s11+s3] =	stream.linear.scatter [tilespmem:s24], [sflag:$0x2], $0x2800, $0x38;
	[tilespmem:$0x1F880] =	vst v63  }
0x3d: {  	_ =	swait.ge [sflag:s26], $0x2800  }
0x3e: {  	[sflag:s26] =	ssyncset.done $0x0  }
0x3f: {  	[sflag:s26] =	ssyncadd.s32 $0xFFFFD800  }
0x40: {  	_ =	swait.ge [sflag:s26], $0x2800  }
0x41: {  	[sflag:s26] =	ssyncset.done $0x0  }
0x42: {  	[sflag:s26] =	ssyncadd.s32 $0xFFFFD800  }
0x43: {  	_ =	swait.ge [sflag:s26], $0x2800  }
0x44: {  	[sflag:s26] =	ssyncset.done $0x0  }
0x45: {  	[sflag:s26] =	ssyncadd.s32 $0xFFFFD800  }
0x46: {  	_ =	swait.ge [sflag:s26], $0x2800  }
0x47: {  	[sflag:s26] =	ssyncset.done $0x0  }
0x48: {  	s29 =	simm.s32 $0x200;
	[sflag:s26] =	ssyncadd.s32 $0xFFFFD800  }
0x49: {  	[tilespmem:s18], [sflag:$0x1] =	stream.indirect.gather [spmem:s2], $0x80, s29, s17, $0xb8;
	[tilespmem:$0x1F880] =	vst v63  }
0x4a: {  	s29 =	simm.s32 $0x280  }
0x4b: {  	[tilespmem:s20], [sflag:$0x1] =	stream.indirect.gather [spmem:s2], $0x80, s29, s17, $0xb8;
	[tilespmem:$0x1F880] =	vst v63  }
0x4c: {  	s29 =	simm.s32 $0x300  }
0x4d: {  	[tilespmem:s22], [sflag:$0x1] =	stream.indirect.gather [spmem:s2], $0x80, s29, s17, $0xb8;
	[tilespmem:$0x1F880] =	vst v63  }
0x4e: {  	s29 =	simm.s32 $0x380  }
0x4f: {  	[tilespmem:s24], [sflag:$0x1] =	stream.indirect.gather [spmem:s2], $0x80, s29, s17, $0xb8;
	[tilespmem:$0x1F880] =	vst v63  }
0x50: {  	_ =	swait.ge [sflag:s25], $0x2800  }
0x51: {  	[sflag:s25] =	ssyncset.done $0x0  }
0x52: {  	[sflag:s25] =	ssyncadd.s32 $0xFFFFD800  }
0x53: {  	_ =	swait.ge [sflag:s25], $0x2800  }
0x54: {  	[sflag:s25] =	ssyncset.done $0x0  }
0x55: {  	[sflag:s25] =	ssyncadd.s32 $0xFFFFD800  }
0x56: {  	_ =	swait.ge [sflag:s25], $0x2800  }
0x57: {  	[sflag:s25] =	ssyncset.done $0x0  }
0x58: {  	[sflag:s25] =	ssyncadd.s32 $0xFFFFD800  }
0x59: {  	_ =	swait.ge [sflag:s25], $0x2800  }
0x5a: {  	s30 =	sadd.s32 $0x0, s12;
	[sflag:s25] =	ssyncset.done $0x0  }
0x5b: {  	s29 =	sadd.s32 $0x1400, s30;
	[sflag:s25] =	ssyncadd.s32 $0xFFFFD800  }
0x5c: {  	[hbm4b:s29+s3] =	stream.linear.scatter [tilespmem:s18], [sflag:$0x2], $0x2800, $0x38;
	[tilespmem:$0x1F880] =	vst v63  }
0x5d: {  	s29 =	sadd.s32 $0x1900, s30  }
0x5e: {  	[hbm4b:s29+s3] =	stream.linear.scatter [tilespmem:s20], [sflag:$0x2], $0x2800, $0x38;
	[tilespmem:$0x1F880] =	vst v63  }
0x5f: {  	s29 =	sadd.s32 $0x1E00, s30  }
0x60: {  	[hbm4b:s29+s3] =	stream.linear.scatter [tilespmem:s22], [sflag:$0x2], $0x2800, $0x38;
	[tilespmem:$0x1F880] =	vst v63  }
0x61: {  	s31 =	sadd.s32 $0x2300, s30;
	s30 =	simm.s32 $0x400;
	s29 =	simm.s32 $0x1400  }
.LBB2_2:
0x62: {  	[hbm4b:s31+s3] =	stream.linear.scatter [tilespmem:s24], [sflag:$0x2], $0x2800, $0x38;
	[tilespmem:$0x1F880] =	vst v63  }
0x63: {  	s31 =	smov.u32 s29  }
0x64: {  	p1 =	sne.s32 s29, $0x11800;
	s29 =	sadd.s32 $0x1400, s29;
	_ =	swait.ge [sflag:s26], $0x2800  }
0x65: {  	[sflag:s26] =	ssyncset.done $0x0  }
0x66: {  	[sflag:s26] =	ssyncadd.s32 $0xFFFFD800  }
0x67: {  	_ =	swait.ge [sflag:s26], $0x2800  }
0x68: {  	[sflag:s26] =	ssyncset.done $0x0  }
0x69: {  	[sflag:s26] =	ssyncadd.s32 $0xFFFFD800  }
0x6a: {  	_ =	swait.ge [sflag:s26], $0x2800  }
0x6b: {  	[sflag:s26] =	ssyncset.done $0x0  }
0x6c: {  	[sflag:s26] =	ssyncadd.s32 $0xFFFFD800  }
0x6d: {  	_ =	swait.ge [sflag:s26], $0x2800  }
0x6e: {  	[sflag:s26] =	ssyncset.done $0x0  }
0x6f: {  	[sflag:s26] =	ssyncadd.s32 $0xFFFFD800  }
0x70: {  	[tilespmem:s18], [sflag:$0x1] =	stream.indirect.gather [spmem:s2], $0x80, s30, s17, $0xb8;
	[tilespmem:$0x1F880] =	vst v63  }
0x71: {  	s0 =	sadd.s32 $0x80, s30  }
0x72: {  	[tilespmem:s20], [sflag:$0x1] =	stream.indirect.gather [spmem:s2], $0x80, s0, s17, $0xb8;
	[tilespmem:$0x1F880] =	vst v63  }
0x73: {  	s0 =	sadd.s32 $0x100, s30  }
0x74: {  	[tilespmem:s22], [sflag:$0x1] =	stream.indirect.gather [spmem:s2], $0x80, s0, s17, $0xb8;
	[tilespmem:$0x1F880] =	vst v63  }
0x75: {  	s0 =	sadd.s32 $0x180, s30  }
0x76: {  	[tilespmem:s24], [sflag:$0x1] =	stream.indirect.gather [spmem:s2], $0x80, s0, s17, $0xb8;
	[tilespmem:$0x1F880] =	vst v63  }
0x77: {  	_ =	swait.ge [sflag:s25], $0x2800  }
0x78: {  	[sflag:s25] =	ssyncset.done $0x0  }
0x79: {  	[sflag:s25] =	ssyncadd.s32 $0xFFFFD800  }
0x7a: {  	_ =	swait.ge [sflag:s25], $0x2800  }
0x7b: {  	[sflag:s25] =	ssyncset.done $0x0  }
0x7c: {  	[sflag:s25] =	ssyncadd.s32 $0xFFFFD800  }
0x7d: {  	_ =	swait.ge [sflag:s25], $0x2800  }
0x7e: {  	[sflag:s25] =	ssyncset.done $0x0  }
0x7f: {  	[sflag:s25] =	ssyncadd.s32 $0xFFFFD800  }
0x80: {  	_ =	swait.ge [sflag:s25], $0x2800  }
0x81: {  	s0 =	sadd.s32 s31, s12;
	[sflag:s25] =	ssyncset.done $0x0  }
0x82: {  	s31 =	sadd.s32 $0x1400, s0;
	[sflag:s25] =	ssyncadd.s32 $0xFFFFD800  }
0x83: {  	[hbm4b:s31+s3] =	stream.linear.scatter [tilespmem:s18], [sflag:$0x2], $0x2800, $0x38;
	[tilespmem:$0x1F880] =	vst v63  }
.Ltmp0:
0x84: {  	s31 =	sadd.s32 $0x1900, s0;
	(pc) =	sbr.rel @p1 .LBB2_2-.Ltmp0, $4  }
0x85: {  	[hbm4b:s31+s3] =	stream.linear.scatter [tilespmem:s20], [sflag:$0x2], $0x2800, $0x38;
	[tilespmem:$0x1F880] =	vst v63  }
0x86: {  	s31 =	sadd.s32 $0x1E00, s0  }
0x87: {  	[hbm4b:s31+s3] =	stream.linear.scatter [tilespmem:s22], [sflag:$0x2], $0x2800, $0x38;
	[tilespmem:$0x1F880] =	vst v63  }
0x88: {  	s30 =	sadd.s32 $0x200, s30;
	s31 =	sadd.s32 $0x2300, s0  }
0x89: {  	[hbm4b:s31+s3] =	stream.linear.scatter [tilespmem:s24], [sflag:$0x2], $0x2800, $0x38;
	[tilespmem:$0x1F880] =	vst v63  }
0x8a: {  	_ =	swait.ge [sflag:s26], $0x2800  }
0x8b: {  	[sflag:s26] =	ssyncset.done $0x0  }
0x8c: {  	[sflag:s26] =	ssyncadd.s32 $0xFFFFD800  }
0x8d: {  	_ =	swait.ge [sflag:s26], $0x2800  }
0x8e: {  	[sflag:s26] =	ssyncset.done $0x0  }
0x8f: {  	s28 =	sadd.s32 $0x1, s28;
	[sflag:s26] =	ssyncadd.s32 $0xFFFFD800  }
0x90: {  	p1 =	sne.s32 s28, s8;
	_ =	swait.ge [sflag:s26], $0x2800  }
.Ltmp1:
0x91: {  	[sflag:s26] =	ssyncset.done $0x0;
	(pc) =	sbr.rel @p1 .LBB2_1-.Ltmp1, $4  }
0x92: {  	[sflag:s26] =	ssyncadd.s32 $0xFFFFD800  }
0x93: {  	_ =	swait.ge [sflag:s26], $0x2800  }
0x94: {  	[sflag:s26] =	ssyncset.done $0x0  }
0x95: {  	[sflag:s26] =	ssyncadd.s32 $0xFFFFD800  }
0x96: {  	_ =	sfence.sel $0x180000  }
0x97: {  	[bflag:$0x0] =	sbarrier.arrive $0xFFFF  }
0x98: {  	_ =	strace $0x9000004A  }
0x99: {  	[bflag:$0x2] =	sbarrier.arrive $0xFFFF  }
0x9a: {  	p0 =	sne.s32 s1, $0x0;
	s0 =	rddreg [dreg:$0x3]  }
0x9b: {  	s0 =	sadd.s32 @!p0 $0x100000, s0  }
0x9c: {  	[sflag:s0] =	ssyncadd.tile.s32 @!p0 $0x1;
	_ =	shalt  }
.Lfunc_end2:
_tile_overlayer_lowered:
.L_overlay_start_2:
0x9d: {  	(tag) =	ssettag $0x2  }
0x9e: {  	s0 =	rddreg [dreg:$0x0];
	s2 =	stileid.u32  }
0x9f: {  	s1 =	rddreg [dreg:$0x1];
	p0 =	sne.s32 s2, $0x0  }
0xa0: {  	s3 =	rddreg [dreg:$0x2];
	[bflag:$0x3] =	sbarrier.arrive $0xFFFF;
	s2 =	simm.s32 @!p0 $0x1C03  }
0xa1: {  	[timem:s3], [sflag:s2] =	dma.local @!p0 [hbm:s0], s1  }
0xa2: {  	s0 =	simm.s32 @!p0 $0x3  }
0xa3: {  	_ =	swait.ge @!p0 [sflag:s0], s1  }
0xa4: {  	s1 =	ssub.s32 @!p0 $0x0, s1;
	[sflag:s0] =	ssyncset.done @!p0 $0x0  }
0xa5: {  	[sflag:s0] =	ssyncadd.s32 @!p0 s1  }
0xa6: {  	[bflag:$0x3] =	sbarrier.arrive $0xFFFF  }
0xa7: {  	_ =	shalt  }

// kernel: kernel.16.cloned.1.call-start
scs
__scs_entry_jumppad:
0x0: {  	(pc) =	sbr.rel $0x88, $3  }
0x1: {  	(tag) =	ssettag $0x0;
	lr =	simm.s32 $0x1  }
0x2: {  	[smem:$0x3F99] =	sst lr;
	_ =	strace $0xD0000000  }
0x3: {  	_ = 	snop  }
0x4: {  	_ = 	snop  }
0x5: {  	_ = 	snop  }
0x6: {  	_ = 	snop  }
0x7: {  	_ = 	snop  }
__scs_overlays_trampoline_lowered:
0x8: {  	[smem:$0x3FA8] =	sst s0  }
0x9: {  	[smem:$0x3FA9] =	sst s1  }
0xa: {  	[smem:$0x3FAA] =	sst s2  }
0xb: {  	[smem:$0x3FAB] =	sst s3  }
0xc: {  	[smem:$0x3FAC] =	sst s4  }
0xd: {  	[smem:$0x3FAD] =	sst s5  }
0xe: {  	[smem:$0x3FAE] =	sst s6  }
0xf: {  	[smem:$0x3FAF] =	sst s7  }
0x10: {  	[smem:$0x3FB0] =	sst s8  }
0x11: {  	[smem:$0x3FB1] =	sst s9;
	s0 =	simm.s32 @!p0 $0x0  }
0x12: {  	s1 =	sld [smem:$0x3F97];
	s0 =	simm.s32 @p0 $0x1  }
0x13: {  	[smem:$0x3FB2] =	sst s0;
	s0 =	simm.s32 @!p1 $0x0  }
0x14: {  	s2 =	sld [smem:$0x3F96];
	s0 =	simm.s32 @p1 $0x1  }
0x15: {  	[smem:$0x3FB3] =	sst s0;
	s0 =	simm.s32 @!p2 $0x0  }
0x16: {  	s3 =	sld [smem:$0x3FDB];
	s0 =	simm.s32 @p2 $0x1  }
0x17: {  	s4 =	simm.s32 $0x1BF5;
	[smem:$0x3FB5] =	sst s0  }
0x18: {  	s0 =	sld [smem:$0x3F98];
	_ =	swait.ge [sflag:s4], $0x0  }
0x19: {  	s7 =	sld [smem:$0x3F99]  }
0x1a: {  	s8 =	sadd.s32 $0xFFFFE003, lr  }
0x1b: {  	s9 =	sadd.s32 $0xFFFFFEF7, lr;
	s5 =	simm.s32 $0xFFFFFFFF;
	p2 =	slt.u32 s8, $0xFFFFF086  }
0x1c: {  	p1 =	slt.u32 s9, $0xF7A;
	s5 =	simm.s32 @!p2 $0x0  }
0x1d: {  	s5 =	simm.s32 @p1 $0x1;
	p0 =	seq.s32 s7, s2  }
0x1e: {  	s7 =	smul.u32 @!p0 $0xF7A, s2;
	p2 =	seq.s32 @!p0 s5, $0x0  }
0x1f: {  	s9 =	smul.u32 $0xF7A, s1;
	s8 =	simm.s32 @!p0 $0x1BF5;
	p2 =	por !p2, p0  }
0x20: {  	[sflag:s8] =	ssyncset.s32 @!p0 $0xFFFFF086;
	s6 =	sadd.s32 @!p0 s3, s7;
	s7 =	simm.s32 @!p0 $0x108  }
0x21: {  	s3 =	sadd.s32 s3, s9;
	s6 =	sadd.s32 @!p0 $0x88, s6;
	s7 =	simm.s32 @p2 $0x1082  }
0x22: {  	[simem:s7], [sflag:s8] =	dma.local @!p0 [hbm:s6], $0xF7A  }
0x23: {  	s9 =	sor.u32 $0xD0000000, s2;
	s6 =	simm.s32 $0x108;
	_ =	swait.ge @!p0 [sflag:s8], $0x0  }
0x24: {  	s3 =	sadd.s32 $0x88, s3;
	s6 =	simm.s32 @!p1 $0x1082;
	[sflag:s4] =	ssyncset.s32 $0xFFFFF086  }
0x25: {  	[simem:s6], [sflag:s4] =	dma.local [hbm:s3], $0xF7A  }
0x26: {  	[smem:$0x3F99] =	sst s1;
	(tag) =	ssettag s2;
	_ =	strace s9  }
0x27: {  	s1 =	sld [smem:$0x3FA9]  }
0x28: {  	s2 =	sld [smem:$0x3FAA]  }
0x29: {  	s4 =	sld [smem:$0x3FAC]  }
0x2a: {  	p0 =	seq.s32 s5, $0x0;
	s5 =	sld [smem:$0x3FAD]  }
0x2b: {  	s6 =	sld [smem:$0x3FAE]  }
0x2c: {  	s7 =	sld [smem:$0x3FAF]  }
0x2d: {  	s3 =	simm.s32 $0x108;
	s8 =	sld [smem:$0x3FB0]  }
0x2e: {  	s3 =	simm.s32 @!p0 $0x1082;
	s9 =	sld [smem:$0x3FB1]  }
0x2f: {  	lr =	sadd.s32 s0, s3;
	s0 =	sld [smem:$0x3FA8]  }
0x30: {  	s3 =	sld [smem:$0x3FAB]  }
0x31: {  	[smem:$0x3FB4] =	sst s10  }
0x32: {  	s10 =	sld [smem:$0x3FB2];
	_ =	sdelay $0x3  }
0x33: {  	p0 =	seq.s32 s10, $0x1;
	s10 =	sld [smem:$0x3FB4];
	_ =	sdelay $0x3  }
0x34: {  	[smem:$0x3FB4] =	sst s10  }
0x35: {  	s10 =	sld [smem:$0x3FB3];
	_ =	sdelay $0x3  }
0x36: {  	p1 =	seq.s32 s10, $0x1;
	s10 =	sld [smem:$0x3FB4];
	_ =	sdelay $0x3  }
0x37: {  	[smem:$0x3FB4] =	sst s10  }
0x38: {  	s10 =	sld [smem:$0x3FB5]  }
0x39: {  	_ = 	snop;
	(pc) =	sbr.ind lr, $3  }
0x3a: {  	_ = 	snop  }
0x3b: {  	_ = 	snop  }
0x3c: {  	p2 =	seq.s32 s10, $0x1;
	s10 =	sld [smem:$0x3FB4]  }
0x3d: {  	_ =	shalt  }
0x3e: {  	_ =	shalt  }
0x3f: {  	_ =	shalt  }
0x40: {  	_ =	shalt  }
0x41: {  	_ =	shalt  }
0x42: {  	_ =	shalt  }
0x43: {  	_ =	shalt  }
0x44: {  	_ =	shalt  }
0x45: {  	_ =	shalt  }
0x46: {  	_ =	shalt  }
0x47: {  	_ =	shalt  }
0x48: {  	_ =	shalt  }
0x49: {  	_ =	shalt  }
0x4a: {  	_ =	shalt  }
0x4b: {  	_ =	shalt  }
0x4c: {  	_ =	shalt  }
0x4d: {  	_ =	shalt  }
0x4e: {  	_ =	shalt  }
0x4f: {  	_ =	shalt  }
0x50: {  	_ =	shalt  }
0x51: {  	_ =	shalt  }
0x52: {  	_ =	shalt  }
0x53: {  	_ =	shalt  }
0x54: {  	_ =	shalt  }
0x55: {  	_ =	shalt  }
0x56: {  	_ =	shalt  }
0x57: {  	_ =	shalt  }
0x58: {  	_ =	shalt  }
0x59: {  	_ =	shalt  }
0x5a: {  	_ =	shalt  }
0x5b: {  	_ =	shalt  }
0x5c: {  	_ =	shalt  }
0x5d: {  	_ =	shalt  }
0x5e: {  	_ =	shalt  }
0x5f: {  	_ =	shalt  }
0x60: {  	_ =	shalt  }
0x61: {  	_ =	shalt  }
0x62: {  	_ =	shalt  }
0x63: {  	_ =	shalt  }
0x64: {  	_ =	shalt  }
0x65: {  	_ =	shalt  }
0x66: {  	_ =	shalt  }
0x67: {  	_ =	shalt  }
0x68: {  	_ =	shalt  }
0x69: {  	_ =	shalt  }
0x6a: {  	_ =	shalt  }
0x6b: {  	_ =	shalt  }
0x6c: {  	_ =	shalt  }
0x6d: {  	_ =	shalt  }
0x6e: {  	_ =	shalt  }
0x6f: {  	_ =	shalt  }
0x70: {  	_ =	shalt  }
0x71: {  	_ =	shalt  }
0x72: {  	_ =	shalt  }
0x73: {  	_ =	shalt  }
0x74: {  	_ =	shalt  }
0x75: {  	_ =	shalt  }
0x76: {  	_ =	shalt  }
0x77: {  	_ =	shalt  }
0x78: {  	_ =	shalt  }
0x79: {  	_ =	shalt  }
0x7a: {  	_ =	shalt  }
0x7b: {  	_ =	shalt  }
0x7c: {  	_ =	shalt  }
0x7d: {  	_ =	shalt  }
0x7e: {  	_ =	shalt  }
0x7f: {  	_ =	shalt  }
0x80: {  	_ =	shalt  }
0x81: {  	_ =	shalt  }
0x82: {  	_ =	shalt  }
0x83: {  	_ =	shalt  }
0x84: {  	_ =	shalt  }
0x85: {  	_ =	shalt  }
0x86: {  	_ =	shalt  }
0x87: {  	_ =	shalt  }
.Lfunc_end0:
.L_simem_size_0:
called_computation.2_lowered:
.L_overlay_start_0:
0x88: {  	s2 =	sld [smem:$0x3FD9]  }
0x89: {  	s3 =	sld [smem:$0x3FFE];
	_ =	sdelay $0x1  }
0x8a: {  	s1 =	srdreg.scid  }
0x8b: {  	s0 =	sand.u32 $0x1, s1  }
0x8c: {  	s17 =	sshll.u32 s0, $0xA;
	s2 =	sadd.s32 s3, s2  }
0x8d: {  	s2 =	sadd.s32 s2, s17  }
0x8e: {  	[smem:$0x3FC0] =	sst s2  }
0x8f: {  	_ = 	snop  }
0x90: {  	(tm) =	ssettm $0x1  }
0x91: {  	s18 =	sld [smem:$0x3FFB];
	_ =	sdelay $0x3  }
0x92: {  	_ =	strace s18  }
0x93: {  	s2 =	sld [smem:$0x3FFC];
	_ =	sdelay $0x3  }
0x94: {  	_ =	strace s2  }
0x95: {  	s2 =	sld [smem:$0x3FFD];
	_ =	sdelay $0x3  }
0x96: {  	_ =	strace s2  }
0x97: {  	_ =	strace $0x8FFFFFFF  }
0x98: {  	s19 =	sld [smem:$0x3FDB];
	_ =	sdelay $0x1  }
0x99: {  	s20 =	simm.s32 $_scs_section_size  }
0x9a: {  	s4 =	simm.s32 $_size__tile_overlayer_lowered;
	s5 =	simm.s32 $_tile_overlayer_lowered  }
0x9b: {  	s6 =	simm.s32 $0x1BFF;
	s21 =	sshll.u32 s5, $0x1;
	s3 =	sadd.s32 s20, s19  }
0x9c: {  	s22 =	simm.s32 $0x0;
	s4 =	sshll.u32 s4, $0x1;
	s5 =	sadd.s32 s21, s3  }
0x9d: {  	[timem:s22], [sflag:s6] =	dma.local [hbm:s5], s4  }
0x9e: {  	_ =	swait.ge [sflag:s6], s4  }
0x9f: {  	s4 =	ssub.s32 $0x0, s4;
	[sflag:s6] =	ssyncset.done $0x0  }
0xa0: {  	[sflag:s6] =	ssyncadd.s32 s4;
	_ =	sdelay $0x1  }
0xa1: {  	s23 =	simm.s32 $0x1B8B  }
0xa2: {  	_ =	swait.ge [sflag:s23], $0x1  }
0xa3: {  	[sflag:s23] =	ssyncset.done $0x0  }
0xa4: {  	[sflag:s23] =	ssyncadd.s32 $0xFFFFFFFF  }
0xa5: {  	s4 =	sld [smem:$0x0]  }
0xa6: {  	s5 =	sand.u32 $0xFFFFFFFE, s1  }
0xa7: {  	p0 =	sne.s32 s1, s5  }
0xa8: {  	s5 =	sshll.u32 @p0 s5, $0xE  }
0xa9: {  	s5 =	sadd.s32 @p0 $0x11B8D, s5;
	s6 =	sshll.u32 @p0 s4, $0x11  }
0xaa: {  	s5 =	sor.u32 @p0 s6, s5  }
0xab: {  	[sflag:s5] =	ssyncadd.remote.s32 @p0 $0x1;
	_ =	sdelay $0x1  }
0xac: {  	s5 =	simm.s32 @p0 $0x1B8D  }
0xad: {  	_ =	swait.eq @p0 [sflag:s5], $0x1  }
0xae: {  	[sflag:s5] =	ssyncadd.s32 @p0 $0xFFFFFFFF  }
0xaf: {  	s6 =	sshll.u32 @!p0 s1, $0xE  }
0xb0: {  	s6 =	sor.u32 @!p0 $0x4000, s6;
	s5 =	simm.s32 @!p0 $0x1B8D  }
0xb1: {  	s4 =	sshll.u32 @!p0 s4, $0x11;
	s6 =	sadd.s32 @!p0 $0x11B8D, s6;
	_ =	swait.eq @!p0 [sflag:s5], $0x1  }
0xb2: {  	s4 =	sor.u32 @!p0 s4, s6;
	[sflag:s5] =	ssyncadd.s32 @!p0 $0xFFFFFFFF  }
0xb3: {  	s25 =	simm.s32 $0x1B8E;
	s24 =	sld [smem:$0x3FFE];
	[sflag:s4] =	ssyncadd.remote.s32 @!p0 $0x1  }
0xb4: {  	s26 =	simm.s32 $execute0_lowered;
	[smem:$0x3FD2] =	sst s25  }
0xb5: {  	s5 =	sshll.u32 s26, $0x1;
	_ =	strace $0x8000004C;
	[dreg:$0x1] =	wrdreg $0xFFFFFFFF  }
0xb6: {  	s28 =	simm.s32 $_size_execute0_lowered;
	s3 =	sadd.s32 s3, s5;
	[dreg:$0x0] =	wrdreg $0x0  }
0xb7: {  	s5 =	sshll.u32 s28, $0x1;
	[dreg:$0x2] =	wrdreg s3  }
0xb8: {  	[dreg:$0x3] =	wrdreg s5  }
0xb9: {  	[dreg:$0x4] =	wrdreg $0xC0  }
0xba: {  	_ =	task [dreg:s22], $0x5FFFF  }
0xbb: {  	[dreg:$0x1] =	wrdreg $0xFFFFFFFF  }
0xbc: {  	[dreg:$0x0] =	wrdreg $0x60  }
0xbd: {  	[dreg:$0x2] =	wrdreg s24  }
0xbe: {  	[dreg:$0x3] =	wrdreg $0xC0000  }
0xbf: {  	[dreg:$0x4] =	wrdreg $0xA  }
0xc0: {  	_ =	task.clear_ibuf [dreg:s22], $0x5FFFF;
	_ =	strace $0x9000004C  }
0xc1: {  	s29 =	simm.s32 $0xA;
	_ =	strace $0x8000004E  }
0xc2: {  	_ =	swait.ge [sflag:s29], $0x1  }
0xc3: {  	[sflag:s29] =	ssyncadd.s32 $0xFFFFFFFF  }
0xc4: {  	_ =	strace $0x9000004E  }
0xc5: {  	_ =	sfence  }
0xc6: {  	s30 =	sld [smem:$0x0];
	_ =	sdelay $0x2  }
0xc7: {  	s31 =	sshll.u32 s1, $0xD;
	s1 =	sshrl.u32 s1, $0x2  }
0xc8: {  	s4 =	sand.u32 $0x4000, s31;
	s1 =	sadd.s32 s1, s30  }
0xc9: {  	s0 =	sor.u32 s4, s0;
	s1 =	sshll.u32 s1, $0x11  }
0xca: {  	s0 =	sor.u32 s1, s0  }
0xcb: {  	s0 =	sadd.s32 $0x8F2B, s0  }
0xcc: {  	[sflag:s0] =	ssyncadd.remote.s32 $0x1  }
0xcd: {  	_ =	sfence.sel $0xFFFF  }
0xce: {  	[dreg:$0x0] =	wrdreg $0xFFFFFFFF;
	(pc) =	sbr.abs _section_cstart, $3  }
0xcf: {  	[dreg:$0x1] =	wrdreg $0xFFFFFFFF  }
0xd0: {  	_ =	task.clear_ibuf [dreg:s22], $0x2FFFF;
	_ =	strace $0x9FFFFFFF  }
0xd1: {  	(tm) =	ssettm $0x7FFFFFFF  }
tec
execute0_lowered:
.L_overlay_start_1:
0x0: {  	(tag) =	ssettag $0x1  }
0x1: {  	s4 =	rddreg [dreg:$0x0]  }
0x2: {  	s2 =	rddreg [dreg:$0x1]  }
0x3: {  	s0 =	rddreg [dreg:$0x2]  }
0x4: {  	s5 =	srdreg.scid;
	s3 =	simm.s32 $0x0;
	s1 =	stileid.u32  }
0x5: {  	s16 =	simm.s32 $0x2000;
	s17 =	simm.s32 $0x4800;
	s18 =	simm.s32 $0x7000  }
0x6: {  	s19 =	simm.s32 $0x9800;
	s20 =	simm.s32 $0x1;
	s21 =	simm.s32 $0x50  }
0x7: {  	s22 =	simm.s32 $0x80;
	s23 =	simm.s32 $0x100;
	s7 =	smul.u32 $0x14000, s1  }
0x8: {  	s8 =	sand.u32 $0x1, s5;
	[smem:$0x7FF] =	sst s3;
	s11 =	smul.u32 $0x50000, s1  }
0x9: {  	s24 =	sshll.u32 s1, $0x1;
	s10 =	sadd.s32 $0x57A200, s4;
	s15 =	smul.u32 $0x28000, s1  }
0xa: {  	s28 =	sshll.u32 s1, $0x6;
	s6 =	smul.u32 $0x140000, s8;
	_ =	strace $0x8000004D  }
0xb: {  	s5 =	sor.u32 s8, s24;
	s25 =	ssub.s32 $0x2, s8;
	s30 =	smul.u32 $0x14000, s8  }
0xc: {  	s24 =	simm.s32 $0x180;
	s9 =	sshll.u32 s5, $0xA;
	s12 =	sshrl.u32 s25, $0x1  }
0xd: {  	s26 =	sshrl.u32 s11, $0x2;
	s29 =	smul.u32 $0x14000, s5;
	s5 =	sor.u32 $0x1C03, s28  }
0xe: {  	s31 =	sadd.s32 s15, s10;
	s15 =	simm.s32 $0x3;
	s6 =	sadd.s32 s7, s6  }
0xf: {  	s9 =	sadd.s32 s9, s4;
	s12 =	ssub.s32 s25, s12;
	s14 =	sadd.s32 s26, s2  }
0x10: {  	s25 =	simm.s32 $0x2;
	s26 =	simm.s32 $0x0;
	s6 =	sshrl.u32 s6, $0x3  }
0x11: {  	s8 =	smax.u32 s12, $0x1;
	s14 =	sshrl.u32 s14, $0x3;
	s13 =	sadd.s32 s6, s4  }
0x12: {  	s6 =	sadd.s32 $0x572200, s9;
	s9 =	sadd.s32 s10, s29;
	s4 =	sadd.s32 $0x10200, s13  }
0x13: {  	s7 =	sadd.s32 $0x60200, s13;
	s10 =	sadd.s32 $0x500, s9;
	s13 =	sadd.s32 s30, s31  }
0x14: {  	s11 =	sadd.s32 $0xA00, s9;
	s12 =	sadd.s32 $0xF00, s9;
	s13 =	sadd.s32 $0x1400, s13  }
.LBB2_1:
0x15: {  	[spmem:s14], [sflag:s5] =	dma.local [hbm:s4], $0x2800  }
0x16: {  	_ =	swait.ge [sflag:s15], $0x2800  }
0x17: {  	[sflag:s15] =	ssyncset.done $0x0  }
0x18: {  	[sflag:s15] =	ssyncadd.s32 $0xFFFFD800  }
0x19: {  	[tilespmem:s3], [sflag:$0x3] =	stream.linear.gather [hbm4b:s6+s3], $0x2000, $0x38;
	v63 =	vld [tilespmem:$0x0]  }
0x1a: {  	_ =	swait.ge [sflag:s15], $0x2000  }
0x1b: {  	[sflag:s15] =	ssyncset.done $0x0  }
0x1c: {  	[sflag:s15] =	ssyncadd.s32 $0xFFFFE000  }
0x1d: {  	[bflag:$0x0] =	sbarrier.arrive $0xFFFF  }
0x1e: {  	[tilespmem:s16], [sflag:$0x1] =	stream.linear.gather [hbm4b:s9+s3], $0x2800, $0x38;
	v63 =	vld [tilespmem:$0x0]  }
0x1f: {  	_ = 	snop  }
0x20: {  	[tilespmem:s17], [sflag:$0x1] =	stream.linear.gather [hbm4b:s10+s3], $0x2800, $0x38;
	v63 =	vld [tilespmem:$0x0]  }
0x21: {  	_ = 	snop  }
0x22: {  	[tilespmem:s18], [sflag:$0x1] =	stream.linear.gather [hbm4b:s11+s3], $0x2800, $0x38;
	v63 =	vld [tilespmem:$0x0]  }
0x23: {  	_ = 	snop  }
0x24: {  	[tilespmem:s19], [sflag:$0x1] =	stream.linear.gather [hbm4b:s12+s3], $0x2800, $0x38;
	v63 =	vld [tilespmem:$0x0]  }
0x25: {  	_ =	swait.ge [sflag:s20], $0x2800  }
0x26: {  	[sflag:s20] =	ssyncset.done $0x0  }
0x27: {  	[sflag:s20] =	ssyncadd.s32 $0xFFFFD800  }
0x28: {  	_ =	swait.ge [sflag:s20], $0x2800  }
0x29: {  	[sflag:s20] =	ssyncset.done $0x0  }
0x2a: {  	[sflag:s20] =	ssyncadd.s32 $0xFFFFD800  }
0x2b: {  	_ =	swait.ge [sflag:s20], $0x2800  }
0x2c: {  	[sflag:s20] =	ssyncset.done $0x0  }
0x2d: {  	[sflag:s20] =	ssyncadd.s32 $0xFFFFD800  }
0x2e: {  	_ =	swait.ge [sflag:s20], $0x2800  }
0x2f: {  	[sflag:s20] =	ssyncset.done $0x0  }
0x30: {  	[sflag:s20] =	ssyncadd.s32 $0xFFFFD800  }
0x31: {  	[spmem:s2] =	stream.indirect.scatter.add.f32 [tilespmem:s16], [sflag:$0x2], $0x80, s3, s21, $0xb8;
	v63 =	vld [tilespmem:$0x0]  }
0x32: {  	_ = 	snop  }
0x33: {  	[spmem:s2] =	stream.indirect.scatter.add.f32 [tilespmem:s17], [sflag:$0x2], $0x80, s22, s21, $0xb8;
	v63 =	vld [tilespmem:$0x0]  }
0x34: {  	_ = 	snop  }
0x35: {  	[spmem:s2] =	stream.indirect.scatter.add.f32 [tilespmem:s18], [sflag:$0x2], $0x80, s23, s21, $0xb8;
	v63 =	vld [tilespmem:$0x0]  }
0x36: {  	_ = 	snop  }
0x37: {  	[spmem:s2] =	stream.indirect.scatter.add.f32 [tilespmem:s19], [sflag:$0x2], $0x80, s24, s21, $0xb8;
	v63 =	vld [tilespmem:$0x0]  }
0x38: {  	_ =	swait.ge [sflag:s25], $0x2800  }
0x39: {  	[sflag:s25] =	ssyncset.done $0x0  }
0x3a: {  	[sflag:s25] =	ssyncadd.s32 $0xFFFFD800  }
0x3b: {  	_ =	swait.ge [sflag:s25], $0x2800  }
0x3c: {  	[sflag:s25] =	ssyncset.done $0x0  }
0x3d: {  	[sflag:s25] =	ssyncadd.s32 $0xFFFFD800  }
0x3e: {  	_ =	swait.ge [sflag:s25], $0x2800  }
0x3f: {  	[sflag:s25] =	ssyncset.done $0x0  }
0x40: {  	[sflag:s25] =	ssyncadd.s32 $0xFFFFD800  }
0x41: {  	_ =	swait.ge [sflag:s25], $0x2800  }
0x42: {  	[sflag:s25] =	ssyncset.done $0x0  }
0x43: {  	[sflag:s25] =	ssyncadd.s32 $0xFFFFD800  }
0x44: {  	[tilespmem:s16], [sflag:$0x1] =	stream.linear.gather [hbm4b:s13+s3], $0x2800, $0x38;
	v63 =	vld [tilespmem:$0x0]  }
0x45: {  	s28 =	sadd.s32 $0x500, s13  }
0x46: {  	[tilespmem:s17], [sflag:$0x1] =	stream.linear.gather [hbm4b:s28+s3], $0x2800, $0x38;
	v63 =	vld [tilespmem:$0x0]  }
0x47: {  	s28 =	sadd.s32 $0xA00, s13  }
0x48: {  	[tilespmem:s18], [sflag:$0x1] =	stream.linear.gather [hbm4b:s28+s3], $0x2800, $0x38;
	v63 =	vld [tilespmem:$0x0]  }
0x49: {  	s28 =	sadd.s32 $0xF00, s13  }
0x4a: {  	[tilespmem:s19], [sflag:$0x1] =	stream.linear.gather [hbm4b:s28+s3], $0x2800, $0x38;
	v63 =	vld [tilespmem:$0x0]  }
0x4b: {  	_ =	swait.ge [sflag:s20], $0x2800  }
0x4c: {  	[sflag:s20] =	ssyncset.done $0x0  }
0x4d: {  	[sflag:s20] =	ssyncadd.s32 $0xFFFFD800  }
0x4e: {  	_ =	swait.ge [sflag:s20], $0x2800  }
0x4f: {  	[sflag:s20] =	ssyncset.done $0x0  }
0x50: {  	[sflag:s20] =	ssyncadd.s32 $0xFFFFD800  }
0x51: {  	_ =	swait.ge [sflag:s20], $0x2800  }
0x52: {  	[sflag:s20] =	ssyncset.done $0x0  }
0x53: {  	[sflag:s20] =	ssyncadd.s32 $0xFFFFD800  }
0x54: {  	_ =	swait.ge [sflag:s20], $0x2800  }
0x55: {  	[sflag:s20] =	ssyncset.done $0x0  }
0x56: {  	s28 =	simm.s32 $0x200;
	[sflag:s20] =	ssyncadd.s32 $0xFFFFD800  }
0x57: {  	[spmem:s2] =	stream.indirect.scatter.add.f32 [tilespmem:s16], [sflag:$0x2], $0x80, s28, s21, $0xb8;
	v63 =	vld [tilespmem:$0x0]  }
0x58: {  	s28 =	simm.s32 $0x280  }
0x59: {  	[spmem:s2] =	stream.indirect.scatter.add.f32 [tilespmem:s17], [sflag:$0x2], $0x80, s28, s21, $0xb8;
	v63 =	vld [tilespmem:$0x0]  }
0x5a: {  	s28 =	simm.s32 $0x300  }
0x5b: {  	[spmem:s2] =	stream.indirect.scatter.add.f32 [tilespmem:s18], [sflag:$0x2], $0x80, s28, s21, $0xb8;
	v63 =	vld [tilespmem:$0x0]  }
0x5c: {  	s30 =	simm.s32 $0x380;
	s29 =	sadd.s32 $0x1400, s13;
	s28 =	simm.s32 $0x800  }
.LBB2_2:
0x5d: {  	[spmem:s2] =	stream.indirect.scatter.add.f32 [tilespmem:s19], [sflag:$0x2], $0x80, s30, s21, $0xb8;
	v63 =	vld [tilespmem:$0x0]  }
0x5e: {  	s30 =	smov.u32 s28  }
0x5f: {  	p0 =	sne.s32 s28, $0x7000;
	s28 =	sadd.s32 $0x800, s28;
	_ =	swait.ge [sflag:s25], $0x2800  }
0x60: {  	[sflag:s25] =	ssyncset.done $0x0  }
0x61: {  	[sflag:s25] =	ssyncadd.s32 $0xFFFFD800  }
0x62: {  	_ =	swait.ge [sflag:s25], $0x2800  }
0x63: {  	[sflag:s25] =	ssyncset.done $0x0  }
0x64: {  	[sflag:s25] =	ssyncadd.s32 $0xFFFFD800  }
0x65: {  	_ =	swait.ge [sflag:s25], $0x2800  }
0x66: {  	[sflag:s25] =	ssyncset.done $0x0  }
0x67: {  	[sflag:s25] =	ssyncadd.s32 $0xFFFFD800  }
0x68: {  	_ =	swait.ge [sflag:s25], $0x2800  }
0x69: {  	[sflag:s25] =	ssyncset.done $0x0  }
0x6a: {  	[sflag:s25] =	ssyncadd.s32 $0xFFFFD800  }
0x6b: {  	[tilespmem:s16], [sflag:$0x1] =	stream.linear.gather [hbm4b:s29+s3], $0x2800, $0x38;
	v63 =	vld [tilespmem:$0x0]  }
0x6c: {  	s31 =	sadd.s32 $0x500, s29  }
0x6d: {  	[tilespmem:s17], [sflag:$0x1] =	stream.linear.gather [hbm4b:s31+s3], $0x2800, $0x38;
	v63 =	vld [tilespmem:$0x0]  }
0x6e: {  	s31 =	sadd.s32 $0xA00, s29  }
0x6f: {  	[tilespmem:s18], [sflag:$0x1] =	stream.linear.gather [hbm4b:s31+s3], $0x2800, $0x38;
	v63 =	vld [tilespmem:$0x0]  }
0x70: {  	s31 =	sadd.s32 $0xF00, s29  }
0x71: {  	[tilespmem:s19], [sflag:$0x1] =	stream.linear.gather [hbm4b:s31+s3], $0x2800, $0x38;
	v63 =	vld [tilespmem:$0x0]  }
0x72: {  	_ =	swait.ge [sflag:s20], $0x2800  }
0x73: {  	[sflag:s20] =	ssyncset.done $0x0  }
0x74: {  	[sflag:s20] =	ssyncadd.s32 $0xFFFFD800  }
0x75: {  	_ =	swait.ge [sflag:s20], $0x2800  }
0x76: {  	[sflag:s20] =	ssyncset.done $0x0  }
0x77: {  	[sflag:s20] =	ssyncadd.s32 $0xFFFFD800  }
0x78: {  	_ =	swait.ge [sflag:s20], $0x2800  }
0x79: {  	[sflag:s20] =	ssyncset.done $0x0  }
0x7a: {  	[sflag:s20] =	ssyncadd.s32 $0xFFFFD800  }
0x7b: {  	_ =	swait.ge [sflag:s20], $0x2800  }
0x7c: {  	s30 =	sshra.s32 s30, $0x2;
	[sflag:s20] =	ssyncset.done $0x0  }
0x7d: {  	s31 =	sadd.s32 $0x200, s30;
	[sflag:s20] =	ssyncadd.s32 $0xFFFFD800  }
0x7e: {  	[spmem:s2] =	stream.indirect.scatter.add.f32 [tilespmem:s16], [sflag:$0x2], $0x80, s31, s21, $0xb8;
	v63 =	vld [tilespmem:$0x0]  }
.Ltmp0:
0x7f: {  	s31 =	sadd.s32 $0x280, s30;
	(pc) =	sbr.rel @p0 .LBB2_2-.Ltmp0, $4  }
0x80: {  	[spmem:s2] =	stream.indirect.scatter.add.f32 [tilespmem:s17], [sflag:$0x2], $0x80, s31, s21, $0xb8;
	v63 =	vld [tilespmem:$0x0]  }
0x81: {  	s31 =	sadd.s32 $0x300, s30  }
0x82: {  	[spmem:s2] =	stream.indirect.scatter.add.f32 [tilespmem:s18], [sflag:$0x2], $0x80, s31, s21, $0xb8;
	v63 =	vld [tilespmem:$0x0]  }
0x83: {  	s29 =	sadd.s32 $0x1400, s29;
	s30 =	sadd.s32 $0x380, s30  }
0x84: {  	[spmem:s2] =	stream.indirect.scatter.add.f32 [tilespmem:s19], [sflag:$0x2], $0x80, s30, s21, $0xb8;
	v63 =	vld [tilespmem:$0x0]  }
0x85: {  	_ =	swait.ge [sflag:s25], $0x2800  }
0x86: {  	[sflag:s25] =	ssyncset.done $0x0  }
0x87: {  	[sflag:s25] =	ssyncadd.s32 $0xFFFFD800  }
0x88: {  	_ =	swait.ge [sflag:s25], $0x2800  }
0x89: {  	[sflag:s25] =	ssyncset.done $0x0  }
0x8a: {  	[sflag:s25] =	ssyncadd.s32 $0xFFFFD800  }
0x8b: {  	_ =	swait.ge [sflag:s25], $0x2800  }
0x8c: {  	[sflag:s25] =	ssyncset.done $0x0  }
0x8d: {  	[sflag:s25] =	ssyncadd.s32 $0xFFFFD800  }
0x8e: {  	_ =	swait.ge [sflag:s25], $0x2800  }
0x8f: {  	s26 =	sadd.s32 $0x1, s26;
	[sflag:s25] =	ssyncset.done $0x0  }
0x90: {  	p0 =	sne.s32 s26, s8;
	[sflag:s25] =	ssyncadd.s32 $0xFFFFD800  }
.Ltmp1:
0x91: {  	[bflag:$0x0] =	sbarrier.arrive $0xFFFF;
	(pc) =	sbr.rel @p0 .LBB2_1-.Ltmp1, $4  }
0x92: {  	[hbm:s7], [sflag:s5] =	dma.local [spmem:s14], $0x2800  }
0x93: {  	_ =	swait.ge [sflag:s15], $0x2800  }
0x94: {  	[sflag:s15] =	ssyncset.done $0x0  }
0x95: {  	[sflag:s15] =	ssyncadd.s32 $0xFFFFD800  }
0x96: {  	_ =	sfence.sel $0x180000  }
0x97: {  	[bflag:$0x0] =	sbarrier.arrive $0xFFFF  }
0x98: {  	p0 =	sne.s32 s1, $0x0;
	_ =	strace $0x9000004D  }
0x99: {  	s0 =	sadd.s32 @!p0 $0x100000, s0;
	[bflag:$0x2] =	sbarrier.arrive $0xFFFF  }
0x9a: {  	[sflag:s0] =	ssyncadd.tile.s32 @!p0 $0x1;
	_ =	shalt  }
.Lfunc_end2:
_tile_overlayer_lowered:
.L_overlay_start_2:
0x9b: {  	(tag) =	ssettag $0x2  }
0x9c: {  	s0 =	rddreg [dreg:$0x0];
	s2 =	stileid.u32  }
0x9d: {  	s1 =	rddreg [dreg:$0x1];
	p0 =	sne.s32 s2, $0x0  }
0x9e: {  	s3 =	rddreg [dreg:$0x2];
	[bflag:$0x3] =	sbarrier.arrive $0xFFFF;
	s2 =	simm.s32 @!p0 $0x1C03  }
0x9f: {  	[timem:s3], [sflag:s2] =	dma.local @!p0 [hbm:s0], s1  }
0xa0: {  	s0 =	simm.s32 @!p0 $0x3  }
0xa1: {  	_ =	swait.ge @!p0 [sflag:s0], s1  }
0xa2: {  	s1 =	ssub.s32 @!p0 $0x0, s1;
	[sflag:s0] =	ssyncset.done @!p0 $0x0  }
0xa3: {  	[sflag:s0] =	ssyncadd.s32 @!p0 s1  }
0xa4: {  	[bflag:$0x3] =	sbarrier.arrive $0xFFFF  }
0xa5: {  	_ =	shalt  }

// kernel: kernel.19.cloned.1.call-start
scs
__scs_entry_jumppad:
0x0: {  	(pc) =	sbr.rel $0x88, $3  }
0x1: {  	(tag) =	ssettag $0x0;
	lr =	simm.s32 $0x1  }
0x2: {  	[smem:$0x3F99] =	sst lr;
	_ =	strace $0xD0000000  }
0x3: {  	_ = 	snop  }
0x4: {  	_ = 	snop  }
0x5: {  	_ = 	snop  }
0x6: {  	_ = 	snop  }
0x7: {  	_ = 	snop  }
__scs_overlays_trampoline_lowered:
0x8: {  	[smem:$0x3FA8] =	sst s0  }
0x9: {  	[smem:$0x3FA9] =	sst s1  }
0xa: {  	[smem:$0x3FAA] =	sst s2  }
0xb: {  	[smem:$0x3FAB] =	sst s3  }
0xc: {  	[smem:$0x3FAC] =	sst s4  }
0xd: {  	[smem:$0x3FAD] =	sst s5  }
0xe: {  	[smem:$0x3FAE] =	sst s6  }
0xf: {  	[smem:$0x3FAF] =	sst s7  }
0x10: {  	[smem:$0x3FB0] =	sst s8  }
0x11: {  	[smem:$0x3FB1] =	sst s9;
	s0 =	simm.s32 @!p0 $0x0  }
0x12: {  	s1 =	sld [smem:$0x3F97];
	s0 =	simm.s32 @p0 $0x1  }
0x13: {  	[smem:$0x3FB2] =	sst s0;
	s0 =	simm.s32 @!p1 $0x0  }
0x14: {  	s2 =	sld [smem:$0x3F96];
	s0 =	simm.s32 @p1 $0x1  }
0x15: {  	[smem:$0x3FB3] =	sst s0;
	s0 =	simm.s32 @!p2 $0x0  }
0x16: {  	s3 =	sld [smem:$0x3FDB];
	s0 =	simm.s32 @p2 $0x1  }
0x17: {  	s4 =	simm.s32 $0x1BF5;
	[smem:$0x3FB5] =	sst s0  }
0x18: {  	s0 =	sld [smem:$0x3F98];
	_ =	swait.ge [sflag:s4], $0x0  }
0x19: {  	s7 =	sld [smem:$0x3F99]  }
0x1a: {  	s8 =	sadd.s32 $0xFFFFE003, lr  }
0x1b: {  	s9 =	sadd.s32 $0xFFFFFEF7, lr;
	s5 =	simm.s32 $0xFFFFFFFF;
	p2 =	slt.u32 s8, $0xFFFFF086  }
0x1c: {  	p1 =	slt.u32 s9, $0xF7A;
	s5 =	simm.s32 @!p2 $0x0  }
0x1d: {  	s5 =	simm.s32 @p1 $0x1;
	p0 =	seq.s32 s7, s2  }
0x1e: {  	s7 =	smul.u32 @!p0 $0xF7A, s2;
	p2 =	seq.s32 @!p0 s5, $0x0  }
0x1f: {  	s9 =	smul.u32 $0xF7A, s1;
	s8 =	simm.s32 @!p0 $0x1BF5;
	p2 =	por !p2, p0  }
0x20: {  	[sflag:s8] =	ssyncset.s32 @!p0 $0xFFFFF086;
	s6 =	sadd.s32 @!p0 s3, s7;
	s7 =	simm.s32 @!p0 $0x108  }
0x21: {  	s3 =	sadd.s32 s3, s9;
	s6 =	sadd.s32 @!p0 $0x88, s6;
	s7 =	simm.s32 @p2 $0x1082  }
0x22: {  	[simem:s7], [sflag:s8] =	dma.local @!p0 [hbm:s6], $0xF7A  }
0x23: {  	s9 =	sor.u32 $0xD0000000, s2;
	s6 =	simm.s32 $0x108;
	_ =	swait.ge @!p0 [sflag:s8], $0x0  }
0x24: {  	s3 =	sadd.s32 $0x88, s3;
	s6 =	simm.s32 @!p1 $0x1082;
	[sflag:s4] =	ssyncset.s32 $0xFFFFF086  }
0x25: {  	[simem:s6], [sflag:s4] =	dma.local [hbm:s3], $0xF7A  }
0x26: {  	[smem:$0x3F99] =	sst s1;
	(tag) =	ssettag s2;
	_ =	strace s9  }
0x27: {  	s1 =	sld [smem:$0x3FA9]  }
0x28: {  	s2 =	sld [smem:$0x3FAA]  }
0x29: {  	s4 =	sld [smem:$0x3FAC]  }
0x2a: {  	p0 =	seq.s32 s5, $0x0;
	s5 =	sld [smem:$0x3FAD]  }
0x2b: {  	s6 =	sld [smem:$0x3FAE]  }
0x2c: {  	s7 =	sld [smem:$0x3FAF]  }
0x2d: {  	s3 =	simm.s32 $0x108;
	s8 =	sld [smem:$0x3FB0]  }
0x2e: {  	s3 =	simm.s32 @!p0 $0x1082;
	s9 =	sld [smem:$0x3FB1]  }
0x2f: {  	lr =	sadd.s32 s0, s3;
	s0 =	sld [smem:$0x3FA8]  }
0x30: {  	s3 =	sld [smem:$0x3FAB]  }
0x31: {  	[smem:$0x3FB4] =	sst s10  }
0x32: {  	s10 =	sld [smem:$0x3FB2];
	_ =	sdelay $0x3  }
0x33: {  	p0 =	seq.s32 s10, $0x1;
	s10 =	sld [smem:$0x3FB4];
	_ =	sdelay $0x3  }
0x34: {  	[smem:$0x3FB4] =	sst s10  }
0x35: {  	s10 =	sld [smem:$0x3FB3];
	_ =	sdelay $0x3  }
0x36: {  	p1 =	seq.s32 s10, $0x1;
	s10 =	sld [smem:$0x3FB4];
	_ =	sdelay $0x3  }
0x37: {  	[smem:$0x3FB4] =	sst s10  }
0x38: {  	s10 =	sld [smem:$0x3FB5]  }
0x39: {  	_ = 	snop;
	(pc) =	sbr.ind lr, $3  }
0x3a: {  	_ = 	snop  }
0x3b: {  	_ = 	snop  }
0x3c: {  	p2 =	seq.s32 s10, $0x1;
	s10 =	sld [smem:$0x3FB4]  }
0x3d: {  	_ =	shalt  }
0x3e: {  	_ =	shalt  }
0x3f: {  	_ =	shalt  }
0x40: {  	_ =	shalt  }
0x41: {  	_ =	shalt  }
0x42: {  	_ =	shalt  }
0x43: {  	_ =	shalt  }
0x44: {  	_ =	shalt  }
0x45: {  	_ =	shalt  }
0x46: {  	_ =	shalt  }
0x47: {  	_ =	shalt  }
0x48: {  	_ =	shalt  }
0x49: {  	_ =	shalt  }
0x4a: {  	_ =	shalt  }
0x4b: {  	_ =	shalt  }
0x4c: {  	_ =	shalt  }
0x4d: {  	_ =	shalt  }
0x4e: {  	_ =	shalt  }
0x4f: {  	_ =	shalt  }
0x50: {  	_ =	shalt  }
0x51: {  	_ =	shalt  }
0x52: {  	_ =	shalt  }
0x53: {  	_ =	shalt  }
0x54: {  	_ =	shalt  }
0x55: {  	_ =	shalt  }
0x56: {  	_ =	shalt  }
0x57: {  	_ =	shalt  }
0x58: {  	_ =	shalt  }
0x59: {  	_ =	shalt  }
0x5a: {  	_ =	shalt  }
0x5b: {  	_ =	shalt  }
0x5c: {  	_ =	shalt  }
0x5d: {  	_ =	shalt  }
0x5e: {  	_ =	shalt  }
0x5f: {  	_ =	shalt  }
0x60: {  	_ =	shalt  }
0x61: {  	_ =	shalt  }
0x62: {  	_ =	shalt  }
0x63: {  	_ =	shalt  }
0x64: {  	_ =	shalt  }
0x65: {  	_ =	shalt  }
0x66: {  	_ =	shalt  }
0x67: {  	_ =	shalt  }
0x68: {  	_ =	shalt  }
0x69: {  	_ =	shalt  }
0x6a: {  	_ =	shalt  }
0x6b: {  	_ =	shalt  }
0x6c: {  	_ =	shalt  }
0x6d: {  	_ =	shalt  }
0x6e: {  	_ =	shalt  }
0x6f: {  	_ =	shalt  }
0x70: {  	_ =	shalt  }
0x71: {  	_ =	shalt  }
0x72: {  	_ =	shalt  }
0x73: {  	_ =	shalt  }
0x74: {  	_ =	shalt  }
0x75: {  	_ =	shalt  }
0x76: {  	_ =	shalt  }
0x77: {  	_ =	shalt  }
0x78: {  	_ =	shalt  }
0x79: {  	_ =	shalt  }
0x7a: {  	_ =	shalt  }
0x7b: {  	_ =	shalt  }
0x7c: {  	_ =	shalt  }
0x7d: {  	_ =	shalt  }
0x7e: {  	_ =	shalt  }
0x7f: {  	_ =	shalt  }
0x80: {  	_ =	shalt  }
0x81: {  	_ =	shalt  }
0x82: {  	_ =	shalt  }
0x83: {  	_ =	shalt  }
0x84: {  	_ =	shalt  }
0x85: {  	_ =	shalt  }
0x86: {  	_ =	shalt  }
0x87: {  	_ =	shalt  }
.Lfunc_end0:
.L_simem_size_0:
called_computation.3_lowered:
.L_overlay_start_0:
0x88: {  	s2 =	sld [smem:$0x3FD9]  }
0x89: {  	s3 =	sld [smem:$0x3FFE];
	_ =	sdelay $0x1  }
0x8a: {  	s1 =	srdreg.scid  }
0x8b: {  	s0 =	sand.u32 $0x1, s1  }
0x8c: {  	s16 =	sshll.u32 s0, $0xA;
	s2 =	sadd.s32 s3, s2  }
0x8d: {  	s2 =	sadd.s32 s2, s16  }
0x8e: {  	[smem:$0x3FC0] =	sst s2  }
0x8f: {  	_ = 	snop  }
0x90: {  	(tm) =	ssettm $0x1  }
0x91: {  	s17 =	sld [smem:$0x3FFB];
	_ =	sdelay $0x3  }
0x92: {  	_ =	strace s17  }
0x93: {  	s2 =	sld [smem:$0x3FFC];
	_ =	sdelay $0x3  }
0x94: {  	_ =	strace s2  }
0x95: {  	s2 =	sld [smem:$0x3FFD];
	_ =	sdelay $0x3  }
0x96: {  	_ =	strace s2  }
0x97: {  	_ =	strace $0x8FFFFFFF  }
0x98: {  	s18 =	sld [smem:$0x3FDB];
	_ =	sdelay $0x1  }
0x99: {  	s19 =	simm.s32 $_scs_section_size  }
0x9a: {  	s4 =	simm.s32 $_size__tile_overlayer_lowered;
	s5 =	simm.s32 $_tile_overlayer_lowered  }
0x9b: {  	s22 =	simm.s32 $0x1BFF;
	s21 =	sshll.u32 s5, $0x1;
	s2 =	sadd.s32 s19, s18  }
0x9c: {  	s6 =	simm.s32 $0x0;
	s20 =	sshll.u32 s4, $0x1;
	s4 =	sadd.s32 s21, s2  }
0x9d: {  	[timem:s6], [sflag:s22] =	dma.local [hbm:s4], s20  }
0x9e: {  	_ =	swait.ge [sflag:s22], s20  }
0x9f: {  	s3 =	ssub.s32 $0x0, s20;
	[sflag:s22] =	ssyncset.done $0x0  }
0xa0: {  	[sflag:s22] =	ssyncadd.s32 s3;
	_ =	sdelay $0x1  }
0xa1: {  	s23 =	simm.s32 $0x1B8B  }
0xa2: {  	_ =	swait.ge [sflag:s23], $0x1  }
0xa3: {  	[sflag:s23] =	ssyncset.done $0x0  }
0xa4: {  	s25 =	simm.s32 $0x1B8E;
	s24 =	sld [smem:$0x3FFE];
	[sflag:s23] =	ssyncadd.s32 $0xFFFFFFFF  }
0xa5: {  	s26 =	simm.s32 $execute0_lowered;
	[smem:$0x3FD2] =	sst s25  }
0xa6: {  	s4 =	sshll.u32 s26, $0x1;
	_ =	strace $0x8000004F;
	[dreg:$0x1] =	wrdreg $0xFFFFFFFF  }
0xa7: {  	s28 =	simm.s32 $_size_execute0_lowered;
	s2 =	sadd.s32 s2, s4;
	[dreg:$0x0] =	wrdreg $0x0  }
0xa8: {  	s4 =	sshll.u32 s28, $0x1;
	[dreg:$0x2] =	wrdreg s2  }
0xa9: {  	[dreg:$0x3] =	wrdreg s4  }
0xaa: {  	[dreg:$0x4] =	wrdreg $0xC0  }
0xab: {  	_ =	task [dreg:s6], $0x5FFFF  }
0xac: {  	[dreg:$0x1] =	wrdreg $0xFFFFFFFF  }
0xad: {  	[dreg:$0x0] =	wrdreg $0x60  }
0xae: {  	[dreg:$0x2] =	wrdreg s24  }
0xaf: {  	[dreg:$0x3] =	wrdreg $0xC0000  }
0xb0: {  	[dreg:$0x4] =	wrdreg $0x9  }
0xb1: {  	_ =	task.clear_ibuf [dreg:s6], $0x5FFFF;
	_ =	strace $0x9000004F  }
0xb2: {  	s29 =	simm.s32 $0x9;
	_ =	strace $0x80000051  }
0xb3: {  	_ =	swait.ge [sflag:s29], $0x1  }
0xb4: {  	[sflag:s29] =	ssyncadd.s32 $0xFFFFFFFF  }
0xb5: {  	_ =	strace $0x90000051  }
0xb6: {  	_ =	sfence  }
0xb7: {  	s30 =	sld [smem:$0x0];
	_ =	sdelay $0x2  }
0xb8: {  	s31 =	sshll.u32 s1, $0xD;
	s1 =	sshrl.u32 s1, $0x2  }
0xb9: {  	s3 =	sand.u32 $0x4000, s31;
	s1 =	sadd.s32 s1, s30  }
0xba: {  	s0 =	sor.u32 s3, s0;
	s1 =	sshll.u32 s1, $0x11  }
0xbb: {  	s0 =	sor.u32 s1, s0  }
0xbc: {  	s0 =	sadd.s32 $0x8F2B, s0  }
0xbd: {  	[sflag:s0] =	ssyncadd.remote.s32 $0x1  }
0xbe: {  	_ =	sfence.sel $0xFFFF  }
0xbf: {  	[dreg:$0x0] =	wrdreg $0xFFFFFFFF;
	(pc) =	sbr.abs _section_cstart, $3  }
0xc0: {  	[dreg:$0x1] =	wrdreg $0xFFFFFFFF  }
0xc1: {  	_ =	task.clear_ibuf [dreg:s6], $0x2FFFF;
	_ =	strace $0x9FFFFFFF  }
0xc2: {  	(tm) =	ssettm $0x7FFFFFFF  }
0xc3: {  	_ =	shalt  }
tec
execute0_lowered:
.L_overlay_start_1:
0x0: {  	(tag) =	ssettag $0x1  }
0x1: {  	s4 =	rddreg [dreg:$0x0]  }
0x2: {  	s2 =	rddreg [dreg:$0x1]  }
0x3: {  	s0 =	rddreg [dreg:$0x2]  }
0x4: {  	s5 =	srdreg.scid;
	s3 =	simm.s32 $0x0;
	s1 =	stileid.u32  }
0x5: {  	s16 =	simm.s32 $0x2000;
	s17 =	simm.s32 $0x4800;
	s18 =	simm.s32 $0x7000  }
0x6: {  	s19 =	simm.s32 $0x9800;
	s20 =	simm.s32 $0x1;
	s21 =	simm.s32 $0x50  }
0x7: {  	s22 =	simm.s32 $0x80;
	s23 =	simm.s32 $0x100;
	s7 =	smul.u32 $0x14000, s1  }
0x8: {  	s8 =	sand.u32 $0x1, s5;
	[smem:$0x7FF] =	sst s3;
	s11 =	smul.u32 $0x50000, s1  }
0x9: {  	s24 =	sshll.u32 s1, $0x1;
	s10 =	sadd.s32 $0x7FA200, s4;
	s15 =	smul.u32 $0x28000, s1  }
0xa: {  	s28 =	sshll.u32 s1, $0x6;
	s6 =	smul.u32 $0x140000, s8;
	_ =	strace $0x80000050  }
0xb: {  	s5 =	sor.u32 s8, s24;
	s25 =	ssub.s32 $0x2, s8;
	s30 =	smul.u32 $0x14000, s8  }
0xc: {  	s24 =	simm.s32 $0x180;
	s9 =	sshll.u32 s5, $0xA;
	s12 =	sshrl.u32 s25, $0x1  }
0xd: {  	s26 =	sshrl.u32 s11, $0x2;
	s29 =	smul.u32 $0x14000, s5;
	s5 =	sor.u32 $0x1C03, s28  }
0xe: {  	s31 =	sadd.s32 s15, s10;
	s15 =	simm.s32 $0x3;
	s6 =	sadd.s32 s7, s6  }
0xf: {  	s9 =	sadd.s32 s9, s4;
	s12 =	ssub.s32 s25, s12;
	s14 =	sadd.s32 s26, s2  }
0x10: {  	s25 =	simm.s32 $0x2;
	s26 =	simm.s32 $0x0;
	s6 =	sshrl.u32 s6, $0x3  }
0x11: {  	s8 =	smax.u32 s12, $0x1;
	s14 =	sshrl.u32 s14, $0x3;
	s13 =	sadd.s32 s6, s4  }
0x12: {  	s6 =	sadd.s32 $0x3200, s9;
	s9 =	sadd.s32 s10, s29;
	s4 =	sadd.s32 $0x60200, s13  }
0x13: {  	s7 =	sadd.s32 $0xB200, s13;
	s10 =	sadd.s32 $0x500, s9;
	s13 =	sadd.s32 s30, s31  }
0x14: {  	s11 =	sadd.s32 $0xA00, s9;
	s12 =	sadd.s32 $0xF00, s9;
	s13 =	sadd.s32 $0x1400, s13  }
.LBB2_1:
0x15: {  	[spmem:s14], [sflag:s5] =	dma.local [hbm:s4], $0x2800  }
0x16: {  	_ =	swait.ge [sflag:s15], $0x2800  }
0x17: {  	[sflag:s15] =	ssyncset.done $0x0  }
0x18: {  	[sflag:s15] =	ssyncadd.s32 $0xFFFFD800  }
0x19: {  	[tilespmem:s3], [sflag:$0x3] =	stream.linear.gather [hbm4b:s6+s3], $0x2000, $0x38;
	v63 =	vld [tilespmem:$0x0]  }
0x1a: {  	_ =	swait.ge [sflag:s15], $0x2000  }
0x1b: {  	[sflag:s15] =	ssyncset.done $0x0  }
0x1c: {  	[sflag:s15] =	ssyncadd.s32 $0xFFFFE000  }
0x1d: {  	[bflag:$0x0] =	sbarrier.arrive $0xFFFF  }
0x1e: {  	[tilespmem:s16], [sflag:$0x1] =	stream.linear.gather [hbm4b:s9+s3], $0x2800, $0x38;
	v63 =	vld [tilespmem:$0x0]  }
0x1f: {  	_ = 	snop  }
0x20: {  	[tilespmem:s17], [sflag:$0x1] =	stream.linear.gather [hbm4b:s10+s3], $0x2800, $0x38;
	v63 =	vld [tilespmem:$0x0]  }
0x21: {  	_ = 	snop  }
0x22: {  	[tilespmem:s18], [sflag:$0x1] =	stream.linear.gather [hbm4b:s11+s3], $0x2800, $0x38;
	v63 =	vld [tilespmem:$0x0]  }
0x23: {  	_ = 	snop  }
0x24: {  	[tilespmem:s19], [sflag:$0x1] =	stream.linear.gather [hbm4b:s12+s3], $0x2800, $0x38;
	v63 =	vld [tilespmem:$0x0]  }
0x25: {  	_ =	swait.ge [sflag:s20], $0x2800  }
0x26: {  	[sflag:s20] =	ssyncset.done $0x0  }
0x27: {  	[sflag:s20] =	ssyncadd.s32 $0xFFFFD800  }
0x28: {  	_ =	swait.ge [sflag:s20], $0x2800  }
0x29: {  	[sflag:s20] =	ssyncset.done $0x0  }
0x2a: {  	[sflag:s20] =	ssyncadd.s32 $0xFFFFD800  }
0x2b: {  	_ =	swait.ge [sflag:s20], $0x2800  }
0x2c: {  	[sflag:s20] =	ssyncset.done $0x0  }
0x2d: {  	[sflag:s20] =	ssyncadd.s32 $0xFFFFD800  }
0x2e: {  	_ =	swait.ge [sflag:s20], $0x2800  }
0x2f: {  	[sflag:s20] =	ssyncset.done $0x0  }
0x30: {  	[sflag:s20] =	ssyncadd.s32 $0xFFFFD800  }
0x31: {  	[spmem:s2] =	stream.indirect.scatter.add.f32 [tilespmem:s16], [sflag:$0x2], $0x80, s3, s21, $0xb8;
	v63 =	vld [tilespmem:$0x0]  }
0x32: {  	_ = 	snop  }
0x33: {  	[spmem:s2] =	stream.indirect.scatter.add.f32 [tilespmem:s17], [sflag:$0x2], $0x80, s22, s21, $0xb8;
	v63 =	vld [tilespmem:$0x0]  }
0x34: {  	_ = 	snop  }
0x35: {  	[spmem:s2] =	stream.indirect.scatter.add.f32 [tilespmem:s18], [sflag:$0x2], $0x80, s23, s21, $0xb8;
	v63 =	vld [tilespmem:$0x0]  }
0x36: {  	_ = 	snop  }
0x37: {  	[spmem:s2] =	stream.indirect.scatter.add.f32 [tilespmem:s19], [sflag:$0x2], $0x80, s24, s21, $0xb8;
	v63 =	vld [tilespmem:$0x0]  }
0x38: {  	_ =	swait.ge [sflag:s25], $0x2800  }
0x39: {  	[sflag:s25] =	ssyncset.done $0x0  }
0x3a: {  	[sflag:s25] =	ssyncadd.s32 $0xFFFFD800  }
0x3b: {  	_ =	swait.ge [sflag:s25], $0x2800  }
0x3c: {  	[sflag:s25] =	ssyncset.done $0x0  }
0x3d: {  	[sflag:s25] =	ssyncadd.s32 $0xFFFFD800  }
0x3e: {  	_ =	swait.ge [sflag:s25], $0x2800  }
0x3f: {  	[sflag:s25] =	ssyncset.done $0x0  }
0x40: {  	[sflag:s25] =	ssyncadd.s32 $0xFFFFD800  }
0x41: {  	_ =	swait.ge [sflag:s25], $0x2800  }
0x42: {  	[sflag:s25] =	ssyncset.done $0x0  }
0x43: {  	[sflag:s25] =	ssyncadd.s32 $0xFFFFD800  }
0x44: {  	[tilespmem:s16], [sflag:$0x1] =	stream.linear.gather [hbm4b:s13+s3], $0x2800, $0x38;
	v63 =	vld [tilespmem:$0x0]  }
0x45: {  	s28 =	sadd.s32 $0x500, s13  }
0x46: {  	[tilespmem:s17], [sflag:$0x1] =	stream.linear.gather [hbm4b:s28+s3], $0x2800, $0x38;
	v63 =	vld [tilespmem:$0x0]  }
0x47: {  	s28 =	sadd.s32 $0xA00, s13  }
0x48: {  	[tilespmem:s18], [sflag:$0x1] =	stream.linear.gather [hbm4b:s28+s3], $0x2800, $0x38;
	v63 =	vld [tilespmem:$0x0]  }
0x49: {  	s28 =	sadd.s32 $0xF00, s13  }
0x4a: {  	[tilespmem:s19], [sflag:$0x1] =	stream.linear.gather [hbm4b:s28+s3], $0x2800, $0x38;
	v63 =	vld [tilespmem:$0x0]  }
0x4b: {  	_ =	swait.ge [sflag:s20], $0x2800  }
0x4c: {  	[sflag:s20] =	ssyncset.done $0x0  }
0x4d: {  	[sflag:s20] =	ssyncadd.s32 $0xFFFFD800  }
0x4e: {  	_ =	swait.ge [sflag:s20], $0x2800  }
0x4f: {  	[sflag:s20] =	ssyncset.done $0x0  }
0x50: {  	[sflag:s20] =	ssyncadd.s32 $0xFFFFD800  }
0x51: {  	_ =	swait.ge [sflag:s20], $0x2800  }
0x52: {  	[sflag:s20] =	ssyncset.done $0x0  }
0x53: {  	[sflag:s20] =	ssyncadd.s32 $0xFFFFD800  }
0x54: {  	_ =	swait.ge [sflag:s20], $0x2800  }
0x55: {  	[sflag:s20] =	ssyncset.done $0x0  }
0x56: {  	s28 =	simm.s32 $0x200;
	[sflag:s20] =	ssyncadd.s32 $0xFFFFD800  }
0x57: {  	[spmem:s2] =	stream.indirect.scatter.add.f32 [tilespmem:s16], [sflag:$0x2], $0x80, s28, s21, $0xb8;
	v63 =	vld [tilespmem:$0x0]  }
0x58: {  	s28 =	simm.s32 $0x280  }
0x59: {  	[spmem:s2] =	stream.indirect.scatter.add.f32 [tilespmem:s17], [sflag:$0x2], $0x80, s28, s21, $0xb8;
	v63 =	vld [tilespmem:$0x0]  }
0x5a: {  	s28 =	simm.s32 $0x300  }
0x5b: {  	[spmem:s2] =	stream.indirect.scatter.add.f32 [tilespmem:s18], [sflag:$0x2], $0x80, s28, s21, $0xb8;
	v63 =	vld [tilespmem:$0x0]  }
0x5c: {  	s30 =	simm.s32 $0x380;
	s29 =	sadd.s32 $0x1400, s13;
	s28 =	simm.s32 $0x800  }
.LBB2_2:
0x5d: {  	[spmem:s2] =	stream.indirect.scatter.add.f32 [tilespmem:s19], [sflag:$0x2], $0x80, s30, s21, $0xb8;
	v63 =	vld [tilespmem:$0x0]  }
0x5e: {  	s30 =	smov.u32 s28  }
0x5f: {  	p0 =	sne.s32 s28, $0x7000;
	s28 =	sadd.s32 $0x800, s28;
	_ =	swait.ge [sflag:s25], $0x2800  }
0x60: {  	[sflag:s25] =	ssyncset.done $0x0  }
0x61: {  	[sflag:s25] =	ssyncadd.s32 $0xFFFFD800  }
0x62: {  	_ =	swait.ge [sflag:s25], $0x2800  }
0x63: {  	[sflag:s25] =	ssyncset.done $0x0  }
0x64: {  	[sflag:s25] =	ssyncadd.s32 $0xFFFFD800  }
0x65: {  	_ =	swait.ge [sflag:s25], $0x2800  }
0x66: {  	[sflag:s25] =	ssyncset.done $0x0  }
0x67: {  	[sflag:s25] =	ssyncadd.s32 $0xFFFFD800  }
0x68: {  	_ =	swait.ge [sflag:s25], $0x2800  }
0x69: {  	[sflag:s25] =	ssyncset.done $0x0  }
0x6a: {  	[sflag:s25] =	ssyncadd.s32 $0xFFFFD800  }
0x6b: {  	[tilespmem:s16], [sflag:$0x1] =	stream.linear.gather [hbm4b:s29+s3], $0x2800, $0x38;
	v63 =	vld [tilespmem:$0x0]  }
0x6c: {  	s31 =	sadd.s32 $0x500, s29  }
0x6d: {  	[tilespmem:s17], [sflag:$0x1] =	stream.linear.gather [hbm4b:s31+s3], $0x2800, $0x38;
	v63 =	vld [tilespmem:$0x0]  }
0x6e: {  	s31 =	sadd.s32 $0xA00, s29  }
0x6f: {  	[tilespmem:s18], [sflag:$0x1] =	stream.linear.gather [hbm4b:s31+s3], $0x2800, $0x38;
	v63 =	vld [tilespmem:$0x0]  }
0x70: {  	s31 =	sadd.s32 $0xF00, s29  }
0x71: {  	[tilespmem:s19], [sflag:$0x1] =	stream.linear.gather [hbm4b:s31+s3], $0x2800, $0x38;
	v63 =	vld [tilespmem:$0x0]  }
0x72: {  	_ =	swait.ge [sflag:s20], $0x2800  }
0x73: {  	[sflag:s20] =	ssyncset.done $0x0  }
0x74: {  	[sflag:s20] =	ssyncadd.s32 $0xFFFFD800  }
0x75: {  	_ =	swait.ge [sflag:s20], $0x2800  }
0x76: {  	[sflag:s20] =	ssyncset.done $0x0  }
0x77: {  	[sflag:s20] =	ssyncadd.s32 $0xFFFFD800  }
0x78: {  	_ =	swait.ge [sflag:s20], $0x2800  }
0x79: {  	[sflag:s20] =	ssyncset.done $0x0  }
0x7a: {  	[sflag:s20] =	ssyncadd.s32 $0xFFFFD800  }
0x7b: {  	_ =	swait.ge [sflag:s20], $0x2800  }
0x7c: {  	s30 =	sshra.s32 s30, $0x2;
	[sflag:s20] =	ssyncset.done $0x0  }
0x7d: {  	s31 =	sadd.s32 $0x200, s30;
	[sflag:s20] =	ssyncadd.s32 $0xFFFFD800  }
0x7e: {  	[spmem:s2] =	stream.indirect.scatter.add.f32 [tilespmem:s16], [sflag:$0x2], $0x80, s31, s21, $0xb8;
	v63 =	vld [tilespmem:$0x0]  }
.Ltmp0:
0x7f: {  	s31 =	sadd.s32 $0x280, s30;
	(pc) =	sbr.rel @p0 .LBB2_2-.Ltmp0, $4  }
0x80: {  	[spmem:s2] =	stream.indirect.scatter.add.f32 [tilespmem:s17], [sflag:$0x2], $0x80, s31, s21, $0xb8;
	v63 =	vld [tilespmem:$0x0]  }
0x81: {  	s31 =	sadd.s32 $0x300, s30  }
0x82: {  	[spmem:s2] =	stream.indirect.scatter.add.f32 [tilespmem:s18], [sflag:$0x2], $0x80, s31, s21, $0xb8;
	v63 =	vld [tilespmem:$0x0]  }
0x83: {  	s29 =	sadd.s32 $0x1400, s29;
	s30 =	sadd.s32 $0x380, s30  }
0x84: {  	[spmem:s2] =	stream.indirect.scatter.add.f32 [tilespmem:s19], [sflag:$0x2], $0x80, s30, s21, $0xb8;
	v63 =	vld [tilespmem:$0x0]  }
0x85: {  	_ =	swait.ge [sflag:s25], $0x2800  }
0x86: {  	[sflag:s25] =	ssyncset.done $0x0  }
0x87: {  	[sflag:s25] =	ssyncadd.s32 $0xFFFFD800  }
0x88: {  	_ =	swait.ge [sflag:s25], $0x2800  }
0x89: {  	[sflag:s25] =	ssyncset.done $0x0  }
0x8a: {  	[sflag:s25] =	ssyncadd.s32 $0xFFFFD800  }
0x8b: {  	_ =	swait.ge [sflag:s25], $0x2800  }
0x8c: {  	[sflag:s25] =	ssyncset.done $0x0  }
0x8d: {  	[sflag:s25] =	ssyncadd.s32 $0xFFFFD800  }
0x8e: {  	_ =	swait.ge [sflag:s25], $0x2800  }
0x8f: {  	s26 =	sadd.s32 $0x1, s26;
	[sflag:s25] =	ssyncset.done $0x0  }
0x90: {  	p0 =	sne.s32 s26, s8;
	[sflag:s25] =	ssyncadd.s32 $0xFFFFD800  }
.Ltmp1:
0x91: {  	[bflag:$0x0] =	sbarrier.arrive $0xFFFF;
	(pc) =	sbr.rel @p0 .LBB2_1-.Ltmp1, $4  }
0x92: {  	[hbm:s7], [sflag:s5] =	dma.local [spmem:s14], $0x2800  }
0x93: {  	_ =	swait.ge [sflag:s15], $0x2800  }
0x94: {  	[sflag:s15] =	ssyncset.done $0x0  }
0x95: {  	[sflag:s15] =	ssyncadd.s32 $0xFFFFD800  }
0x96: {  	_ =	sfence.sel $0x180000  }
0x97: {  	[bflag:$0x0] =	sbarrier.arrive $0xFFFF  }
0x98: {  	p0 =	sne.s32 s1, $0x0;
	_ =	strace $0x90000050  }
0x99: {  	s0 =	sadd.s32 @!p0 $0x100000, s0;
	[bflag:$0x2] =	sbarrier.arrive $0xFFFF  }
0x9a: {  	[sflag:s0] =	ssyncadd.tile.s32 @!p0 $0x1;
	_ =	shalt  }
.Lfunc_end2:
_tile_overlayer_lowered:
.L_overlay_start_2:
0x9b: {  	(tag) =	ssettag $0x2  }
0x9c: {  	s0 =	rddreg [dreg:$0x0];
	s2 =	stileid.u32  }
0x9d: {  	s1 =	rddreg [dreg:$0x1];
	p0 =	sne.s32 s2, $0x0  }
0x9e: {  	s3 =	rddreg [dreg:$0x2];
	[bflag:$0x3] =	sbarrier.arrive $0xFFFF;
	s2 =	simm.s32 @!p0 $0x1C03  }
0x9f: {  	[timem:s3], [sflag:s2] =	dma.local @!p0 [hbm:s0], s1  }
0xa0: {  	s0 =	simm.s32 @!p0 $0x3  }
0xa1: {  	_ =	swait.ge @!p0 [sflag:s0], s1  }
0xa2: {  	s1 =	ssub.s32 @!p0 $0x0, s1;
	[sflag:s0] =	ssyncset.done @!p0 $0x0  }
0xa3: {  	[sflag:s0] =	ssyncadd.s32 @!p0 s1  }
0xa4: {  	[bflag:$0x3] =	sbarrier.arrive $0xFFFF  }
0xa5: {  	_ =	shalt  }

</sc_bundles>
